<compile_context>
chip_gen: v7x
topology: tpu7x:2x2x1
jax: 0.10.2.dev20260603
libtpu: 0.0.44.dev20260713+nightly
codegen_flags: <defaults>
</compile_context>

<pallas_src>
import functools

import jax
import jax.numpy as jnp
from jax import lax
from jax.experimental import pallas as pl
from jax.experimental.pallas import tpu as pltpu
from jax.experimental.pallas import tpu_sc as plsc

_B = 16384
_S = 50
_D = 64
_NW = 32
_RPW = _B // _NW
_R = 16
_NCHUNK = _RPW // _R
_RS = _R * _S


@functools.partial(
    pl.kernel,
    mesh=plsc.VectorSubcoreMesh(core_axis_name="c", subcore_axis_name="s"),
    out_type=jax.ShapeDtypeStruct((_B, _D), jnp.float32),
    compiler_params=pltpu.CompilerParams(use_tc_tiling_on_sc=False),
    scratch_types=[
        pltpu.VMEM((_RS,), jnp.int32),
        pltpu.VMEM((_RS,), jnp.int32),
        pltpu.VMEM((_RS, _D), jnp.float32),
        pltpu.VMEM((_RS, _D), jnp.float32),
        pltpu.VMEM((_R, _D), jnp.float32),
        pltpu.VMEM((_R, _D), jnp.float32),
        pltpu.SemaphoreType.DMA,
        pltpu.SemaphoreType.DMA,
        pltpu.SemaphoreType.DMA,
        pltpu.SemaphoreType.DMA,
        pltpu.SemaphoreType.DMA,
        pltpu.SemaphoreType.DMA,
    ],
)
def _pool_kernel(idsm, table, out, idx0, idx1, rows0, rows1, outb0, outb1,
                 semi0, semi1, semg0, semg1, semo0, semo1):
    cid = lax.axis_index("c")
    sid = lax.axis_index("s")
    wid = sid * 2 + cid
    wbase = wid * _RPW

    ones = jnp.ones((16,), jnp.float32)
    zeros = jnp.zeros((16,), jnp.float32)

    def idx_cp(ci, idxref, sem):
        return pltpu.make_async_copy(
            idsm.at[pl.ds((wbase + ci * _R) * _S, _RS)], idxref, sem)

    def gather(idxref, rowsref, sem):
        return pltpu.make_async_copy(table.at[idxref], rowsref, sem)

    def out_cp(ci, outref, sem):
        return pltpu.make_async_copy(
            outref, out.at[pl.ds(wbase + ci * _R, _R)], sem)

    def count(idxref):
        def cnt_body(l, cv):
            return cv + jnp.where(idxref[pl.ds(l * 16, 16)] != 0, ones, zeros)

        cntv = lax.fori_loop(0, _S, cnt_body, zeros)
        return jnp.maximum(cntv, 1.0)

    def process(ci, denv, rowsref, outref, semo):
        for g in range(_R // 4):
            @plsc.parallel_loop(0, _S, carry=(zeros,) * 16)
            def acc_body(l, accs, g=g):
                res = []
                for rr in range(4):
                    o = l * _R + g * 4 + rr
                    for c in range(4):
                        res.append(accs[rr * 4 + c]
                                   + rowsref[o, pl.ds(c * 16, 16)])
                return tuple(res)

            accs = acc_body
            for rr in range(4):
                r = g * 4 + rr
                denom = lax.gather(
                    denv, jnp.full((16, 1), r, jnp.int32),
                    lax.GatherDimensionNumbers(
                        offset_dims=(), collapsed_slice_dims=(0,),
                        start_index_map=(0,)),
                    (1,), mode=lax.GatherScatterMode.PROMISE_IN_BOUNDS)
                for c in range(4):
                    outref[r, pl.ds(c * 16, 16)] = accs[rr * 4 + c] / denom

        out_cp(ci, outref, semo).start()

    idx_cp(0, idx0, semi0).start()
    idx_cp(1, idx1, semi1).start()
    idx_cp(0, idx0, semi0).wait()
    gather(idx0, rows0, semg0).start()

    def outer(i, carry):
        c0 = 2 * i
        c1 = 2 * i + 1
        cn0 = jnp.minimum(c0 + 2, _NCHUNK - 1)
        cn1 = jnp.minimum(c1 + 2, _NCHUNK - 1)

        idx_cp(c1, idx1, semi1).wait()
        gather(idx1, rows1, semg1).start()
        gather(idx0, rows0, semg0).wait()
        denv0 = count(idx0)
        idx_cp(cn0, idx0, semi0).start()
        @pl.when(i > 0)
        def _():
            out_cp(c0 - 2, outb0, semo0).wait()
        process(c0, denv0, rows0, outb0, semo0)

        idx_cp(cn0, idx0, semi0).wait()
        @pl.when(c0 + 2 < _NCHUNK)
        def _():
            gather(idx0, rows0, semg0).start()
        gather(idx1, rows1, semg1).wait()
        denv1 = count(idx1)
        idx_cp(cn1, idx1, semi1).start()
        @pl.when(i > 0)
        def _():
            out_cp(c1 - 2, outb1, semo1).wait()
        process(c1, denv1, rows1, outb1, semo1)
        return carry

    lax.fori_loop(0, _NCHUNK // 2, outer, 0)
    idx_cp(_NCHUNK - 1, idx1, semi1).wait()
    out_cp(_NCHUNK - 2, outb0, semo0).wait()
    out_cp(_NCHUNK - 1, outb1, semo1).wait()


def kernel(text_ids, table):
    ids_lm = (text_ids.reshape(_B // _R, _R, _S)
              .transpose(0, 2, 1)
              .reshape(-1))
    return _pool_kernel(ids_lm, table)

# --- scband reference (transcript-rebuilt; emitter-appended) ---
"""Pipeline reference for scband-text-encoder-11038065951299 (READ-ONLY COPY).

The authoritative reference and input builder live on the scoring server;
editing this copy changes nothing except your own understanding.
"""

import jax, jax.numpy as jnp
import numpy as np

VOCAB = 1000000
EMBED_DIM = 64
BATCH = 16384
SEQ = 50


def setup_inputs(seed: int = 0) -> dict:
    key = jax.random.key(seed)
    k1, k2 = jax.random.split(key)
    text_ids = jax.random.randint(k1, (BATCH, SEQ), 0, VOCAB, dtype=jnp.int32)
    table = jax.random.normal(k2, (VOCAB, EMBED_DIM), dtype=jnp.float32)
    # padding_idx=0: torch zeroes that row at init
    table = table.at[0].set(0.0)
    return {"text_ids": text_ids, "table": table}


def reference(text_ids, table):
    # embedding lookup (gather)
    embeddings = jnp.take(table, text_ids, axis=0)  # [B, L, D]
    mask = (text_ids != 0).astype(jnp.float32)[..., None]  # [B, L, 1]
    masked_embeddings = embeddings * mask
    lengths = jnp.clip(jnp.sum(mask, axis=1, keepdims=True), 1.0, None)  # [B, 1, 1]
    pooled = jnp.sum(masked_embeddings, axis=1) / jnp.squeeze(lengths, -1)  # [B, D] / [B, 1]
    return pooled

if __name__ == "__main__":
    import jax
    _d = setup_inputs()
    print(jax.jit(kernel)(*tuple(_d.values())))

</pallas_src>

<mosaic_0001>
#map = affine_map<(d0, d1) -> (0)>
#map1 = affine_map<(d0, d1) -> (0, 0)>
module attributes {stable_mosaic.version = 14 : i64} {
  func.func @_pool_kernel(%arg0: i32, %arg1: i32, %arg2: memref<819200xi32, #tpu.memory_space<hbm>>, %arg3: memref<1000000x64xf32, #tpu.memory_space<hbm>>, %arg4: memref<16384x64xf32, #tpu.memory_space<hbm>>, %arg5: memref<800xi32, #tpu.memory_space<vmem>>, %arg6: memref<800xi32, #tpu.memory_space<vmem>>, %arg7: memref<800x64xf32, #tpu.memory_space<vmem>>, %arg8: memref<800x64xf32, #tpu.memory_space<vmem>>, %arg9: memref<16x64xf32, #tpu.memory_space<vmem>>, %arg10: memref<16x64xf32, #tpu.memory_space<vmem>>, %arg11: memref<!tpu.dma_semaphore, #tpu.memory_space<semaphore_mem>>, %arg12: memref<!tpu.dma_semaphore, #tpu.memory_space<semaphore_mem>>, %arg13: memref<!tpu.dma_semaphore, #tpu.memory_space<semaphore_mem>>, %arg14: memref<!tpu.dma_semaphore, #tpu.memory_space<semaphore_mem>>, %arg15: memref<!tpu.dma_semaphore, #tpu.memory_space<semaphore_mem>>, %arg16: memref<!tpu.dma_semaphore, #tpu.memory_space<semaphore_mem>>) attributes {dimension_semantics = [#tpu.dimension_semantics<core_parallel>, #tpu.dimension_semantics<subcore_parallel>], iteration_bounds = array<i64: 2, 16>, scalar_prefetch = 0 : i64, scratch_operands = 12 : i64, tpu.core_type = #tpu.core_type<sc_vector_subcore>, window_params = [{transform_indices = #map}, {transform_indices = #map1}, {transform_indices = #map1}]} {
    %mul3A = arith.constant 2 : i32
    %mul3A_0 = arith.muli %arg1, %mul3A : i32
    %add3A = arith.addi %mul3A_0, %arg0 : i32
    %mul3A_1 = arith.constant 512 : i32
    %mul3A_2 = arith.muli %add3A, %mul3A_1 : i32
    %broadcast_in_dim3A = arith.constant 1.000000e+00 : f32
    %broadcast_in_dim3A_3 = vector.broadcast %broadcast_in_dim3A : f32 to vector<16xf32>
    %broadcast_in_dim3A_4 = arith.constant 0.000000e+00 : f32
    %broadcast_in_dim3A_5 = vector.broadcast %broadcast_in_dim3A_4 : f32 to vector<16xf32>
    %add3A_6 = arith.constant 0 : i32
    %add3A_7 = arith.addi %mul3A_2, %add3A_6 : i32
    %mul3A_8 = arith.constant 50 : i32
    %mul3A_9 = arith.muli %add3A_7, %mul3A_8 : i32
    %dma_start3A = tpu.memref_slice %arg2[%mul3A_9] : memref<819200xi32, #tpu.memory_space<hbm>> -> memref<800xi32, #tpu.memory_space<hbm>>
    %dma_start3A_10 = tpu.memref_slice %arg2[%mul3A_9] : memref<819200xi32, #tpu.memory_space<hbm>> -> memref<800xi32, #tpu.memory_space<hbm>>
    tpu.enqueue_dma source(%dma_start3A_10 : memref<800xi32, #tpu.memory_space<hbm>>) target(%arg5 : memref<800xi32, #tpu.memory_space<vmem>>) target_semaphore(%arg11 : memref<!tpu.dma_semaphore, #tpu.memory_space<semaphore_mem>>)
    %add3A_11 = arith.constant 16 : i32
    %add3A_12 = arith.addi %mul3A_2, %add3A_11 : i32
    %mul3A_13 = arith.constant 50 : i32
    %mul3A_14 = arith.muli %add3A_12, %mul3A_13 : i32
    %dma_start3A_15 = tpu.memref_slice %arg2[%mul3A_14] : memref<819200xi32, #tpu.memory_space<hbm>> -> memref<800xi32, #tpu.memory_space<hbm>>
    %dma_start3A_16 = tpu.memref_slice %arg2[%mul3A_14] : memref<819200xi32, #tpu.memory_space<hbm>> -> memref<800xi32, #tpu.memory_space<hbm>>
    tpu.enqueue_dma source(%dma_start3A_16 : memref<800xi32, #tpu.memory_space<hbm>>) target(%arg6 : memref<800xi32, #tpu.memory_space<vmem>>) target_semaphore(%arg12 : memref<!tpu.dma_semaphore, #tpu.memory_space<semaphore_mem>>)
    %add3A_17 = arith.constant 0 : i32
    %add3A_18 = arith.addi %mul3A_2, %add3A_17 : i32
    %mul3A_19 = arith.constant 50 : i32
    %mul3A_20 = arith.muli %add3A_18, %mul3A_19 : i32
    %dma_wait3A = tpu.memref_slice %arg2[%mul3A_20] : memref<819200xi32, #tpu.memory_space<hbm>> -> memref<800xi32, #tpu.memory_space<hbm>>
    %dma_wait3A_21 = tpu.memref_slice %arg2[%mul3A_20] : memref<819200xi32, #tpu.memory_space<hbm>> -> memref<800xi32, #tpu.memory_space<hbm>>
    tpu.wait_dma2 semaphore(%arg11 : memref<!tpu.dma_semaphore, #tpu.memory_space<semaphore_mem>>) src(%dma_wait3A_21 : memref<800xi32, #tpu.memory_space<hbm>>) dst(%arg5 : memref<800xi32, #tpu.memory_space<vmem>>)
    %dma_start3A_22 = arith.constant 0 : i32
    %dma_start3A_23 = arith.constant 0 : i32
    %dma_start3A_24 = tpu.memref_slice %arg3[%dma_start3A_22, %dma_start3A_23] : memref<1000000x64xf32, #tpu.memory_space<hbm>> -> memref<1000000x64xf32, #tpu.memory_space<hbm>>
    tpu.enqueue_indirect_dma source(%dma_start3A_24 : memref<1000000x64xf32, #tpu.memory_space<hbm>>) target(%arg7 : memref<800x64xf32, #tpu.memory_space<vmem>>) offsets(%arg5 : memref<800xi32, #tpu.memory_space<vmem>>) semaphore(%arg13 : memref<!tpu.dma_semaphore, #tpu.memory_space<semaphore_mem>>)
    %scan3A = arith.constant 0 : i32
    %scan3A_25 = arith.constant 0 : i32
    %scan3A_26 = arith.constant 16 : i32
    %scan3A_27 = arith.addi %scan3A_25, %scan3A_26 : i32
    %scan3A_28 = arith.constant 1 : i32
    scf.for %scan3A_48 = %scan3A_25 to %scan3A_27 step %scan3A_28  : i32 {
      %mul3A_49 = arith.constant 2 : i32
      %mul3A_50 = arith.muli %mul3A_49, %scan3A_48 : i32
      %mul3A_51 = arith.constant 2 : i32
      %mul3A_52 = arith.muli %mul3A_51, %scan3A_48 : i32
      %add3A_53 = arith.constant 1 : i32
      %add3A_54 = arith.addi %mul3A_52, %add3A_53 : i32
      %add3A_55 = arith.constant 2 : i32
      %add3A_56 = arith.addi %mul3A_50, %add3A_55 : i32
      %min3A = arith.constant 31 : i32
      %min3A_57 = arith.minsi %add3A_56, %min3A : i32
      %add3A_58 = arith.constant 2 : i32
      %add3A_59 = arith.addi %add3A_54, %add3A_58 : i32
      %min3A_60 = arith.constant 31 : i32
      %min3A_61 = arith.minsi %add3A_59, %min3A_60 : i32
      %mul3A_62 = arith.constant 16 : i32
      %mul3A_63 = arith.muli %add3A_54, %mul3A_62 : i32
      %add3A_64 = arith.addi %mul3A_2, %mul3A_63 : i32
      %mul3A_65 = arith.constant 50 : i32
      %mul3A_66 = arith.muli %add3A_64, %mul3A_65 : i32
      %dma_wait3A_67 = tpu.memref_slice %arg2[%mul3A_66] : memref<819200xi32, #tpu.memory_space<hbm>> -> memref<800xi32, #tpu.memory_space<hbm>>
      %dma_wait3A_68 = tpu.memref_slice %arg2[%mul3A_66] : memref<819200xi32, #tpu.memory_space<hbm>> -> memref<800xi32, #tpu.memory_space<hbm>>
      tpu.wait_dma2 semaphore(%arg12 : memref<!tpu.dma_semaphore, #tpu.memory_space<semaphore_mem>>) src(%dma_wait3A_68 : memref<800xi32, #tpu.memory_space<hbm>>) dst(%arg6 : memref<800xi32, #tpu.memory_space<vmem>>)
      %dma_start3A_69 = arith.constant 0 : i32
      %dma_start3A_70 = arith.constant 0 : i32
      %dma_start3A_71 = tpu.memref_slice %arg3[%dma_start3A_69, %dma_start3A_70] : memref<1000000x64xf32, #tpu.memory_space<hbm>> -> memref<1000000x64xf32, #tpu.memory_space<hbm>>
      tpu.enqueue_indirect_dma source(%dma_start3A_71 : memref<1000000x64xf32, #tpu.memory_space<hbm>>) target(%arg8 : memref<800x64xf32, #tpu.memory_space<vmem>>) offsets(%arg6 : memref<800xi32, #tpu.memory_space<vmem>>) semaphore(%arg14 : memref<!tpu.dma_semaphore, #tpu.memory_space<semaphore_mem>>)
      %dma_wait3A_72 = arith.constant 0 : i32
      %dma_wait3A_73 = arith.constant 0 : i32
      %dma_wait3A_74 = tpu.memref_slice %arg3[%dma_wait3A_72, %dma_wait3A_73] : memref<1000000x64xf32, #tpu.memory_space<hbm>> -> memref<1000000x64xf32, #tpu.memory_space<hbm>>
      tpu.wait_indirect_dma semaphore(%arg13 : memref<!tpu.dma_semaphore, #tpu.memory_space<semaphore_mem>>) src(%dma_wait3A_74 : memref<1000000x64xf32, #tpu.memory_space<hbm>>) dst(%arg7 : memref<800x64xf32, #tpu.memory_space<vmem>>)
      %scan3A_75 = arith.constant 0 : i32
      %scan3A_76 = arith.constant 50 : i32
      %scan3A_77 = arith.addi %scan3A_75, %scan3A_76 : i32
      %scan3A_78 = arith.constant 1 : i32
      %scan3A_79 = scf.for %scan3A_1195 = %scan3A_75 to %scan3A_77 step %scan3A_78 iter_args(%scan3A_1196 = %broadcast_in_dim3A_5) -> (vector<16xf32>)  : i32 {
        %mul3A_1197 = arith.constant 16 : i32
        %mul3A_1198 = arith.muli %scan3A_1195, %mul3A_1197 : i32
        %get3A = arith.index_cast %mul3A_1198 : i32 to index
        %get3A_1199 = tpu.vector_load %arg5[%get3A] {strides = array<i32>} : memref<800xi32, #tpu.memory_space<vmem>>, vector<16xi32>,
        %get3A_1200 = vector.shape_cast %get3A_1199 : vector<16xi32> to vector<16xi32>
        %ne3A = arith.constant 0 : i32
        %ne3A_1201 = vector.broadcast %ne3A : i32 to vector<16xi32>
        %ne3A_1202 = arith.cmpi ne, %get3A_1200, %ne3A_1201 : vector<16xi32>
        %select_n3A = arith.select %ne3A_1202, %broadcast_in_dim3A_3, %broadcast_in_dim3A_5 : vector<16xi1>, vector<16xf32>
        %add3A_1203 = arith.addf %scan3A_1196, %select_n3A : vector<16xf32>
        scf.yield %add3A_1203 : vector<16xf32>
      }
      %scan3A_80 = arith.constant 50 : i32
      %max3A = arith.constant 1.000000e+00 : f32
      %max3A_81 = vector.broadcast %max3A : f32 to vector<16xf32>
      %max3A_82 = arith.maximumf %scan3A_79, %max3A_81 : vector<16xf32>
      %mul3A_83 = arith.constant 16 : i32
      %mul3A_84 = arith.muli %min3A_57, %mul3A_83 : i32
      %add3A_85 = arith.addi %mul3A_2, %mul3A_84 : i32
      %mul3A_86 = arith.constant 50 : i32
      %mul3A_87 = arith.muli %add3A_85, %mul3A_86 : i32
      %dma_start3A_88 = tpu.memref_slice %arg2[%mul3A_87] : memref<819200xi32, #tpu.memory_space<hbm>> -> memref<800xi32, #tpu.memory_space<hbm>>
      %dma_start3A_89 = tpu.memref_slice %arg2[%mul3A_87] : memref<819200xi32, #tpu.memory_space<hbm>> -> memref<800xi32, #tpu.memory_space<hbm>>
      tpu.enqueue_dma source(%dma_start3A_89 : memref<800xi32, #tpu.memory_space<hbm>>) target(%arg5 : memref<800xi32, #tpu.memory_space<vmem>>) target_semaphore(%arg11 : memref<!tpu.dma_semaphore, #tpu.memory_space<semaphore_mem>>)
      %gt3A = arith.constant 0 : i32
      %gt3A_90 = arith.cmpi sgt, %scan3A_48, %gt3A : i32
      %convert_element_type3A = arith.extui %gt3A_90 : i1 to i32
      %cond3A = arith.constant 0 : i32
      %cond3A_91 = arith.cmpi ne, %convert_element_type3A, %cond3A : i32
      scf.if %cond3A_91 {
        %sub3A = arith.constant 2 : i32
        %sub3A_1195 = arith.subi %mul3A_50, %sub3A : i32
        %mul3A_1196 = arith.constant 16 : i32
        %mul3A_1197 = arith.muli %sub3A_1195, %mul3A_1196 : i32
        %add3A_1198 = arith.addi %mul3A_2, %mul3A_1197 : i32
        %dma_wait3A_1199 = arith.constant 0 : i32
        %dma_wait3A_1200 = tpu.memref_slice %arg4[%add3A_1198, %dma_wait3A_1199] : memref<16384x64xf32, #tpu.memory_space<hbm>> -> memref<16x64xf32, #tpu.memory_space<hbm>>
        %dma_wait3A_1201 = arith.constant 0 : i32
        %dma_wait3A_1202 = tpu.memref_slice %arg4[%add3A_1198, %dma_wait3A_1201] : memref<16384x64xf32, #tpu.memory_space<hbm>> -> memref<16x64xf32, #tpu.memory_space<hbm>>
        tpu.wait_dma2 semaphore(%arg15 : memref<!tpu.dma_semaphore, #tpu.memory_space<semaphore_mem>>) src(%arg9 : memref<16x64xf32, #tpu.memory_space<vmem>>) dst(%dma_wait3A_1202 : memref<16x64xf32, #tpu.memory_space<hbm>>)
      } else {
      }
      %parallel_loop3A = arith.constant 0 : i32
      %parallel_loop3A_92 = arith.constant 50 : i32
      %parallel_loop3A_93 = arith.constant 1 : i32
      %parallel_loop3A_94:16 = scf.for %parallel_loop3A_1195 = %parallel_loop3A to %parallel_loop3A_92 step %parallel_loop3A_93 iter_args(%parallel_loop3A_1196 = %broadcast_in_dim3A_5, %parallel_loop3A_1197 = %broadcast_in_dim3A_5, %parallel_loop3A_1198 = %broadcast_in_dim3A_5, %parallel_loop3A_1199 = %broadcast_in_dim3A_5, %parallel_loop3A_1200 = %broadcast_in_dim3A_5, %parallel_loop3A_1201 = %broadcast_in_dim3A_5, %parallel_loop3A_1202 = %broadcast_in_dim3A_5, %parallel_loop3A_1203 = %broadcast_in_dim3A_5, %parallel_loop3A_1204 = %broadcast_in_dim3A_5, %parallel_loop3A_1205 = %broadcast_in_dim3A_5, %parallel_loop3A_1206 = %broadcast_in_dim3A_5, %parallel_loop3A_1207 = %broadcast_in_dim3A_5, %parallel_loop3A_1208 = %broadcast_in_dim3A_5, %parallel_loop3A_1209 = %broadcast_in_dim3A_5, %parallel_loop3A_1210 = %broadcast_in_dim3A_5, %parallel_loop3A_1211 = %broadcast_in_dim3A_5) -> (vector<16xf32>, vector<16xf32>, vector<16xf32>, vector<16xf32>, vector<16xf32>, vector<16xf32>, vector<16xf32>, vector<16xf32>, vector<16xf32>, vector<16xf32>, vector<16xf32>, vector<16xf32>, vector<16xf32>, vector<16xf32>, vector<16xf32>, vector<16xf32>)  : i32 {
        %parallel_loop3A_1212 = arith.constant 16 : i32
        %parallel_loop3A_1213 = arith.muli %parallel_loop3A_1195, %parallel_loop3A_1212 : i32
        %parallel_loop3A_1214 = arith.constant 0 : i32
        %parallel_loop3A_1215 = arith.addi %parallel_loop3A_1213, %parallel_loop3A_1214 : i32
        %parallel_loop3A_1216 = arith.constant 0 : i32
        %parallel_loop3A_1217 = arith.addi %parallel_loop3A_1215, %parallel_loop3A_1216 : i32
        %parallel_loop3A_1218 = arith.index_cast %parallel_loop3A_1217 : i32 to index
        %parallel_loop3A_1219 = arith.constant 0 : index
        %parallel_loop3A_1220 = tpu.vector_load %arg7[%parallel_loop3A_1218, %parallel_loop3A_1219] {strides = array<i32>} : memref<800x64xf32, #tpu.memory_space<vmem>>, vector<1x16xf32>,
        %parallel_loop3A_1221 = vector.shape_cast %parallel_loop3A_1220 : vector<1x16xf32> to vector<16xf32>
        %parallel_loop3A_1222 = arith.addf %parallel_loop3A_1196, %parallel_loop3A_1221 : vector<16xf32>
        %parallel_loop3A_1223 = arith.index_cast %parallel_loop3A_1217 : i32 to index
        %parallel_loop3A_1224 = arith.constant 16 : index
        %parallel_loop3A_1225 = tpu.vector_load %arg7[%parallel_loop3A_1223, %parallel_loop3A_1224] {strides = array<i32>} : memref<800x64xf32, #tpu.memory_space<vmem>>, vector<1x16xf32>,
        %parallel_loop3A_1226 = vector.shape_cast %parallel_loop3A_1225 : vector<1x16xf32> to vector<16xf32>
        %parallel_loop3A_1227 = arith.addf %parallel_loop3A_1197, %parallel_loop3A_1226 : vector<16xf32>
        %parallel_loop3A_1228 = arith.index_cast %parallel_loop3A_1217 : i32 to index
        %parallel_loop3A_1229 = arith.constant 32 : index
        %parallel_loop3A_1230 = tpu.vector_load %arg7[%parallel_loop3A_1228, %parallel_loop3A_1229] {strides = array<i32>} : memref<800x64xf32, #tpu.memory_space<vmem>>, vector<1x16xf32>,
        %parallel_loop3A_1231 = vector.shape_cast %parallel_loop3A_1230 : vector<1x16xf32> to vector<16xf32>
        %parallel_loop3A_1232 = arith.addf %parallel_loop3A_1198, %parallel_loop3A_1231 : vector<16xf32>
        %parallel_loop3A_1233 = arith.index_cast %parallel_loop3A_1217 : i32 to index
        %parallel_loop3A_1234 = arith.constant 48 : index
        %parallel_loop3A_1235 = tpu.vector_load %arg7[%parallel_loop3A_1233, %parallel_loop3A_1234] {strides = array<i32>} : memref<800x64xf32, #tpu.memory_space<vmem>>, vector<1x16xf32>,
        %parallel_loop3A_1236 = vector.shape_cast %parallel_loop3A_1235 : vector<1x16xf32> to vector<16xf32>
        %parallel_loop3A_1237 = arith.addf %parallel_loop3A_1199, %parallel_loop3A_1236 : vector<16xf32>
        %parallel_loop3A_1238 = arith.constant 16 : i32
        %parallel_loop3A_1239 = arith.muli %parallel_loop3A_1195, %parallel_loop3A_1238 : i32
        %parallel_loop3A_1240 = arith.constant 0 : i32
        %parallel_loop3A_1241 = arith.addi %parallel_loop3A_1239, %parallel_loop3A_1240 : i32
        %parallel_loop3A_1242 = arith.constant 1 : i32
        %parallel_loop3A_1243 = arith.addi %parallel_loop3A_1241, %parallel_loop3A_1242 : i32
        %parallel_loop3A_1244 = arith.index_cast %parallel_loop3A_1243 : i32 to index
        %parallel_loop3A_1245 = arith.constant 0 : index
        %parallel_loop3A_1246 = tpu.vector_load %arg7[%parallel_loop3A_1244, %parallel_loop3A_1245] {strides = array<i32>} : memref<800x64xf32, #tpu.memory_space<vmem>>, vector<1x16xf32>,
        %parallel_loop3A_1247 = vector.shape_cast %parallel_loop3A_1246 : vector<1x16xf32> to vector<16xf32>
        %parallel_loop3A_1248 = arith.addf %parallel_loop3A_1200, %parallel_loop3A_1247 : vector<16xf32>
        %parallel_loop3A_1249 = arith.index_cast %parallel_loop3A_1243 : i32 to index
        %parallel_loop3A_1250 = arith.constant 16 : index
        %parallel_loop3A_1251 = tpu.vector_load %arg7[%parallel_loop3A_1249, %parallel_loop3A_1250] {strides = array<i32>} : memref<800x64xf32, #tpu.memory_space<vmem>>, vector<1x16xf32>,
        %parallel_loop3A_1252 = vector.shape_cast %parallel_loop3A_1251 : vector<1x16xf32> to vector<16xf32>
        %parallel_loop3A_1253 = arith.addf %parallel_loop3A_1201, %parallel_loop3A_1252 : vector<16xf32>
        %parallel_loop3A_1254 = arith.index_cast %parallel_loop3A_1243 : i32 to index
        %parallel_loop3A_1255 = arith.constant 32 : index
        %parallel_loop3A_1256 = tpu.vector_load %arg7[%parallel_loop3A_1254, %parallel_loop3A_1255] {strides = array<i32>} : memref<800x64xf32, #tpu.memory_space<vmem>>, vector<1x16xf32>,
        %parallel_loop3A_1257 = vector.shape_cast %parallel_loop3A_1256 : vector<1x16xf32> to vector<16xf32>
        %parallel_loop3A_1258 = arith.addf %parallel_loop3A_1202, %parallel_loop3A_1257 : vector<16xf32>
        %parallel_loop3A_1259 = arith.index_cast %parallel_loop3A_1243 : i32 to index
        %parallel_loop3A_1260 = arith.constant 48 : index
        %parallel_loop3A_1261 = tpu.vector_load %arg7[%parallel_loop3A_1259, %parallel_loop3A_1260] {strides = array<i32>} : memref<800x64xf32, #tpu.memory_space<vmem>>, vector<1x16xf32>,
        %parallel_loop3A_1262 = vector.shape_cast %parallel_loop3A_1261 : vector<1x16xf32> to vector<16xf32>
        %parallel_loop3A_1263 = arith.addf %parallel_loop3A_1203, %parallel_loop3A_1262 : vector<16xf32>
        %parallel_loop3A_1264 = arith.constant 16 : i32
        %parallel_loop3A_1265 = arith.muli %parallel_loop3A_1195, %parallel_loop3A_1264 : i32
        %parallel_loop3A_1266 = arith.constant 0 : i32
        %parallel_loop3A_1267 = arith.addi %parallel_loop3A_1265, %parallel_loop3A_1266 : i32
        %parallel_loop3A_1268 = arith.constant 2 : i32
        %parallel_loop3A_1269 = arith.addi %parallel_loop3A_1267, %parallel_loop3A_1268 : i32
        %parallel_loop3A_1270 = arith.index_cast %parallel_loop3A_1269 : i32 to index
        %parallel_loop3A_1271 = arith.constant 0 : index
        %parallel_loop3A_1272 = tpu.vector_load %arg7[%parallel_loop3A_1270, %parallel_loop3A_1271] {strides = array<i32>} : memref<800x64xf32, #tpu.memory_space<vmem>>, vector<1x16xf32>,
        %parallel_loop3A_1273 = vector.shape_cast %parallel_loop3A_1272 : vector<1x16xf32> to vector<16xf32>
        %parallel_loop3A_1274 = arith.addf %parallel_loop3A_1204, %parallel_loop3A_1273 : vector<16xf32>
        %parallel_loop3A_1275 = arith.index_cast %parallel_loop3A_1269 : i32 to index
        %parallel_loop3A_1276 = arith.constant 16 : index
        %parallel_loop3A_1277 = tpu.vector_load %arg7[%parallel_loop3A_1275, %parallel_loop3A_1276] {strides = array<i32>} : memref<800x64xf32, #tpu.memory_space<vmem>>, vector<1x16xf32>,
        %parallel_loop3A_1278 = vector.shape_cast %parallel_loop3A_1277 : vector<1x16xf32> to vector<16xf32>
        %parallel_loop3A_1279 = arith.addf %parallel_loop3A_1205, %parallel_loop3A_1278 : vector<16xf32>
        %parallel_loop3A_1280 = arith.index_cast %parallel_loop3A_1269 : i32 to index
        %parallel_loop3A_1281 = arith.constant 32 : index
        %parallel_loop3A_1282 = tpu.vector_load %arg7[%parallel_loop3A_1280, %parallel_loop3A_1281] {strides = array<i32>} : memref<800x64xf32, #tpu.memory_space<vmem>>, vector<1x16xf32>,
        %parallel_loop3A_1283 = vector.shape_cast %parallel_loop3A_1282 : vector<1x16xf32> to vector<16xf32>
        %parallel_loop3A_1284 = arith.addf %parallel_loop3A_1206, %parallel_loop3A_1283 : vector<16xf32>
        %parallel_loop3A_1285 = arith.index_cast %parallel_loop3A_1269 : i32 to index
        %parallel_loop3A_1286 = arith.constant 48 : index
        %parallel_loop3A_1287 = tpu.vector_load %arg7[%parallel_loop3A_1285, %parallel_loop3A_1286] {strides = array<i32>} : memref<800x64xf32, #tpu.memory_space<vmem>>, vector<1x16xf32>,
        %parallel_loop3A_1288 = vector.shape_cast %parallel_loop3A_1287 : vector<1x16xf32> to vector<16xf32>
        %parallel_loop3A_1289 = arith.addf %parallel_loop3A_1207, %parallel_loop3A_1288 : vector<16xf32>
        %parallel_loop3A_1290 = arith.constant 16 : i32
        %parallel_loop3A_1291 = arith.muli %parallel_loop3A_1195, %parallel_loop3A_1290 : i32
        %parallel_loop3A_1292 = arith.constant 0 : i32
        %parallel_loop3A_1293 = arith.addi %parallel_loop3A_1291, %parallel_loop3A_1292 : i32
        %parallel_loop3A_1294 = arith.constant 3 : i32
        %parallel_loop3A_1295 = arith.addi %parallel_loop3A_1293, %parallel_loop3A_1294 : i32
        %parallel_loop3A_1296 = arith.index_cast %parallel_loop3A_1295 : i32 to index
        %parallel_loop3A_1297 = arith.constant 0 : index
        %parallel_loop3A_1298 = tpu.vector_load %arg7[%parallel_loop3A_1296, %parallel_loop3A_1297] {strides = array<i32>} : memref<800x64xf32, #tpu.memory_space<vmem>>, vector<1x16xf32>,
        %parallel_loop3A_1299 = vector.shape_cast %parallel_loop3A_1298 : vector<1x16xf32> to vector<16xf32>
        %parallel_loop3A_1300 = arith.addf %parallel_loop3A_1208, %parallel_loop3A_1299 : vector<16xf32>
        %parallel_loop3A_1301 = arith.index_cast %parallel_loop3A_1295 : i32 to index
        %parallel_loop3A_1302 = arith.constant 16 : index
        %parallel_loop3A_1303 = tpu.vector_load %arg7[%parallel_loop3A_1301, %parallel_loop3A_1302] {strides = array<i32>} : memref<800x64xf32, #tpu.memory_space<vmem>>, vector<1x16xf32>,
        %parallel_loop3A_1304 = vector.shape_cast %parallel_loop3A_1303 : vector<1x16xf32> to vector<16xf32>
        %parallel_loop3A_1305 = arith.addf %parallel_loop3A_1209, %parallel_loop3A_1304 : vector<16xf32>
        %parallel_loop3A_1306 = arith.index_cast %parallel_loop3A_1295 : i32 to index
        %parallel_loop3A_1307 = arith.constant 32 : index
        %parallel_loop3A_1308 = tpu.vector_load %arg7[%parallel_loop3A_1306, %parallel_loop3A_1307] {strides = array<i32>} : memref<800x64xf32, #tpu.memory_space<vmem>>, vector<1x16xf32>,
        %parallel_loop3A_1309 = vector.shape_cast %parallel_loop3A_1308 : vector<1x16xf32> to vector<16xf32>
        %parallel_loop3A_1310 = arith.addf %parallel_loop3A_1210, %parallel_loop3A_1309 : vector<16xf32>
        %parallel_loop3A_1311 = arith.index_cast %parallel_loop3A_1295 : i32 to index
        %parallel_loop3A_1312 = arith.constant 48 : index
        %parallel_loop3A_1313 = tpu.vector_load %arg7[%parallel_loop3A_1311, %parallel_loop3A_1312] {strides = array<i32>} : memref<800x64xf32, #tpu.memory_space<vmem>>, vector<1x16xf32>,
        %parallel_loop3A_1314 = vector.shape_cast %parallel_loop3A_1313 : vector<1x16xf32> to vector<16xf32>
        %parallel_loop3A_1315 = arith.addf %parallel_loop3A_1211, %parallel_loop3A_1314 : vector<16xf32>
        scf.yield %parallel_loop3A_1222, %parallel_loop3A_1227, %parallel_loop3A_1232, %parallel_loop3A_1237, %parallel_loop3A_1248, %parallel_loop3A_1253, %parallel_loop3A_1258, %parallel_loop3A_1263, %parallel_loop3A_1274, %parallel_loop3A_1279, %parallel_loop3A_1284, %parallel_loop3A_1289, %parallel_loop3A_1300, %parallel_loop3A_1305, %parallel_loop3A_1310, %parallel_loop3A_1315 : vector<16xf32>, vector<16xf32>, vector<16xf32>, vector<16xf32>, vector<16xf32>, vector<16xf32>, vector<16xf32>, vector<16xf32>, vector<16xf32>, vector<16xf32>, vector<16xf32>, vector<16xf32>, vector<16xf32>, vector<16xf32>, vector<16xf32>, vector<16xf32>
      } {sc.loop_unroll_factor = 1 : i64, sc.parallel_access}
      %broadcast_in_dim3A_95 = arith.constant 0 : i32
      %broadcast_in_dim3A_96 = vector.broadcast %broadcast_in_dim3A_95 : i32 to vector<16x1xi32>
      %gather3A = vector.shape_cast %broadcast_in_dim3A_96 : vector<16x1xi32> to vector<16xi32>
      %gather3A_97 = tpu.dynamic_gather %max3A_82[%gather3A] in [0] : vector<16xf32>, vector<16xi32> -> vector<16xf32>
      %div3A = arith.divf %parallel_loop3A_94#0, %gather3A_97 : vector<16xf32>
      %swap3A = arith.constant 0 : i32
      %swap3A_98 = arith.index_cast %swap3A : i32 to index
      %swap3A_99 = arith.constant 0 : index
      %swap3A_100 = tpu.vector_load %arg9[%swap3A_98, %swap3A_99] {strides = array<i32>} : memref<16x64xf32, #tpu.memory_space<vmem>>, vector<1x16xf32>,
      %swap3A_101 = vector.shape_cast %swap3A_100 : vector<1x16xf32> to vector<16xf32>
      %swap3A_102 = vector.shape_cast %div3A : vector<16xf32> to vector<1x16xf32>
      tpu.vector_store %arg9[%swap3A_98, %swap3A_99], %swap3A_102 {strides = array<i32>} : memref<16x64xf32, #tpu.memory_space<vmem>>, vector<1x16xf32>,
      %div3A_103 = arith.divf %parallel_loop3A_94#1, %gather3A_97 : vector<16xf32>
      %swap3A_104 = arith.constant 0 : i32
      %swap3A_105 = arith.index_cast %swap3A_104 : i32 to index
      %swap3A_106 = arith.constant 16 : index
      %swap3A_107 = tpu.vector_load %arg9[%swap3A_105, %swap3A_106] {strides = array<i32>} : memref<16x64xf32, #tpu.memory_space<vmem>>, vector<1x16xf32>,
      %swap3A_108 = vector.shape_cast %swap3A_107 : vector<1x16xf32> to vector<16xf32>
      %swap3A_109 = vector.shape_cast %div3A_103 : vector<16xf32> to vector<1x16xf32>
      tpu.vector_store %arg9[%swap3A_105, %swap3A_106], %swap3A_109 {strides = array<i32>} : memref<16x64xf32, #tpu.memory_space<vmem>>, vector<1x16xf32>,
      %div3A_110 = arith.divf %parallel_loop3A_94#2, %gather3A_97 : vector<16xf32>
      %swap3A_111 = arith.constant 0 : i32
      %swap3A_112 = arith.index_cast %swap3A_111 : i32 to index
      %swap3A_113 = arith.constant 32 : index
      %swap3A_114 = tpu.vector_load %arg9[%swap3A_112, %swap3A_113] {strides = array<i32>} : memref<16x64xf32, #tpu.memory_space<vmem>>, vector<1x16xf32>,
      %swap3A_115 = vector.shape_cast %swap3A_114 : vector<1x16xf32> to vector<16xf32>
      %swap3A_116 = vector.shape_cast %div3A_110 : vector<16xf32> to vector<1x16xf32>
      tpu.vector_store %arg9[%swap3A_112, %swap3A_113], %swap3A_116 {strides = array<i32>} : memref<16x64xf32, #tpu.memory_space<vmem>>, vector<1x16xf32>,
      %div3A_117 = arith.divf %parallel_loop3A_94#3, %gather3A_97 : vector<16xf32>
      %swap3A_118 = arith.constant 0 : i32
      %swap3A_119 = arith.index_cast %swap3A_118 : i32 to index
      %swap3A_120 = arith.constant 48 : index
      %swap3A_121 = tpu.vector_load %arg9[%swap3A_119, %swap3A_120] {strides = array<i32>} : memref<16x64xf32, #tpu.memory_space<vmem>>, vector<1x16xf32>,
      %swap3A_122 = vector.shape_cast %swap3A_121 : vector<1x16xf32> to vector<16xf32>
      %swap3A_123 = vector.shape_cast %div3A_117 : vector<16xf32> to vector<1x16xf32>
      tpu.vector_store %arg9[%swap3A_119, %swap3A_120], %swap3A_123 {strides = array<i32>} : memref<16x64xf32, #tpu.memory_space<vmem>>, vector<1x16xf32>,
      %broadcast_in_dim3A_124 = arith.constant 1 : i32
      %broadcast_in_dim3A_125 = vector.broadcast %broadcast_in_dim3A_124 : i32 to vector<16x1xi32>
      %gather3A_126 = vector.shape_cast %broadcast_in_dim3A_125 : vector<16x1xi32> to vector<16xi32>
      %gather3A_127 = tpu.dynamic_gather %max3A_82[%gather3A_126] in [0] : vector<16xf32>, vector<16xi32> -> vector<16xf32>
      %div3A_128 = arith.divf %parallel_loop3A_94#4, %gather3A_127 : vector<16xf32>
      %swap3A_129 = arith.constant 1 : i32
      %swap3A_130 = arith.index_cast %swap3A_129 : i32 to index
      %swap3A_131 = arith.constant 0 : index
      %swap3A_132 = tpu.vector_load %arg9[%swap3A_130, %swap3A_131] {strides = array<i32>} : memref<16x64xf32, #tpu.memory_space<vmem>>, vector<1x16xf32>,
      %swap3A_133 = vector.shape_cast %swap3A_132 : vector<1x16xf32> to vector<16xf32>
      %swap3A_134 = vector.shape_cast %div3A_128 : vector<16xf32> to vector<1x16xf32>
      tpu.vector_store %arg9[%swap3A_130, %swap3A_131], %swap3A_134 {strides = array<i32>} : memref<16x64xf32, #tpu.memory_space<vmem>>, vector<1x16xf32>,
      %div3A_135 = arith.divf %parallel_loop3A_94#5, %gather3A_127 : vector<16xf32>
      %swap3A_136 = arith.constant 1 : i32
      %swap3A_137 = arith.index_cast %swap3A_136 : i32 to index
      %swap3A_138 = arith.constant 16 : index
      %swap3A_139 = tpu.vector_load %arg9[%swap3A_137, %swap3A_138] {strides = array<i32>} : memref<16x64xf32, #tpu.memory_space<vmem>>, vector<1x16xf32>,
      %swap3A_140 = vector.shape_cast %swap3A_139 : vector<1x16xf32> to vector<16xf32>
      %swap3A_141 = vector.shape_cast %div3A_135 : vector<16xf32> to vector<1x16xf32>
      tpu.vector_store %arg9[%swap3A_137, %swap3A_138], %swap3A_141 {strides = array<i32>} : memref<16x64xf32, #tpu.memory_space<vmem>>, vector<1x16xf32>,
      %div3A_142 = arith.divf %parallel_loop3A_94#6, %gather3A_127 : vector<16xf32>
      %swap3A_143 = arith.constant 1 : i32
      %swap3A_144 = arith.index_cast %swap3A_143 : i32 to index
      %swap3A_145 = arith.constant 32 : index
      %swap3A_146 = tpu.vector_load %arg9[%swap3A_144, %swap3A_145] {strides = array<i32>} : memref<16x64xf32, #tpu.memory_space<vmem>>, vector<1x16xf32>,
      %swap3A_147 = vector.shape_cast %swap3A_146 : vector<1x16xf32> to vector<16xf32>
      %swap3A_148 = vector.shape_cast %div3A_142 : vector<16xf32> to vector<1x16xf32>
      tpu.vector_store %arg9[%swap3A_144, %swap3A_145], %swap3A_148 {strides = array<i32>} : memref<16x64xf32, #tpu.memory_space<vmem>>, vector<1x16xf32>,
      %div3A_149 = arith.divf %parallel_loop3A_94#7, %gather3A_127 : vector<16xf32>
      %swap3A_150 = arith.constant 1 : i32
      %swap3A_151 = arith.index_cast %swap3A_150 : i32 to index
      %swap3A_152 = arith.constant 48 : index
      %swap3A_153 = tpu.vector_load %arg9[%swap3A_151, %swap3A_152] {strides = array<i32>} : memref<16x64xf32, #tpu.memory_space<vmem>>, vector<1x16xf32>,
      %swap3A_154 = vector.shape_cast %swap3A_153 : vector<1x16xf32> to vector<16xf32>
      %swap3A_155 = vector.shape_cast %div3A_149 : vector<16xf32> to vector<1x16xf32>
      tpu.vector_store %arg9[%swap3A_151, %swap3A_152], %swap3A_155 {strides = array<i32>} : memref<16x64xf32, #tpu.memory_space<vmem>>, vector<1x16xf32>,
      %broadcast_in_dim3A_156 = arith.constant 2 : i32
      %broadcast_in_dim3A_157 = vector.broadcast %broadcast_in_dim3A_156 : i32 to vector<16x1xi32>
      %gather3A_158 = vector.shape_cast %broadcast_in_dim3A_157 : vector<16x1xi32> to vector<16xi32>
      %gather3A_159 = tpu.dynamic_gather %max3A_82[%gather3A_158] in [0] : vector<16xf32>, vector<16xi32> -> vector<16xf32>
      %div3A_160 = arith.divf %parallel_loop3A_94#8, %gather3A_159 : vector<16xf32>
      %swap3A_161 = arith.constant 2 : i32
      %swap3A_162 = arith.index_cast %swap3A_161 : i32 to index
      %swap3A_163 = arith.constant 0 : index
      %swap3A_164 = tpu.vector_load %arg9[%swap3A_162, %swap3A_163] {strides = array<i32>} : memref<16x64xf32, #tpu.memory_space<vmem>>, vector<1x16xf32>,
      %swap3A_165 = vector.shape_cast %swap3A_164 : vector<1x16xf32> to vector<16xf32>
      %swap3A_166 = vector.shape_cast %div3A_160 : vector<16xf32> to vector<1x16xf32>
      tpu.vector_store %arg9[%swap3A_162, %swap3A_163], %swap3A_166 {strides = array<i32>} : memref<16x64xf32, #tpu.memory_space<vmem>>, vector<1x16xf32>,
      %div3A_167 = arith.divf %parallel_loop3A_94#9, %gather3A_159 : vector<16xf32>
      %swap3A_168 = arith.constant 2 : i32
      %swap3A_169 = arith.index_cast %swap3A_168 : i32 to index
      %swap3A_170 = arith.constant 16 : index
      %swap3A_171 = tpu.vector_load %arg9[%swap3A_169, %swap3A_170] {strides = array<i32>} : memref<16x64xf32, #tpu.memory_space<vmem>>, vector<1x16xf32>,
      %swap3A_172 = vector.shape_cast %swap3A_171 : vector<1x16xf32> to vector<16xf32>
      %swap3A_173 = vector.shape_cast %div3A_167 : vector<16xf32> to vector<1x16xf32>
      tpu.vector_store %arg9[%swap3A_169, %swap3A_170], %swap3A_173 {strides = array<i32>} : memref<16x64xf32, #tpu.memory_space<vmem>>, vector<1x16xf32>,
      %div3A_174 = arith.divf %parallel_loop3A_94#10, %gather3A_159 : vector<16xf32>
      %swap3A_175 = arith.constant 2 : i32
      %swap3A_176 = arith.index_cast %swap3A_175 : i32 to index
      %swap3A_177 = arith.constant 32 : index
      %swap3A_178 = tpu.vector_load %arg9[%swap3A_176, %swap3A_177] {strides = array<i32>} : memref<16x64xf32, #tpu.memory_space<vmem>>, vector<1x16xf32>,
      %swap3A_179 = vector.shape_cast %swap3A_178 : vector<1x16xf32> to vector<16xf32>
      %swap3A_180 = vector.shape_cast %div3A_174 : vector<16xf32> to vector<1x16xf32>
      tpu.vector_store %arg9[%swap3A_176, %swap3A_177], %swap3A_180 {strides = array<i32>} : memref<16x64xf32, #tpu.memory_space<vmem>>, vector<1x16xf32>,
      %div3A_181 = arith.divf %parallel_loop3A_94#11, %gather3A_159 : vector<16xf32>
      %swap3A_182 = arith.constant 2 : i32
      %swap3A_183 = arith.index_cast %swap3A_182 : i32 to index
      %swap3A_184 = arith.constant 48 : index
      %swap3A_185 = tpu.vector_load %arg9[%swap3A_183, %swap3A_184] {strides = array<i32>} : memref<16x64xf32, #tpu.memory_space<vmem>>, vector<1x16xf32>,
      %swap3A_186 = vector.shape_cast %swap3A_185 : vector<1x16xf32> to vector<16xf32>
      %swap3A_187 = vector.shape_cast %div3A_181 : vector<16xf32> to vector<1x16xf32>
      tpu.vector_store %arg9[%swap3A_183, %swap3A_184], %swap3A_187 {strides = array<i32>} : memref<16x64xf32, #tpu.memory_space<vmem>>, vector<1x16xf32>,
      %broadcast_in_dim3A_188 = arith.constant 3 : i32
      %broadcast_in_dim3A_189 = vector.broadcast %broadcast_in_dim3A_188 : i32 to vector<16x1xi32>
      %gather3A_190 = vector.shape_cast %broadcast_in_dim3A_189 : vector<16x1xi32> to vector<16xi32>
      %gather3A_191 = tpu.dynamic_gather %max3A_82[%gather3A_190] in [0] : vector<16xf32>, vector<16xi32> -> vector<16xf32>
      %div3A_192 = arith.divf %parallel_loop3A_94#12, %gather3A_191 : vector<16xf32>
      %swap3A_193 = arith.constant 3 : i32
      %swap3A_194 = arith.index_cast %swap3A_193 : i32 to index
      %swap3A_195 = arith.constant 0 : index
      %swap3A_196 = tpu.vector_load %arg9[%swap3A_194, %swap3A_195] {strides = array<i32>} : memref<16x64xf32, #tpu.memory_space<vmem>>, vector<1x16xf32>,
      %swap3A_197 = vector.shape_cast %swap3A_196 : vector<1x16xf32> to vector<16xf32>
      %swap3A_198 = vector.shape_cast %div3A_192 : vector<16xf32> to vector<1x16xf32>
      tpu.vector_store %arg9[%swap3A_194, %swap3A_195], %swap3A_198 {strides = array<i32>} : memref<16x64xf32, #tpu.memory_space<vmem>>, vector<1x16xf32>,
      %div3A_199 = arith.divf %parallel_loop3A_94#13, %gather3A_191 : vector<16xf32>
      %swap3A_200 = arith.constant 3 : i32
      %swap3A_201 = arith.index_cast %swap3A_200 : i32 to index
      %swap3A_202 = arith.constant 16 : index
      %swap3A_203 = tpu.vector_load %arg9[%swap3A_201, %swap3A_202] {strides = array<i32>} : memref<16x64xf32, #tpu.memory_space<vmem>>, vector<1x16xf32>,
      %swap3A_204 = vector.shape_cast %swap3A_203 : vector<1x16xf32> to vector<16xf32>
      %swap3A_205 = vector.shape_cast %div3A_199 : vector<16xf32> to vector<1x16xf32>
      tpu.vector_store %arg9[%swap3A_201, %swap3A_202], %swap3A_205 {strides = array<i32>} : memref<16x64xf32, #tpu.memory_space<vmem>>, vector<1x16xf32>,
      %div3A_206 = arith.divf %parallel_loop3A_94#14, %gather3A_191 : vector<16xf32>
      %swap3A_207 = arith.constant 3 : i32
      %swap3A_208 = arith.index_cast %swap3A_207 : i32 to index
      %swap3A_209 = arith.constant 32 : index
      %swap3A_210 = tpu.vector_load %arg9[%swap3A_208, %swap3A_209] {strides = array<i32>} : memref<16x64xf32, #tpu.memory_space<vmem>>, vector<1x16xf32>,
      %swap3A_211 = vector.shape_cast %swap3A_210 : vector<1x16xf32> to vector<16xf32>
      %swap3A_212 = vector.shape_cast %div3A_206 : vector<16xf32> to vector<1x16xf32>
      tpu.vector_store %arg9[%swap3A_208, %swap3A_209], %swap3A_212 {strides = array<i32>} : memref<16x64xf32, #tpu.memory_space<vmem>>, vector<1x16xf32>,
      %div3A_213 = arith.divf %parallel_loop3A_94#15, %gather3A_191 : vector<16xf32>
      %swap3A_214 = arith.constant 3 : i32
      %swap3A_215 = arith.index_cast %swap3A_214 : i32 to index
      %swap3A_216 = arith.constant 48 : index
      %swap3A_217 = tpu.vector_load %arg9[%swap3A_215, %swap3A_216] {strides = array<i32>} : memref<16x64xf32, #tpu.memory_space<vmem>>, vector<1x16xf32>,
      %swap3A_218 = vector.shape_cast %swap3A_217 : vector<1x16xf32> to vector<16xf32>
      %swap3A_219 = vector.shape_cast %div3A_213 : vector<16xf32> to vector<1x16xf32>
      tpu.vector_store %arg9[%swap3A_215, %swap3A_216], %swap3A_219 {strides = array<i32>} : memref<16x64xf32, #tpu.memory_space<vmem>>, vector<1x16xf32>,
      %parallel_loop3A_220 = arith.constant 0 : i32
      %parallel_loop3A_221 = arith.constant 50 : i32
      %parallel_loop3A_222 = arith.constant 1 : i32
      %parallel_loop3A_223:16 = scf.for %parallel_loop3A_1195 = %parallel_loop3A_220 to %parallel_loop3A_221 step %parallel_loop3A_222 iter_args(%parallel_loop3A_1196 = %broadcast_in_dim3A_5, %parallel_loop3A_1197 = %broadcast_in_dim3A_5, %parallel_loop3A_1198 = %broadcast_in_dim3A_5, %parallel_loop3A_1199 = %broadcast_in_dim3A_5, %parallel_loop3A_1200 = %broadcast_in_dim3A_5, %parallel_loop3A_1201 = %broadcast_in_dim3A_5, %parallel_loop3A_1202 = %broadcast_in_dim3A_5, %parallel_loop3A_1203 = %broadcast_in_dim3A_5, %parallel_loop3A_1204 = %broadcast_in_dim3A_5, %parallel_loop3A_1205 = %broadcast_in_dim3A_5, %parallel_loop3A_1206 = %broadcast_in_dim3A_5, %parallel_loop3A_1207 = %broadcast_in_dim3A_5, %parallel_loop3A_1208 = %broadcast_in_dim3A_5, %parallel_loop3A_1209 = %broadcast_in_dim3A_5, %parallel_loop3A_1210 = %broadcast_in_dim3A_5, %parallel_loop3A_1211 = %broadcast_in_dim3A_5) -> (vector<16xf32>, vector<16xf32>, vector<16xf32>, vector<16xf32>, vector<16xf32>, vector<16xf32>, vector<16xf32>, vector<16xf32>, vector<16xf32>, vector<16xf32>, vector<16xf32>, vector<16xf32>, vector<16xf32>, vector<16xf32>, vector<16xf32>, vector<16xf32>)  : i32 {
        %parallel_loop3A_1212 = arith.constant 16 : i32
        %parallel_loop3A_1213 = arith.muli %parallel_loop3A_1195, %parallel_loop3A_1212 : i32
        %parallel_loop3A_1214 = arith.constant 4 : i32
        %parallel_loop3A_1215 = arith.addi %parallel_loop3A_1213, %parallel_loop3A_1214 : i32
        %parallel_loop3A_1216 = arith.constant 0 : i32
        %parallel_loop3A_1217 = arith.addi %parallel_loop3A_1215, %parallel_loop3A_1216 : i32
        %parallel_loop3A_1218 = arith.index_cast %parallel_loop3A_1217 : i32 to index
        %parallel_loop3A_1219 = arith.constant 0 : index
        %parallel_loop3A_1220 = tpu.vector_load %arg7[%parallel_loop3A_1218, %parallel_loop3A_1219] {strides = array<i32>} : memref<800x64xf32, #tpu.memory_space<vmem>>, vector<1x16xf32>,
        %parallel_loop3A_1221 = vector.shape_cast %parallel_loop3A_1220 : vector<1x16xf32> to vector<16xf32>
        %parallel_loop3A_1222 = arith.addf %parallel_loop3A_1196, %parallel_loop3A_1221 : vector<16xf32>
        %parallel_loop3A_1223 = arith.index_cast %parallel_loop3A_1217 : i32 to index
        %parallel_loop3A_1224 = arith.constant 16 : index
        %parallel_loop3A_1225 = tpu.vector_load %arg7[%parallel_loop3A_1223, %parallel_loop3A_1224] {strides = array<i32>} : memref<800x64xf32, #tpu.memory_space<vmem>>, vector<1x16xf32>,
        %parallel_loop3A_1226 = vector.shape_cast %parallel_loop3A_1225 : vector<1x16xf32> to vector<16xf32>
        %parallel_loop3A_1227 = arith.addf %parallel_loop3A_1197, %parallel_loop3A_1226 : vector<16xf32>
        %parallel_loop3A_1228 = arith.index_cast %parallel_loop3A_1217 : i32 to index
        %parallel_loop3A_1229 = arith.constant 32 : index
        %parallel_loop3A_1230 = tpu.vector_load %arg7[%parallel_loop3A_1228, %parallel_loop3A_1229] {strides = array<i32>} : memref<800x64xf32, #tpu.memory_space<vmem>>, vector<1x16xf32>,
        %parallel_loop3A_1231 = vector.shape_cast %parallel_loop3A_1230 : vector<1x16xf32> to vector<16xf32>
        %parallel_loop3A_1232 = arith.addf %parallel_loop3A_1198, %parallel_loop3A_1231 : vector<16xf32>
        %parallel_loop3A_1233 = arith.index_cast %parallel_loop3A_1217 : i32 to index
        %parallel_loop3A_1234 = arith.constant 48 : index
        %parallel_loop3A_1235 = tpu.vector_load %arg7[%parallel_loop3A_1233, %parallel_loop3A_1234] {strides = array<i32>} : memref<800x64xf32, #tpu.memory_space<vmem>>, vector<1x16xf32>,
        %parallel_loop3A_1236 = vector.shape_cast %parallel_loop3A_1235 : vector<1x16xf32> to vector<16xf32>
        %parallel_loop3A_1237 = arith.addf %parallel_loop3A_1199, %parallel_loop3A_1236 : vector<16xf32>
        %parallel_loop3A_1238 = arith.constant 16 : i32
        %parallel_loop3A_1239 = arith.muli %parallel_loop3A_1195, %parallel_loop3A_1238 : i32
        %parallel_loop3A_1240 = arith.constant 4 : i32
        %parallel_loop3A_1241 = arith.addi %parallel_loop3A_1239, %parallel_loop3A_1240 : i32
        %parallel_loop3A_1242 = arith.constant 1 : i32
        %parallel_loop3A_1243 = arith.addi %parallel_loop3A_1241, %parallel_loop3A_1242 : i32
        %parallel_loop3A_1244 = arith.index_cast %parallel_loop3A_1243 : i32 to index
        %parallel_loop3A_1245 = arith.constant 0 : index
        %parallel_loop3A_1246 = tpu.vector_load %arg7[%parallel_loop3A_1244, %parallel_loop3A_1245] {strides = array<i32>} : memref<800x64xf32, #tpu.memory_space<vmem>>, vector<1x16xf32>,
        %parallel_loop3A_1247 = vector.shape_cast %parallel_loop3A_1246 : vector<1x16xf32> to vector<16xf32>
        %parallel_loop3A_1248 = arith.addf %parallel_loop3A_1200, %parallel_loop3A_1247 : vector<16xf32>
        %parallel_loop3A_1249 = arith.index_cast %parallel_loop3A_1243 : i32 to index
        %parallel_loop3A_1250 = arith.constant 16 : index
        %parallel_loop3A_1251 = tpu.vector_load %arg7[%parallel_loop3A_1249, %parallel_loop3A_1250] {strides = array<i32>} : memref<800x64xf32, #tpu.memory_space<vmem>>, vector<1x16xf32>,
        %parallel_loop3A_1252 = vector.shape_cast %parallel_loop3A_1251 : vector<1x16xf32> to vector<16xf32>
        %parallel_loop3A_1253 = arith.addf %parallel_loop3A_1201, %parallel_loop3A_1252 : vector<16xf32>
        %parallel_loop3A_1254 = arith.index_cast %parallel_loop3A_1243 : i32 to index
        %parallel_loop3A_1255 = arith.constant 32 : index
        %parallel_loop3A_1256 = tpu.vector_load %arg7[%parallel_loop3A_1254, %parallel_loop3A_1255] {strides = array<i32>} : memref<800x64xf32, #tpu.memory_space<vmem>>, vector<1x16xf32>,
        %parallel_loop3A_1257 = vector.shape_cast %parallel_loop3A_1256 : vector<1x16xf32> to vector<16xf32>
        %parallel_loop3A_1258 = arith.addf %parallel_loop3A_1202, %parallel_loop3A_1257 : vector<16xf32>
        %parallel_loop3A_1259 = arith.index_cast %parallel_loop3A_1243 : i32 to index
        %parallel_loop3A_1260 = arith.constant 48 : index
        %parallel_loop3A_1261 = tpu.vector_load %arg7[%parallel_loop3A_1259, %parallel_loop3A_1260] {strides = array<i32>} : memref<800x64xf32, #tpu.memory_space<vmem>>, vector<1x16xf32>,
        %parallel_loop3A_1262 = vector.shape_cast %parallel_loop3A_1261 : vector<1x16xf32> to vector<16xf32>
        %parallel_loop3A_1263 = arith.addf %parallel_loop3A_1203, %parallel_loop3A_1262 : vector<16xf32>
        %parallel_loop3A_1264 = arith.constant 16 : i32
        %parallel_loop3A_1265 = arith.muli %parallel_loop3A_1195, %parallel_loop3A_1264 : i32
        %parallel_loop3A_1266 = arith.constant 4 : i32
        %parallel_loop3A_1267 = arith.addi %parallel_loop3A_1265, %parallel_loop3A_1266 : i32
        %parallel_loop3A_1268 = arith.constant 2 : i32
        %parallel_loop3A_1269 = arith.addi %parallel_loop3A_1267, %parallel_loop3A_1268 : i32
        %parallel_loop3A_1270 = arith.index_cast %parallel_loop3A_1269 : i32 to index
        %parallel_loop3A_1271 = arith.constant 0 : index
        %parallel_loop3A_1272 = tpu.vector_load %arg7[%parallel_loop3A_1270, %parallel_loop3A_1271] {strides = array<i32>} : memref<800x64xf32, #tpu.memory_space<vmem>>, vector<1x16xf32>,
        %parallel_loop3A_1273 = vector.shape_cast %parallel_loop3A_1272 : vector<1x16xf32> to vector<16xf32>
        %parallel_loop3A_1274 = arith.addf %parallel_loop3A_1204, %parallel_loop3A_1273 : vector<16xf32>
        %parallel_loop3A_1275 = arith.index_cast %parallel_loop3A_1269 : i32 to index
        %parallel_loop3A_1276 = arith.constant 16 : index
        %parallel_loop3A_1277 = tpu.vector_load %arg7[%parallel_loop3A_1275, %parallel_loop3A_1276] {strides = array<i32>} : memref<800x64xf32, #tpu.memory_space<vmem>>, vector<1x16xf32>,
        %parallel_loop3A_1278 = vector.shape_cast %parallel_loop3A_1277 : vector<1x16xf32> to vector<16xf32>
        %parallel_loop3A_1279 = arith.addf %parallel_loop3A_1205, %parallel_loop3A_1278 : vector<16xf32>
        %parallel_loop3A_1280 = arith.index_cast %parallel_loop3A_1269 : i32 to index
        %parallel_loop3A_1281 = arith.constant 32 : index
        %parallel_loop3A_1282 = tpu.vector_load %arg7[%parallel_loop3A_1280, %parallel_loop3A_1281] {strides = array<i32>} : memref<800x64xf32, #tpu.memory_space<vmem>>, vector<1x16xf32>,
        %parallel_loop3A_1283 = vector.shape_cast %parallel_loop3A_1282 : vector<1x16xf32> to vector<16xf32>
        %parallel_loop3A_1284 = arith.addf %parallel_loop3A_1206, %parallel_loop3A_1283 : vector<16xf32>
        %parallel_loop3A_1285 = arith.index_cast %parallel_loop3A_1269 : i32 to index
        %parallel_loop3A_1286 = arith.constant 48 : index
        %parallel_loop3A_1287 = tpu.vector_load %arg7[%parallel_loop3A_1285, %parallel_loop3A_1286] {strides = array<i32>} : memref<800x64xf32, #tpu.memory_space<vmem>>, vector<1x16xf32>,
        %parallel_loop3A_1288 = vector.shape_cast %parallel_loop3A_1287 : vector<1x16xf32> to vector<16xf32>
        %parallel_loop3A_1289 = arith.addf %parallel_loop3A_1207, %parallel_loop3A_1288 : vector<16xf32>
        %parallel_loop3A_1290 = arith.constant 16 : i32
        %parallel_loop3A_1291 = arith.muli %parallel_loop3A_1195, %parallel_loop3A_1290 : i32
        %parallel_loop3A_1292 = arith.constant 4 : i32
        %parallel_loop3A_1293 = arith.addi %parallel_loop3A_1291, %parallel_loop3A_1292 : i32
        %parallel_loop3A_1294 = arith.constant 3 : i32
        %parallel_loop3A_1295 = arith.addi %parallel_loop3A_1293, %parallel_loop3A_1294 : i32
        %parallel_loop3A_1296 = arith.index_cast %parallel_loop3A_1295 : i32 to index
        %parallel_loop3A_1297 = arith.constant 0 : index
        %parallel_loop3A_1298 = tpu.vector_load %arg7[%parallel_loop3A_1296, %parallel_loop3A_1297] {strides = array<i32>} : memref<800x64xf32, #tpu.memory_space<vmem>>, vector<1x16xf32>,
        %parallel_loop3A_1299 = vector.shape_cast %parallel_loop3A_1298 : vector<1x16xf32> to vector<16xf32>
        %parallel_loop3A_1300 = arith.addf %parallel_loop3A_1208, %parallel_loop3A_1299 : vector<16xf32>
        %parallel_loop3A_1301 = arith.index_cast %parallel_loop3A_1295 : i32 to index
        %parallel_loop3A_1302 = arith.constant 16 : index
        %parallel_loop3A_1303 = tpu.vector_load %arg7[%parallel_loop3A_1301, %parallel_loop3A_1302] {strides = array<i32>} : memref<800x64xf32, #tpu.memory_space<vmem>>, vector<1x16xf32>,
        %parallel_loop3A_1304 = vector.shape_cast %parallel_loop3A_1303 : vector<1x16xf32> to vector<16xf32>
        %parallel_loop3A_1305 = arith.addf %parallel_loop3A_1209, %parallel_loop3A_1304 : vector<16xf32>
        %parallel_loop3A_1306 = arith.index_cast %parallel_loop3A_1295 : i32 to index
        %parallel_loop3A_1307 = arith.constant 32 : index
        %parallel_loop3A_1308 = tpu.vector_load %arg7[%parallel_loop3A_1306, %parallel_loop3A_1307] {strides = array<i32>} : memref<800x64xf32, #tpu.memory_space<vmem>>, vector<1x16xf32>,
        %parallel_loop3A_1309 = vector.shape_cast %parallel_loop3A_1308 : vector<1x16xf32> to vector<16xf32>
        %parallel_loop3A_1310 = arith.addf %parallel_loop3A_1210, %parallel_loop3A_1309 : vector<16xf32>
        %parallel_loop3A_1311 = arith.index_cast %parallel_loop3A_1295 : i32 to index
        %parallel_loop3A_1312 = arith.constant 48 : index
        %parallel_loop3A_1313 = tpu.vector_load %arg7[%parallel_loop3A_1311, %parallel_loop3A_1312] {strides = array<i32>} : memref<800x64xf32, #tpu.memory_space<vmem>>, vector<1x16xf32>,
        %parallel_loop3A_1314 = vector.shape_cast %parallel_loop3A_1313 : vector<1x16xf32> to vector<16xf32>
        %parallel_loop3A_1315 = arith.addf %parallel_loop3A_1211, %parallel_loop3A_1314 : vector<16xf32>
        scf.yield %parallel_loop3A_1222, %parallel_loop3A_1227, %parallel_loop3A_1232, %parallel_loop3A_1237, %parallel_loop3A_1248, %parallel_loop3A_1253, %parallel_loop3A_1258, %parallel_loop3A_1263, %parallel_loop3A_1274, %parallel_loop3A_1279, %parallel_loop3A_1284, %parallel_loop3A_1289, %parallel_loop3A_1300, %parallel_loop3A_1305, %parallel_loop3A_1310, %parallel_loop3A_1315 : vector<16xf32>, vector<16xf32>, vector<16xf32>, vector<16xf32>, vector<16xf32>, vector<16xf32>, vector<16xf32>, vector<16xf32>, vector<16xf32>, vector<16xf32>, vector<16xf32>, vector<16xf32>, vector<16xf32>, vector<16xf32>, vector<16xf32>, vector<16xf32>
      } {sc.loop_unroll_factor = 1 : i64, sc.parallel_access}
      %broadcast_in_dim3A_224 = arith.constant 4 : i32
      %broadcast_in_dim3A_225 = vector.broadcast %broadcast_in_dim3A_224 : i32 to vector<16x1xi32>
      %gather3A_226 = vector.shape_cast %broadcast_in_dim3A_225 : vector<16x1xi32> to vector<16xi32>
      %gather3A_227 = tpu.dynamic_gather %max3A_82[%gather3A_226] in [0] : vector<16xf32>, vector<16xi32> -> vector<16xf32>
      %div3A_228 = arith.divf %parallel_loop3A_223#0, %gather3A_227 : vector<16xf32>
      %swap3A_229 = arith.constant 4 : i32
      %swap3A_230 = arith.index_cast %swap3A_229 : i32 to index
      %swap3A_231 = arith.constant 0 : index
      %swap3A_232 = tpu.vector_load %arg9[%swap3A_230, %swap3A_231] {strides = array<i32>} : memref<16x64xf32, #tpu.memory_space<vmem>>, vector<1x16xf32>,
      %swap3A_233 = vector.shape_cast %swap3A_232 : vector<1x16xf32> to vector<16xf32>
      %swap3A_234 = vector.shape_cast %div3A_228 : vector<16xf32> to vector<1x16xf32>
      tpu.vector_store %arg9[%swap3A_230, %swap3A_231], %swap3A_234 {strides = array<i32>} : memref<16x64xf32, #tpu.memory_space<vmem>>, vector<1x16xf32>,
      %div3A_235 = arith.divf %parallel_loop3A_223#1, %gather3A_227 : vector<16xf32>
      %swap3A_236 = arith.constant 4 : i32
      %swap3A_237 = arith.index_cast %swap3A_236 : i32 to index
      %swap3A_238 = arith.constant 16 : index
      %swap3A_239 = tpu.vector_load %arg9[%swap3A_237, %swap3A_238] {strides = array<i32>} : memref<16x64xf32, #tpu.memory_space<vmem>>, vector<1x16xf32>,
      %swap3A_240 = vector.shape_cast %swap3A_239 : vector<1x16xf32> to vector<16xf32>
      %swap3A_241 = vector.shape_cast %div3A_235 : vector<16xf32> to vector<1x16xf32>
      tpu.vector_store %arg9[%swap3A_237, %swap3A_238], %swap3A_241 {strides = array<i32>} : memref<16x64xf32, #tpu.memory_space<vmem>>, vector<1x16xf32>,
      %div3A_242 = arith.divf %parallel_loop3A_223#2, %gather3A_227 : vector<16xf32>
      %swap3A_243 = arith.constant 4 : i32
      %swap3A_244 = arith.index_cast %swap3A_243 : i32 to index
      %swap3A_245 = arith.constant 32 : index
      %swap3A_246 = tpu.vector_load %arg9[%swap3A_244, %swap3A_245] {strides = array<i32>} : memref<16x64xf32, #tpu.memory_space<vmem>>, vector<1x16xf32>,
      %swap3A_247 = vector.shape_cast %swap3A_246 : vector<1x16xf32> to vector<16xf32>
      %swap3A_248 = vector.shape_cast %div3A_242 : vector<16xf32> to vector<1x16xf32>
      tpu.vector_store %arg9[%swap3A_244, %swap3A_245], %swap3A_248 {strides = array<i32>} : memref<16x64xf32, #tpu.memory_space<vmem>>, vector<1x16xf32>,
      %div3A_249 = arith.divf %parallel_loop3A_223#3, %gather3A_227 : vector<16xf32>
      %swap3A_250 = arith.constant 4 : i32
      %swap3A_251 = arith.index_cast %swap3A_250 : i32 to index
      %swap3A_252 = arith.constant 48 : index
      %swap3A_253 = tpu.vector_load %arg9[%swap3A_251, %swap3A_252] {strides = array<i32>} : memref<16x64xf32, #tpu.memory_space<vmem>>, vector<1x16xf32>,
      %swap3A_254 = vector.shape_cast %swap3A_253 : vector<1x16xf32> to vector<16xf32>
      %swap3A_255 = vector.shape_cast %div3A_249 : vector<16xf32> to vector<1x16xf32>
      tpu.vector_store %arg9[%swap3A_251, %swap3A_252], %swap3A_255 {strides = array<i32>} : memref<16x64xf32, #tpu.memory_space<vmem>>, vector<1x16xf32>,
      %broadcast_in_dim3A_256 = arith.constant 5 : i32
      %broadcast_in_dim3A_257 = vector.broadcast %broadcast_in_dim3A_256 : i32 to vector<16x1xi32>
      %gather3A_258 = vector.shape_cast %broadcast_in_dim3A_257 : vector<16x1xi32> to vector<16xi32>
      %gather3A_259 = tpu.dynamic_gather %max3A_82[%gather3A_258] in [0] : vector<16xf32>, vector<16xi32> -> vector<16xf32>
      %div3A_260 = arith.divf %parallel_loop3A_223#4, %gather3A_259 : vector<16xf32>
      %swap3A_261 = arith.constant 5 : i32
      %swap3A_262 = arith.index_cast %swap3A_261 : i32 to index
      %swap3A_263 = arith.constant 0 : index
      %swap3A_264 = tpu.vector_load %arg9[%swap3A_262, %swap3A_263] {strides = array<i32>} : memref<16x64xf32, #tpu.memory_space<vmem>>, vector<1x16xf32>,
      %swap3A_265 = vector.shape_cast %swap3A_264 : vector<1x16xf32> to vector<16xf32>
      %swap3A_266 = vector.shape_cast %div3A_260 : vector<16xf32> to vector<1x16xf32>
      tpu.vector_store %arg9[%swap3A_262, %swap3A_263], %swap3A_266 {strides = array<i32>} : memref<16x64xf32, #tpu.memory_space<vmem>>, vector<1x16xf32>,
      %div3A_267 = arith.divf %parallel_loop3A_223#5, %gather3A_259 : vector<16xf32>
      %swap3A_268 = arith.constant 5 : i32
      %swap3A_269 = arith.index_cast %swap3A_268 : i32 to index
      %swap3A_270 = arith.constant 16 : index
      %swap3A_271 = tpu.vector_load %arg9[%swap3A_269, %swap3A_270] {strides = array<i32>} : memref<16x64xf32, #tpu.memory_space<vmem>>, vector<1x16xf32>,
      %swap3A_272 = vector.shape_cast %swap3A_271 : vector<1x16xf32> to vector<16xf32>
      %swap3A_273 = vector.shape_cast %div3A_267 : vector<16xf32> to vector<1x16xf32>
      tpu.vector_store %arg9[%swap3A_269, %swap3A_270], %swap3A_273 {strides = array<i32>} : memref<16x64xf32, #tpu.memory_space<vmem>>, vector<1x16xf32>,
      %div3A_274 = arith.divf %parallel_loop3A_223#6, %gather3A_259 : vector<16xf32>
      %swap3A_275 = arith.constant 5 : i32
      %swap3A_276 = arith.index_cast %swap3A_275 : i32 to index
      %swap3A_277 = arith.constant 32 : index
      %swap3A_278 = tpu.vector_load %arg9[%swap3A_276, %swap3A_277] {strides = array<i32>} : memref<16x64xf32, #tpu.memory_space<vmem>>, vector<1x16xf32>,
      %swap3A_279 = vector.shape_cast %swap3A_278 : vector<1x16xf32> to vector<16xf32>
      %swap3A_280 = vector.shape_cast %div3A_274 : vector<16xf32> to vector<1x16xf32>
      tpu.vector_store %arg9[%swap3A_276, %swap3A_277], %swap3A_280 {strides = array<i32>} : memref<16x64xf32, #tpu.memory_space<vmem>>, vector<1x16xf32>,
      %div3A_281 = arith.divf %parallel_loop3A_223#7, %gather3A_259 : vector<16xf32>
      %swap3A_282 = arith.constant 5 : i32
      %swap3A_283 = arith.index_cast %swap3A_282 : i32 to index
      %swap3A_284 = arith.constant 48 : index
      %swap3A_285 = tpu.vector_load %arg9[%swap3A_283, %swap3A_284] {strides = array<i32>} : memref<16x64xf32, #tpu.memory_space<vmem>>, vector<1x16xf32>,
      %swap3A_286 = vector.shape_cast %swap3A_285 : vector<1x16xf32> to vector<16xf32>
      %swap3A_287 = vector.shape_cast %div3A_281 : vector<16xf32> to vector<1x16xf32>
      tpu.vector_store %arg9[%swap3A_283, %swap3A_284], %swap3A_287 {strides = array<i32>} : memref<16x64xf32, #tpu.memory_space<vmem>>, vector<1x16xf32>,
      %broadcast_in_dim3A_288 = arith.constant 6 : i32
      %broadcast_in_dim3A_289 = vector.broadcast %broadcast_in_dim3A_288 : i32 to vector<16x1xi32>
      %gather3A_290 = vector.shape_cast %broadcast_in_dim3A_289 : vector<16x1xi32> to vector<16xi32>
      %gather3A_291 = tpu.dynamic_gather %max3A_82[%gather3A_290] in [0] : vector<16xf32>, vector<16xi32> -> vector<16xf32>
      %div3A_292 = arith.divf %parallel_loop3A_223#8, %gather3A_291 : vector<16xf32>
      %swap3A_293 = arith.constant 6 : i32
      %swap3A_294 = arith.index_cast %swap3A_293 : i32 to index
      %swap3A_295 = arith.constant 0 : index
      %swap3A_296 = tpu.vector_load %arg9[%swap3A_294, %swap3A_295] {strides = array<i32>} : memref<16x64xf32, #tpu.memory_space<vmem>>, vector<1x16xf32>,
      %swap3A_297 = vector.shape_cast %swap3A_296 : vector<1x16xf32> to vector<16xf32>
      %swap3A_298 = vector.shape_cast %div3A_292 : vector<16xf32> to vector<1x16xf32>
      tpu.vector_store %arg9[%swap3A_294, %swap3A_295], %swap3A_298 {strides = array<i32>} : memref<16x64xf32, #tpu.memory_space<vmem>>, vector<1x16xf32>,
      %div3A_299 = arith.divf %parallel_loop3A_223#9, %gather3A_291 : vector<16xf32>
      %swap3A_300 = arith.constant 6 : i32
      %swap3A_301 = arith.index_cast %swap3A_300 : i32 to index
      %swap3A_302 = arith.constant 16 : index
      %swap3A_303 = tpu.vector_load %arg9[%swap3A_301, %swap3A_302] {strides = array<i32>} : memref<16x64xf32, #tpu.memory_space<vmem>>, vector<1x16xf32>,
      %swap3A_304 = vector.shape_cast %swap3A_303 : vector<1x16xf32> to vector<16xf32>
      %swap3A_305 = vector.shape_cast %div3A_299 : vector<16xf32> to vector<1x16xf32>
      tpu.vector_store %arg9[%swap3A_301, %swap3A_302], %swap3A_305 {strides = array<i32>} : memref<16x64xf32, #tpu.memory_space<vmem>>, vector<1x16xf32>,
      %div3A_306 = arith.divf %parallel_loop3A_223#10, %gather3A_291 : vector<16xf32>
      %swap3A_307 = arith.constant 6 : i32
      %swap3A_308 = arith.index_cast %swap3A_307 : i32 to index
      %swap3A_309 = arith.constant 32 : index
      %swap3A_310 = tpu.vector_load %arg9[%swap3A_308, %swap3A_309] {strides = array<i32>} : memref<16x64xf32, #tpu.memory_space<vmem>>, vector<1x16xf32>,
      %swap3A_311 = vector.shape_cast %swap3A_310 : vector<1x16xf32> to vector<16xf32>
      %swap3A_312 = vector.shape_cast %div3A_306 : vector<16xf32> to vector<1x16xf32>
      tpu.vector_store %arg9[%swap3A_308, %swap3A_309], %swap3A_312 {strides = array<i32>} : memref<16x64xf32, #tpu.memory_space<vmem>>, vector<1x16xf32>,
      %div3A_313 = arith.divf %parallel_loop3A_223#11, %gather3A_291 : vector<16xf32>
      %swap3A_314 = arith.constant 6 : i32
      %swap3A_315 = arith.index_cast %swap3A_314 : i32 to index
      %swap3A_316 = arith.constant 48 : index
      %swap3A_317 = tpu.vector_load %arg9[%swap3A_315, %swap3A_316] {strides = array<i32>} : memref<16x64xf32, #tpu.memory_space<vmem>>, vector<1x16xf32>,
      %swap3A_318 = vector.shape_cast %swap3A_317 : vector<1x16xf32> to vector<16xf32>
      %swap3A_319 = vector.shape_cast %div3A_313 : vector<16xf32> to vector<1x16xf32>
      tpu.vector_store %arg9[%swap3A_315, %swap3A_316], %swap3A_319 {strides = array<i32>} : memref<16x64xf32, #tpu.memory_space<vmem>>, vector<1x16xf32>,
      %broadcast_in_dim3A_320 = arith.constant 7 : i32
      %broadcast_in_dim3A_321 = vector.broadcast %broadcast_in_dim3A_320 : i32 to vector<16x1xi32>
      %gather3A_322 = vector.shape_cast %broadcast_in_dim3A_321 : vector<16x1xi32> to vector<16xi32>
      %gather3A_323 = tpu.dynamic_gather %max3A_82[%gather3A_322] in [0] : vector<16xf32>, vector<16xi32> -> vector<16xf32>
      %div3A_324 = arith.divf %parallel_loop3A_223#12, %gather3A_323 : vector<16xf32>
      %swap3A_325 = arith.constant 7 : i32
      %swap3A_326 = arith.index_cast %swap3A_325 : i32 to index
      %swap3A_327 = arith.constant 0 : index
      %swap3A_328 = tpu.vector_load %arg9[%swap3A_326, %swap3A_327] {strides = array<i32>} : memref<16x64xf32, #tpu.memory_space<vmem>>, vector<1x16xf32>,
      %swap3A_329 = vector.shape_cast %swap3A_328 : vector<1x16xf32> to vector<16xf32>
      %swap3A_330 = vector.shape_cast %div3A_324 : vector<16xf32> to vector<1x16xf32>
      tpu.vector_store %arg9[%swap3A_326, %swap3A_327], %swap3A_330 {strides = array<i32>} : memref<16x64xf32, #tpu.memory_space<vmem>>, vector<1x16xf32>,
      %div3A_331 = arith.divf %parallel_loop3A_223#13, %gather3A_323 : vector<16xf32>
      %swap3A_332 = arith.constant 7 : i32
      %swap3A_333 = arith.index_cast %swap3A_332 : i32 to index
      %swap3A_334 = arith.constant 16 : index
      %swap3A_335 = tpu.vector_load %arg9[%swap3A_333, %swap3A_334] {strides = array<i32>} : memref<16x64xf32, #tpu.memory_space<vmem>>, vector<1x16xf32>,
      %swap3A_336 = vector.shape_cast %swap3A_335 : vector<1x16xf32> to vector<16xf32>
      %swap3A_337 = vector.shape_cast %div3A_331 : vector<16xf32> to vector<1x16xf32>
      tpu.vector_store %arg9[%swap3A_333, %swap3A_334], %swap3A_337 {strides = array<i32>} : memref<16x64xf32, #tpu.memory_space<vmem>>, vector<1x16xf32>,
      %div3A_338 = arith.divf %parallel_loop3A_223#14, %gather3A_323 : vector<16xf32>
      %swap3A_339 = arith.constant 7 : i32
      %swap3A_340 = arith.index_cast %swap3A_339 : i32 to index
      %swap3A_341 = arith.constant 32 : index
      %swap3A_342 = tpu.vector_load %arg9[%swap3A_340, %swap3A_341] {strides = array<i32>} : memref<16x64xf32, #tpu.memory_space<vmem>>, vector<1x16xf32>,
      %swap3A_343 = vector.shape_cast %swap3A_342 : vector<1x16xf32> to vector<16xf32>
      %swap3A_344 = vector.shape_cast %div3A_338 : vector<16xf32> to vector<1x16xf32>
      tpu.vector_store %arg9[%swap3A_340, %swap3A_341], %swap3A_344 {strides = array<i32>} : memref<16x64xf32, #tpu.memory_space<vmem>>, vector<1x16xf32>,
      %div3A_345 = arith.divf %parallel_loop3A_223#15, %gather3A_323 : vector<16xf32>
      %swap3A_346 = arith.constant 7 : i32
      %swap3A_347 = arith.index_cast %swap3A_346 : i32 to index
      %swap3A_348 = arith.constant 48 : index
      %swap3A_349 = tpu.vector_load %arg9[%swap3A_347, %swap3A_348] {strides = array<i32>} : memref<16x64xf32, #tpu.memory_space<vmem>>, vector<1x16xf32>,
      %swap3A_350 = vector.shape_cast %swap3A_349 : vector<1x16xf32> to vector<16xf32>
      %swap3A_351 = vector.shape_cast %div3A_345 : vector<16xf32> to vector<1x16xf32>
      tpu.vector_store %arg9[%swap3A_347, %swap3A_348], %swap3A_351 {strides = array<i32>} : memref<16x64xf32, #tpu.memory_space<vmem>>, vector<1x16xf32>,
      %parallel_loop3A_352 = arith.constant 0 : i32
      %parallel_loop3A_353 = arith.constant 50 : i32
      %parallel_loop3A_354 = arith.constant 1 : i32
      %parallel_loop3A_355:16 = scf.for %parallel_loop3A_1195 = %parallel_loop3A_352 to %parallel_loop3A_353 step %parallel_loop3A_354 iter_args(%parallel_loop3A_1196 = %broadcast_in_dim3A_5, %parallel_loop3A_1197 = %broadcast_in_dim3A_5, %parallel_loop3A_1198 = %broadcast_in_dim3A_5, %parallel_loop3A_1199 = %broadcast_in_dim3A_5, %parallel_loop3A_1200 = %broadcast_in_dim3A_5, %parallel_loop3A_1201 = %broadcast_in_dim3A_5, %parallel_loop3A_1202 = %broadcast_in_dim3A_5, %parallel_loop3A_1203 = %broadcast_in_dim3A_5, %parallel_loop3A_1204 = %broadcast_in_dim3A_5, %parallel_loop3A_1205 = %broadcast_in_dim3A_5, %parallel_loop3A_1206 = %broadcast_in_dim3A_5, %parallel_loop3A_1207 = %broadcast_in_dim3A_5, %parallel_loop3A_1208 = %broadcast_in_dim3A_5, %parallel_loop3A_1209 = %broadcast_in_dim3A_5, %parallel_loop3A_1210 = %broadcast_in_dim3A_5, %parallel_loop3A_1211 = %broadcast_in_dim3A_5) -> (vector<16xf32>, vector<16xf32>, vector<16xf32>, vector<16xf32>, vector<16xf32>, vector<16xf32>, vector<16xf32>, vector<16xf32>, vector<16xf32>, vector<16xf32>, vector<16xf32>, vector<16xf32>, vector<16xf32>, vector<16xf32>, vector<16xf32>, vector<16xf32>)  : i32 {
        %parallel_loop3A_1212 = arith.constant 16 : i32
        %parallel_loop3A_1213 = arith.muli %parallel_loop3A_1195, %parallel_loop3A_1212 : i32
        %parallel_loop3A_1214 = arith.constant 8 : i32
        %parallel_loop3A_1215 = arith.addi %parallel_loop3A_1213, %parallel_loop3A_1214 : i32
        %parallel_loop3A_1216 = arith.constant 0 : i32
        %parallel_loop3A_1217 = arith.addi %parallel_loop3A_1215, %parallel_loop3A_1216 : i32
        %parallel_loop3A_1218 = arith.index_cast %parallel_loop3A_1217 : i32 to index
        %parallel_loop3A_1219 = arith.constant 0 : index
        %parallel_loop3A_1220 = tpu.vector_load %arg7[%parallel_loop3A_1218, %parallel_loop3A_1219] {strides = array<i32>} : memref<800x64xf32, #tpu.memory_space<vmem>>, vector<1x16xf32>,
        %parallel_loop3A_1221 = vector.shape_cast %parallel_loop3A_1220 : vector<1x16xf32> to vector<16xf32>
        %parallel_loop3A_1222 = arith.addf %parallel_loop3A_1196, %parallel_loop3A_1221 : vector<16xf32>
        %parallel_loop3A_1223 = arith.index_cast %parallel_loop3A_1217 : i32 to index
        %parallel_loop3A_1224 = arith.constant 16 : index
        %parallel_loop3A_1225 = tpu.vector_load %arg7[%parallel_loop3A_1223, %parallel_loop3A_1224] {strides = array<i32>} : memref<800x64xf32, #tpu.memory_space<vmem>>, vector<1x16xf32>,
        %parallel_loop3A_1226 = vector.shape_cast %parallel_loop3A_1225 : vector<1x16xf32> to vector<16xf32>
        %parallel_loop3A_1227 = arith.addf %parallel_loop3A_1197, %parallel_loop3A_1226 : vector<16xf32>
        %parallel_loop3A_1228 = arith.index_cast %parallel_loop3A_1217 : i32 to index
        %parallel_loop3A_1229 = arith.constant 32 : index
        %parallel_loop3A_1230 = tpu.vector_load %arg7[%parallel_loop3A_1228, %parallel_loop3A_1229] {strides = array<i32>} : memref<800x64xf32, #tpu.memory_space<vmem>>, vector<1x16xf32>,
        %parallel_loop3A_1231 = vector.shape_cast %parallel_loop3A_1230 : vector<1x16xf32> to vector<16xf32>
        %parallel_loop3A_1232 = arith.addf %parallel_loop3A_1198, %parallel_loop3A_1231 : vector<16xf32>
        %parallel_loop3A_1233 = arith.index_cast %parallel_loop3A_1217 : i32 to index
        %parallel_loop3A_1234 = arith.constant 48 : index
        %parallel_loop3A_1235 = tpu.vector_load %arg7[%parallel_loop3A_1233, %parallel_loop3A_1234] {strides = array<i32>} : memref<800x64xf32, #tpu.memory_space<vmem>>, vector<1x16xf32>,
        %parallel_loop3A_1236 = vector.shape_cast %parallel_loop3A_1235 : vector<1x16xf32> to vector<16xf32>
        %parallel_loop3A_1237 = arith.addf %parallel_loop3A_1199, %parallel_loop3A_1236 : vector<16xf32>
        %parallel_loop3A_1238 = arith.constant 16 : i32
        %parallel_loop3A_1239 = arith.muli %parallel_loop3A_1195, %parallel_loop3A_1238 : i32
        %parallel_loop3A_1240 = arith.constant 8 : i32
        %parallel_loop3A_1241 = arith.addi %parallel_loop3A_1239, %parallel_loop3A_1240 : i32
        %parallel_loop3A_1242 = arith.constant 1 : i32
        %parallel_loop3A_1243 = arith.addi %parallel_loop3A_1241, %parallel_loop3A_1242 : i32
        %parallel_loop3A_1244 = arith.index_cast %parallel_loop3A_1243 : i32 to index
        %parallel_loop3A_1245 = arith.constant 0 : index
        %parallel_loop3A_1246 = tpu.vector_load %arg7[%parallel_loop3A_1244, %parallel_loop3A_1245] {strides = array<i32>} : memref<800x64xf32, #tpu.memory_space<vmem>>, vector<1x16xf32>,
        %parallel_loop3A_1247 = vector.shape_cast %parallel_loop3A_1246 : vector<1x16xf32> to vector<16xf32>
        %parallel_loop3A_1248 = arith.addf %parallel_loop3A_1200, %parallel_loop3A_1247 : vector<16xf32>
        %parallel_loop3A_1249 = arith.index_cast %parallel_loop3A_1243 : i32 to index
        %parallel_loop3A_1250 = arith.constant 16 : index
        %parallel_loop3A_1251 = tpu.vector_load %arg7[%parallel_loop3A_1249, %parallel_loop3A_1250] {strides = array<i32>} : memref<800x64xf32, #tpu.memory_space<vmem>>, vector<1x16xf32>,
        %parallel_loop3A_1252 = vector.shape_cast %parallel_loop3A_1251 : vector<1x16xf32> to vector<16xf32>
        %parallel_loop3A_1253 = arith.addf %parallel_loop3A_1201, %parallel_loop3A_1252 : vector<16xf32>
        %parallel_loop3A_1254 = arith.index_cast %parallel_loop3A_1243 : i32 to index
        %parallel_loop3A_1255 = arith.constant 32 : index
        %parallel_loop3A_1256 = tpu.vector_load %arg7[%parallel_loop3A_1254, %parallel_loop3A_1255] {strides = array<i32>} : memref<800x64xf32, #tpu.memory_space<vmem>>, vector<1x16xf32>,
        %parallel_loop3A_1257 = vector.shape_cast %parallel_loop3A_1256 : vector<1x16xf32> to vector<16xf32>
        %parallel_loop3A_1258 = arith.addf %parallel_loop3A_1202, %parallel_loop3A_1257 : vector<16xf32>
        %parallel_loop3A_1259 = arith.index_cast %parallel_loop3A_1243 : i32 to index
        %parallel_loop3A_1260 = arith.constant 48 : index
        %parallel_loop3A_1261 = tpu.vector_load %arg7[%parallel_loop3A_1259, %parallel_loop3A_1260] {strides = array<i32>} : memref<800x64xf32, #tpu.memory_space<vmem>>, vector<1x16xf32>,
        %parallel_loop3A_1262 = vector.shape_cast %parallel_loop3A_1261 : vector<1x16xf32> to vector<16xf32>
        %parallel_loop3A_1263 = arith.addf %parallel_loop3A_1203, %parallel_loop3A_1262 : vector<16xf32>
        %parallel_loop3A_1264 = arith.constant 16 : i32
        %parallel_loop3A_1265 = arith.muli %parallel_loop3A_1195, %parallel_loop3A_1264 : i32
        %parallel_loop3A_1266 = arith.constant 8 : i32
        %parallel_loop3A_1267 = arith.addi %parallel_loop3A_1265, %parallel_loop3A_1266 : i32
        %parallel_loop3A_1268 = arith.constant 2 : i32
        %parallel_loop3A_1269 = arith.addi %parallel_loop3A_1267, %parallel_loop3A_1268 : i32
        %parallel_loop3A_1270 = arith.index_cast %parallel_loop3A_1269 : i32 to index
        %parallel_loop3A_1271 = arith.constant 0 : index
        %parallel_loop3A_1272 = tpu.vector_load %arg7[%parallel_loop3A_1270, %parallel_loop3A_1271] {strides = array<i32>} : memref<800x64xf32, #tpu.memory_space<vmem>>, vector<1x16xf32>,
        %parallel_loop3A_1273 = vector.shape_cast %parallel_loop3A_1272 : vector<1x16xf32> to vector<16xf32>
        %parallel_loop3A_1274 = arith.addf %parallel_loop3A_1204, %parallel_loop3A_1273 : vector<16xf32>
        %parallel_loop3A_1275 = arith.index_cast %parallel_loop3A_1269 : i32 to index
        %parallel_loop3A_1276 = arith.constant 16 : index
        %parallel_loop3A_1277 = tpu.vector_load %arg7[%parallel_loop3A_1275, %parallel_loop3A_1276] {strides = array<i32>} : memref<800x64xf32, #tpu.memory_space<vmem>>, vector<1x16xf32>,
        %parallel_loop3A_1278 = vector.shape_cast %parallel_loop3A_1277 : vector<1x16xf32> to vector<16xf32>
        %parallel_loop3A_1279 = arith.addf %parallel_loop3A_1205, %parallel_loop3A_1278 : vector<16xf32>
        %parallel_loop3A_1280 = arith.index_cast %parallel_loop3A_1269 : i32 to index
        %parallel_loop3A_1281 = arith.constant 32 : index
        %parallel_loop3A_1282 = tpu.vector_load %arg7[%parallel_loop3A_1280, %parallel_loop3A_1281] {strides = array<i32>} : memref<800x64xf32, #tpu.memory_space<vmem>>, vector<1x16xf32>,
        %parallel_loop3A_1283 = vector.shape_cast %parallel_loop3A_1282 : vector<1x16xf32> to vector<16xf32>
        %parallel_loop3A_1284 = arith.addf %parallel_loop3A_1206, %parallel_loop3A_1283 : vector<16xf32>
        %parallel_loop3A_1285 = arith.index_cast %parallel_loop3A_1269 : i32 to index
        %parallel_loop3A_1286 = arith.constant 48 : index
        %parallel_loop3A_1287 = tpu.vector_load %arg7[%parallel_loop3A_1285, %parallel_loop3A_1286] {strides = array<i32>} : memref<800x64xf32, #tpu.memory_space<vmem>>, vector<1x16xf32>,
        %parallel_loop3A_1288 = vector.shape_cast %parallel_loop3A_1287 : vector<1x16xf32> to vector<16xf32>
        %parallel_loop3A_1289 = arith.addf %parallel_loop3A_1207, %parallel_loop3A_1288 : vector<16xf32>
        %parallel_loop3A_1290 = arith.constant 16 : i32
        %parallel_loop3A_1291 = arith.muli %parallel_loop3A_1195, %parallel_loop3A_1290 : i32
        %parallel_loop3A_1292 = arith.constant 8 : i32
        %parallel_loop3A_1293 = arith.addi %parallel_loop3A_1291, %parallel_loop3A_1292 : i32
        %parallel_loop3A_1294 = arith.constant 3 : i32
        %parallel_loop3A_1295 = arith.addi %parallel_loop3A_1293, %parallel_loop3A_1294 : i32
        %parallel_loop3A_1296 = arith.index_cast %parallel_loop3A_1295 : i32 to index
        %parallel_loop3A_1297 = arith.constant 0 : index
        %parallel_loop3A_1298 = tpu.vector_load %arg7[%parallel_loop3A_1296, %parallel_loop3A_1297] {strides = array<i32>} : memref<800x64xf32, #tpu.memory_space<vmem>>, vector<1x16xf32>,
        %parallel_loop3A_1299 = vector.shape_cast %parallel_loop3A_1298 : vector<1x16xf32> to vector<16xf32>
        %parallel_loop3A_1300 = arith.addf %parallel_loop3A_1208, %parallel_loop3A_1299 : vector<16xf32>
        %parallel_loop3A_1301 = arith.index_cast %parallel_loop3A_1295 : i32 to index
        %parallel_loop3A_1302 = arith.constant 16 : index
        %parallel_loop3A_1303 = tpu.vector_load %arg7[%parallel_loop3A_1301, %parallel_loop3A_1302] {strides = array<i32>} : memref<800x64xf32, #tpu.memory_space<vmem>>, vector<1x16xf32>,
        %parallel_loop3A_1304 = vector.shape_cast %parallel_loop3A_1303 : vector<1x16xf32> to vector<16xf32>
        %parallel_loop3A_1305 = arith.addf %parallel_loop3A_1209, %parallel_loop3A_1304 : vector<16xf32>
        %parallel_loop3A_1306 = arith.index_cast %parallel_loop3A_1295 : i32 to index
        %parallel_loop3A_1307 = arith.constant 32 : index
        %parallel_loop3A_1308 = tpu.vector_load %arg7[%parallel_loop3A_1306, %parallel_loop3A_1307] {strides = array<i32>} : memref<800x64xf32, #tpu.memory_space<vmem>>, vector<1x16xf32>,
        %parallel_loop3A_1309 = vector.shape_cast %parallel_loop3A_1308 : vector<1x16xf32> to vector<16xf32>
        %parallel_loop3A_1310 = arith.addf %parallel_loop3A_1210, %parallel_loop3A_1309 : vector<16xf32>
        %parallel_loop3A_1311 = arith.index_cast %parallel_loop3A_1295 : i32 to index
        %parallel_loop3A_1312 = arith.constant 48 : index
        %parallel_loop3A_1313 = tpu.vector_load %arg7[%parallel_loop3A_1311, %parallel_loop3A_1312] {strides = array<i32>} : memref<800x64xf32, #tpu.memory_space<vmem>>, vector<1x16xf32>,
        %parallel_loop3A_1314 = vector.shape_cast %parallel_loop3A_1313 : vector<1x16xf32> to vector<16xf32>
        %parallel_loop3A_1315 = arith.addf %parallel_loop3A_1211, %parallel_loop3A_1314 : vector<16xf32>
        scf.yield %parallel_loop3A_1222, %parallel_loop3A_1227, %parallel_loop3A_1232, %parallel_loop3A_1237, %parallel_loop3A_1248, %parallel_loop3A_1253, %parallel_loop3A_1258, %parallel_loop3A_1263, %parallel_loop3A_1274, %parallel_loop3A_1279, %parallel_loop3A_1284, %parallel_loop3A_1289, %parallel_loop3A_1300, %parallel_loop3A_1305, %parallel_loop3A_1310, %parallel_loop3A_1315 : vector<16xf32>, vector<16xf32>, vector<16xf32>, vector<16xf32>, vector<16xf32>, vector<16xf32>, vector<16xf32>, vector<16xf32>, vector<16xf32>, vector<16xf32>, vector<16xf32>, vector<16xf32>, vector<16xf32>, vector<16xf32>, vector<16xf32>, vector<16xf32>
      } {sc.loop_unroll_factor = 1 : i64, sc.parallel_access}
      %broadcast_in_dim3A_356 = arith.constant 8 : i32
      %broadcast_in_dim3A_357 = vector.broadcast %broadcast_in_dim3A_356 : i32 to vector<16x1xi32>
      %gather3A_358 = vector.shape_cast %broadcast_in_dim3A_357 : vector<16x1xi32> to vector<16xi32>
      %gather3A_359 = tpu.dynamic_gather %max3A_82[%gather3A_358] in [0] : vector<16xf32>, vector<16xi32> -> vector<16xf32>
      %div3A_360 = arith.divf %parallel_loop3A_355#0, %gather3A_359 : vector<16xf32>
      %swap3A_361 = arith.constant 8 : i32
      %swap3A_362 = arith.index_cast %swap3A_361 : i32 to index
      %swap3A_363 = arith.constant 0 : index
      %swap3A_364 = tpu.vector_load %arg9[%swap3A_362, %swap3A_363] {strides = array<i32>} : memref<16x64xf32, #tpu.memory_space<vmem>>, vector<1x16xf32>,
      %swap3A_365 = vector.shape_cast %swap3A_364 : vector<1x16xf32> to vector<16xf32>
      %swap3A_366 = vector.shape_cast %div3A_360 : vector<16xf32> to vector<1x16xf32>
      tpu.vector_store %arg9[%swap3A_362, %swap3A_363], %swap3A_366 {strides = array<i32>} : memref<16x64xf32, #tpu.memory_space<vmem>>, vector<1x16xf32>,
      %div3A_367 = arith.divf %parallel_loop3A_355#1, %gather3A_359 : vector<16xf32>
      %swap3A_368 = arith.constant 8 : i32
      %swap3A_369 = arith.index_cast %swap3A_368 : i32 to index
      %swap3A_370 = arith.constant 16 : index
      %swap3A_371 = tpu.vector_load %arg9[%swap3A_369, %swap3A_370] {strides = array<i32>} : memref<16x64xf32, #tpu.memory_space<vmem>>, vector<1x16xf32>,
      %swap3A_372 = vector.shape_cast %swap3A_371 : vector<1x16xf32> to vector<16xf32>
      %swap3A_373 = vector.shape_cast %div3A_367 : vector<16xf32> to vector<1x16xf32>
      tpu.vector_store %arg9[%swap3A_369, %swap3A_370], %swap3A_373 {strides = array<i32>} : memref<16x64xf32, #tpu.memory_space<vmem>>, vector<1x16xf32>,
      %div3A_374 = arith.divf %parallel_loop3A_355#2, %gather3A_359 : vector<16xf32>
      %swap3A_375 = arith.constant 8 : i32
      %swap3A_376 = arith.index_cast %swap3A_375 : i32 to index
      %swap3A_377 = arith.constant 32 : index
      %swap3A_378 = tpu.vector_load %arg9[%swap3A_376, %swap3A_377] {strides = array<i32>} : memref<16x64xf32, #tpu.memory_space<vmem>>, vector<1x16xf32>,
      %swap3A_379 = vector.shape_cast %swap3A_378 : vector<1x16xf32> to vector<16xf32>
      %swap3A_380 = vector.shape_cast %div3A_374 : vector<16xf32> to vector<1x16xf32>
      tpu.vector_store %arg9[%swap3A_376, %swap3A_377], %swap3A_380 {strides = array<i32>} : memref<16x64xf32, #tpu.memory_space<vmem>>, vector<1x16xf32>,
      %div3A_381 = arith.divf %parallel_loop3A_355#3, %gather3A_359 : vector<16xf32>
      %swap3A_382 = arith.constant 8 : i32
      %swap3A_383 = arith.index_cast %swap3A_382 : i32 to index
      %swap3A_384 = arith.constant 48 : index
      %swap3A_385 = tpu.vector_load %arg9[%swap3A_383, %swap3A_384] {strides = array<i32>} : memref<16x64xf32, #tpu.memory_space<vmem>>, vector<1x16xf32>,
      %swap3A_386 = vector.shape_cast %swap3A_385 : vector<1x16xf32> to vector<16xf32>
      %swap3A_387 = vector.shape_cast %div3A_381 : vector<16xf32> to vector<1x16xf32>
      tpu.vector_store %arg9[%swap3A_383, %swap3A_384], %swap3A_387 {strides = array<i32>} : memref<16x64xf32, #tpu.memory_space<vmem>>, vector<1x16xf32>,
      %broadcast_in_dim3A_388 = arith.constant 9 : i32
      %broadcast_in_dim3A_389 = vector.broadcast %broadcast_in_dim3A_388 : i32 to vector<16x1xi32>
      %gather3A_390 = vector.shape_cast %broadcast_in_dim3A_389 : vector<16x1xi32> to vector<16xi32>
      %gather3A_391 = tpu.dynamic_gather %max3A_82[%gather3A_390] in [0] : vector<16xf32>, vector<16xi32> -> vector<16xf32>
      %div3A_392 = arith.divf %parallel_loop3A_355#4, %gather3A_391 : vector<16xf32>
      %swap3A_393 = arith.constant 9 : i32
      %swap3A_394 = arith.index_cast %swap3A_393 : i32 to index
      %swap3A_395 = arith.constant 0 : index
      %swap3A_396 = tpu.vector_load %arg9[%swap3A_394, %swap3A_395] {strides = array<i32>} : memref<16x64xf32, #tpu.memory_space<vmem>>, vector<1x16xf32>,
      %swap3A_397 = vector.shape_cast %swap3A_396 : vector<1x16xf32> to vector<16xf32>
      %swap3A_398 = vector.shape_cast %div3A_392 : vector<16xf32> to vector<1x16xf32>
      tpu.vector_store %arg9[%swap3A_394, %swap3A_395], %swap3A_398 {strides = array<i32>} : memref<16x64xf32, #tpu.memory_space<vmem>>, vector<1x16xf32>,
      %div3A_399 = arith.divf %parallel_loop3A_355#5, %gather3A_391 : vector<16xf32>
      %swap3A_400 = arith.constant 9 : i32
      %swap3A_401 = arith.index_cast %swap3A_400 : i32 to index
      %swap3A_402 = arith.constant 16 : index
      %swap3A_403 = tpu.vector_load %arg9[%swap3A_401, %swap3A_402] {strides = array<i32>} : memref<16x64xf32, #tpu.memory_space<vmem>>, vector<1x16xf32>,
      %swap3A_404 = vector.shape_cast %swap3A_403 : vector<1x16xf32> to vector<16xf32>
      %swap3A_405 = vector.shape_cast %div3A_399 : vector<16xf32> to vector<1x16xf32>
      tpu.vector_store %arg9[%swap3A_401, %swap3A_402], %swap3A_405 {strides = array<i32>} : memref<16x64xf32, #tpu.memory_space<vmem>>, vector<1x16xf32>,
      %div3A_406 = arith.divf %parallel_loop3A_355#6, %gather3A_391 : vector<16xf32>
      %swap3A_407 = arith.constant 9 : i32
      %swap3A_408 = arith.index_cast %swap3A_407 : i32 to index
      %swap3A_409 = arith.constant 32 : index
      %swap3A_410 = tpu.vector_load %arg9[%swap3A_408, %swap3A_409] {strides = array<i32>} : memref<16x64xf32, #tpu.memory_space<vmem>>, vector<1x16xf32>,
      %swap3A_411 = vector.shape_cast %swap3A_410 : vector<1x16xf32> to vector<16xf32>
      %swap3A_412 = vector.shape_cast %div3A_406 : vector<16xf32> to vector<1x16xf32>
      tpu.vector_store %arg9[%swap3A_408, %swap3A_409], %swap3A_412 {strides = array<i32>} : memref<16x64xf32, #tpu.memory_space<vmem>>, vector<1x16xf32>,
      %div3A_413 = arith.divf %parallel_loop3A_355#7, %gather3A_391 : vector<16xf32>
      %swap3A_414 = arith.constant 9 : i32
      %swap3A_415 = arith.index_cast %swap3A_414 : i32 to index
      %swap3A_416 = arith.constant 48 : index
      %swap3A_417 = tpu.vector_load %arg9[%swap3A_415, %swap3A_416] {strides = array<i32>} : memref<16x64xf32, #tpu.memory_space<vmem>>, vector<1x16xf32>,
      %swap3A_418 = vector.shape_cast %swap3A_417 : vector<1x16xf32> to vector<16xf32>
      %swap3A_419 = vector.shape_cast %div3A_413 : vector<16xf32> to vector<1x16xf32>
      tpu.vector_store %arg9[%swap3A_415, %swap3A_416], %swap3A_419 {strides = array<i32>} : memref<16x64xf32, #tpu.memory_space<vmem>>, vector<1x16xf32>,
      %broadcast_in_dim3A_420 = arith.constant 10 : i32
      %broadcast_in_dim3A_421 = vector.broadcast %broadcast_in_dim3A_420 : i32 to vector<16x1xi32>
      %gather3A_422 = vector.shape_cast %broadcast_in_dim3A_421 : vector<16x1xi32> to vector<16xi32>
      %gather3A_423 = tpu.dynamic_gather %max3A_82[%gather3A_422] in [0] : vector<16xf32>, vector<16xi32> -> vector<16xf32>
      %div3A_424 = arith.divf %parallel_loop3A_355#8, %gather3A_423 : vector<16xf32>
      %swap3A_425 = arith.constant 10 : i32
      %swap3A_426 = arith.index_cast %swap3A_425 : i32 to index
      %swap3A_427 = arith.constant 0 : index
      %swap3A_428 = tpu.vector_load %arg9[%swap3A_426, %swap3A_427] {strides = array<i32>} : memref<16x64xf32, #tpu.memory_space<vmem>>, vector<1x16xf32>,
      %swap3A_429 = vector.shape_cast %swap3A_428 : vector<1x16xf32> to vector<16xf32>
      %swap3A_430 = vector.shape_cast %div3A_424 : vector<16xf32> to vector<1x16xf32>
      tpu.vector_store %arg9[%swap3A_426, %swap3A_427], %swap3A_430 {strides = array<i32>} : memref<16x64xf32, #tpu.memory_space<vmem>>, vector<1x16xf32>,
      %div3A_431 = arith.divf %parallel_loop3A_355#9, %gather3A_423 : vector<16xf32>
      %swap3A_432 = arith.constant 10 : i32
      %swap3A_433 = arith.index_cast %swap3A_432 : i32 to index
      %swap3A_434 = arith.constant 16 : index
      %swap3A_435 = tpu.vector_load %arg9[%swap3A_433, %swap3A_434] {strides = array<i32>} : memref<16x64xf32, #tpu.memory_space<vmem>>, vector<1x16xf32>,
      %swap3A_436 = vector.shape_cast %swap3A_435 : vector<1x16xf32> to vector<16xf32>
      %swap3A_437 = vector.shape_cast %div3A_431 : vector<16xf32> to vector<1x16xf32>
      tpu.vector_store %arg9[%swap3A_433, %swap3A_434], %swap3A_437 {strides = array<i32>} : memref<16x64xf32, #tpu.memory_space<vmem>>, vector<1x16xf32>,
      %div3A_438 = arith.divf %parallel_loop3A_355#10, %gather3A_423 : vector<16xf32>
      %swap3A_439 = arith.constant 10 : i32
      %swap3A_440 = arith.index_cast %swap3A_439 : i32 to index
      %swap3A_441 = arith.constant 32 : index
      %swap3A_442 = tpu.vector_load %arg9[%swap3A_440, %swap3A_441] {strides = array<i32>} : memref<16x64xf32, #tpu.memory_space<vmem>>, vector<1x16xf32>,
      %swap3A_443 = vector.shape_cast %swap3A_442 : vector<1x16xf32> to vector<16xf32>
      %swap3A_444 = vector.shape_cast %div3A_438 : vector<16xf32> to vector<1x16xf32>
      tpu.vector_store %arg9[%swap3A_440, %swap3A_441], %swap3A_444 {strides = array<i32>} : memref<16x64xf32, #tpu.memory_space<vmem>>, vector<1x16xf32>,
      %div3A_445 = arith.divf %parallel_loop3A_355#11, %gather3A_423 : vector<16xf32>
      %swap3A_446 = arith.constant 10 : i32
      %swap3A_447 = arith.index_cast %swap3A_446 : i32 to index
      %swap3A_448 = arith.constant 48 : index
      %swap3A_449 = tpu.vector_load %arg9[%swap3A_447, %swap3A_448] {strides = array<i32>} : memref<16x64xf32, #tpu.memory_space<vmem>>, vector<1x16xf32>,
      %swap3A_450 = vector.shape_cast %swap3A_449 : vector<1x16xf32> to vector<16xf32>
      %swap3A_451 = vector.shape_cast %div3A_445 : vector<16xf32> to vector<1x16xf32>
      tpu.vector_store %arg9[%swap3A_447, %swap3A_448], %swap3A_451 {strides = array<i32>} : memref<16x64xf32, #tpu.memory_space<vmem>>, vector<1x16xf32>,
      %broadcast_in_dim3A_452 = arith.constant 11 : i32
      %broadcast_in_dim3A_453 = vector.broadcast %broadcast_in_dim3A_452 : i32 to vector<16x1xi32>
      %gather3A_454 = vector.shape_cast %broadcast_in_dim3A_453 : vector<16x1xi32> to vector<16xi32>
      %gather3A_455 = tpu.dynamic_gather %max3A_82[%gather3A_454] in [0] : vector<16xf32>, vector<16xi32> -> vector<16xf32>
      %div3A_456 = arith.divf %parallel_loop3A_355#12, %gather3A_455 : vector<16xf32>
      %swap3A_457 = arith.constant 11 : i32
      %swap3A_458 = arith.index_cast %swap3A_457 : i32 to index
      %swap3A_459 = arith.constant 0 : index
      %swap3A_460 = tpu.vector_load %arg9[%swap3A_458, %swap3A_459] {strides = array<i32>} : memref<16x64xf32, #tpu.memory_space<vmem>>, vector<1x16xf32>,
      %swap3A_461 = vector.shape_cast %swap3A_460 : vector<1x16xf32> to vector<16xf32>
      %swap3A_462 = vector.shape_cast %div3A_456 : vector<16xf32> to vector<1x16xf32>
      tpu.vector_store %arg9[%swap3A_458, %swap3A_459], %swap3A_462 {strides = array<i32>} : memref<16x64xf32, #tpu.memory_space<vmem>>, vector<1x16xf32>,
      %div3A_463 = arith.divf %parallel_loop3A_355#13, %gather3A_455 : vector<16xf32>
      %swap3A_464 = arith.constant 11 : i32
      %swap3A_465 = arith.index_cast %swap3A_464 : i32 to index
      %swap3A_466 = arith.constant 16 : index
      %swap3A_467 = tpu.vector_load %arg9[%swap3A_465, %swap3A_466] {strides = array<i32>} : memref<16x64xf32, #tpu.memory_space<vmem>>, vector<1x16xf32>,
      %swap3A_468 = vector.shape_cast %swap3A_467 : vector<1x16xf32> to vector<16xf32>
      %swap3A_469 = vector.shape_cast %div3A_463 : vector<16xf32> to vector<1x16xf32>
      tpu.vector_store %arg9[%swap3A_465, %swap3A_466], %swap3A_469 {strides = array<i32>} : memref<16x64xf32, #tpu.memory_space<vmem>>, vector<1x16xf32>,
      %div3A_470 = arith.divf %parallel_loop3A_355#14, %gather3A_455 : vector<16xf32>
      %swap3A_471 = arith.constant 11 : i32
      %swap3A_472 = arith.index_cast %swap3A_471 : i32 to index
      %swap3A_473 = arith.constant 32 : index
      %swap3A_474 = tpu.vector_load %arg9[%swap3A_472, %swap3A_473] {strides = array<i32>} : memref<16x64xf32, #tpu.memory_space<vmem>>, vector<1x16xf32>,
      %swap3A_475 = vector.shape_cast %swap3A_474 : vector<1x16xf32> to vector<16xf32>
      %swap3A_476 = vector.shape_cast %div3A_470 : vector<16xf32> to vector<1x16xf32>
      tpu.vector_store %arg9[%swap3A_472, %swap3A_473], %swap3A_476 {strides = array<i32>} : memref<16x64xf32, #tpu.memory_space<vmem>>, vector<1x16xf32>,
      %div3A_477 = arith.divf %parallel_loop3A_355#15, %gather3A_455 : vector<16xf32>
      %swap3A_478 = arith.constant 11 : i32
      %swap3A_479 = arith.index_cast %swap3A_478 : i32 to index
      %swap3A_480 = arith.constant 48 : index
      %swap3A_481 = tpu.vector_load %arg9[%swap3A_479, %swap3A_480] {strides = array<i32>} : memref<16x64xf32, #tpu.memory_space<vmem>>, vector<1x16xf32>,
      %swap3A_482 = vector.shape_cast %swap3A_481 : vector<1x16xf32> to vector<16xf32>
      %swap3A_483 = vector.shape_cast %div3A_477 : vector<16xf32> to vector<1x16xf32>
      tpu.vector_store %arg9[%swap3A_479, %swap3A_480], %swap3A_483 {strides = array<i32>} : memref<16x64xf32, #tpu.memory_space<vmem>>, vector<1x16xf32>,
      %parallel_loop3A_484 = arith.constant 0 : i32
      %parallel_loop3A_485 = arith.constant 50 : i32
      %parallel_loop3A_486 = arith.constant 1 : i32
      %parallel_loop3A_487:16 = scf.for %parallel_loop3A_1195 = %parallel_loop3A_484 to %parallel_loop3A_485 step %parallel_loop3A_486 iter_args(%parallel_loop3A_1196 = %broadcast_in_dim3A_5, %parallel_loop3A_1197 = %broadcast_in_dim3A_5, %parallel_loop3A_1198 = %broadcast_in_dim3A_5, %parallel_loop3A_1199 = %broadcast_in_dim3A_5, %parallel_loop3A_1200 = %broadcast_in_dim3A_5, %parallel_loop3A_1201 = %broadcast_in_dim3A_5, %parallel_loop3A_1202 = %broadcast_in_dim3A_5, %parallel_loop3A_1203 = %broadcast_in_dim3A_5, %parallel_loop3A_1204 = %broadcast_in_dim3A_5, %parallel_loop3A_1205 = %broadcast_in_dim3A_5, %parallel_loop3A_1206 = %broadcast_in_dim3A_5, %parallel_loop3A_1207 = %broadcast_in_dim3A_5, %parallel_loop3A_1208 = %broadcast_in_dim3A_5, %parallel_loop3A_1209 = %broadcast_in_dim3A_5, %parallel_loop3A_1210 = %broadcast_in_dim3A_5, %parallel_loop3A_1211 = %broadcast_in_dim3A_5) -> (vector<16xf32>, vector<16xf32>, vector<16xf32>, vector<16xf32>, vector<16xf32>, vector<16xf32>, vector<16xf32>, vector<16xf32>, vector<16xf32>, vector<16xf32>, vector<16xf32>, vector<16xf32>, vector<16xf32>, vector<16xf32>, vector<16xf32>, vector<16xf32>)  : i32 {
        %parallel_loop3A_1212 = arith.constant 16 : i32
        %parallel_loop3A_1213 = arith.muli %parallel_loop3A_1195, %parallel_loop3A_1212 : i32
        %parallel_loop3A_1214 = arith.constant 12 : i32
        %parallel_loop3A_1215 = arith.addi %parallel_loop3A_1213, %parallel_loop3A_1214 : i32
        %parallel_loop3A_1216 = arith.constant 0 : i32
        %parallel_loop3A_1217 = arith.addi %parallel_loop3A_1215, %parallel_loop3A_1216 : i32
        %parallel_loop3A_1218 = arith.index_cast %parallel_loop3A_1217 : i32 to index
        %parallel_loop3A_1219 = arith.constant 0 : index
        %parallel_loop3A_1220 = tpu.vector_load %arg7[%parallel_loop3A_1218, %parallel_loop3A_1219] {strides = array<i32>} : memref<800x64xf32, #tpu.memory_space<vmem>>, vector<1x16xf32>,
        %parallel_loop3A_1221 = vector.shape_cast %parallel_loop3A_1220 : vector<1x16xf32> to vector<16xf32>
        %parallel_loop3A_1222 = arith.addf %parallel_loop3A_1196, %parallel_loop3A_1221 : vector<16xf32>
        %parallel_loop3A_1223 = arith.index_cast %parallel_loop3A_1217 : i32 to index
        %parallel_loop3A_1224 = arith.constant 16 : index
        %parallel_loop3A_1225 = tpu.vector_load %arg7[%parallel_loop3A_1223, %parallel_loop3A_1224] {strides = array<i32>} : memref<800x64xf32, #tpu.memory_space<vmem>>, vector<1x16xf32>,
        %parallel_loop3A_1226 = vector.shape_cast %parallel_loop3A_1225 : vector<1x16xf32> to vector<16xf32>
        %parallel_loop3A_1227 = arith.addf %parallel_loop3A_1197, %parallel_loop3A_1226 : vector<16xf32>
        %parallel_loop3A_1228 = arith.index_cast %parallel_loop3A_1217 : i32 to index
        %parallel_loop3A_1229 = arith.constant 32 : index
        %parallel_loop3A_1230 = tpu.vector_load %arg7[%parallel_loop3A_1228, %parallel_loop3A_1229] {strides = array<i32>} : memref<800x64xf32, #tpu.memory_space<vmem>>, vector<1x16xf32>,
        %parallel_loop3A_1231 = vector.shape_cast %parallel_loop3A_1230 : vector<1x16xf32> to vector<16xf32>
        %parallel_loop3A_1232 = arith.addf %parallel_loop3A_1198, %parallel_loop3A_1231 : vector<16xf32>
        %parallel_loop3A_1233 = arith.index_cast %parallel_loop3A_1217 : i32 to index
        %parallel_loop3A_1234 = arith.constant 48 : index
        %parallel_loop3A_1235 = tpu.vector_load %arg7[%parallel_loop3A_1233, %parallel_loop3A_1234] {strides = array<i32>} : memref<800x64xf32, #tpu.memory_space<vmem>>, vector<1x16xf32>,
        %parallel_loop3A_1236 = vector.shape_cast %parallel_loop3A_1235 : vector<1x16xf32> to vector<16xf32>
        %parallel_loop3A_1237 = arith.addf %parallel_loop3A_1199, %parallel_loop3A_1236 : vector<16xf32>
        %parallel_loop3A_1238 = arith.constant 16 : i32
        %parallel_loop3A_1239 = arith.muli %parallel_loop3A_1195, %parallel_loop3A_1238 : i32
        %parallel_loop3A_1240 = arith.constant 12 : i32
        %parallel_loop3A_1241 = arith.addi %parallel_loop3A_1239, %parallel_loop3A_1240 : i32
        %parallel_loop3A_1242 = arith.constant 1 : i32
        %parallel_loop3A_1243 = arith.addi %parallel_loop3A_1241, %parallel_loop3A_1242 : i32
        %parallel_loop3A_1244 = arith.index_cast %parallel_loop3A_1243 : i32 to index
        %parallel_loop3A_1245 = arith.constant 0 : index
        %parallel_loop3A_1246 = tpu.vector_load %arg7[%parallel_loop3A_1244, %parallel_loop3A_1245] {strides = array<i32>} : memref<800x64xf32, #tpu.memory_space<vmem>>, vector<1x16xf32>,
        %parallel_loop3A_1247 = vector.shape_cast %parallel_loop3A_1246 : vector<1x16xf32> to vector<16xf32>
        %parallel_loop3A_1248 = arith.addf %parallel_loop3A_1200, %parallel_loop3A_1247 : vector<16xf32>
        %parallel_loop3A_1249 = arith.index_cast %parallel_loop3A_1243 : i32 to index
        %parallel_loop3A_1250 = arith.constant 16 : index
        %parallel_loop3A_1251 = tpu.vector_load %arg7[%parallel_loop3A_1249, %parallel_loop3A_1250] {strides = array<i32>} : memref<800x64xf32, #tpu.memory_space<vmem>>, vector<1x16xf32>,
        %parallel_loop3A_1252 = vector.shape_cast %parallel_loop3A_1251 : vector<1x16xf32> to vector<16xf32>
        %parallel_loop3A_1253 = arith.addf %parallel_loop3A_1201, %parallel_loop3A_1252 : vector<16xf32>
        %parallel_loop3A_1254 = arith.index_cast %parallel_loop3A_1243 : i32 to index
        %parallel_loop3A_1255 = arith.constant 32 : index
        %parallel_loop3A_1256 = tpu.vector_load %arg7[%parallel_loop3A_1254, %parallel_loop3A_1255] {strides = array<i32>} : memref<800x64xf32, #tpu.memory_space<vmem>>, vector<1x16xf32>,
        %parallel_loop3A_1257 = vector.shape_cast %parallel_loop3A_1256 : vector<1x16xf32> to vector<16xf32>
        %parallel_loop3A_1258 = arith.addf %parallel_loop3A_1202, %parallel_loop3A_1257 : vector<16xf32>
        %parallel_loop3A_1259 = arith.index_cast %parallel_loop3A_1243 : i32 to index
        %parallel_loop3A_1260 = arith.constant 48 : index
        %parallel_loop3A_1261 = tpu.vector_load %arg7[%parallel_loop3A_1259, %parallel_loop3A_1260] {strides = array<i32>} : memref<800x64xf32, #tpu.memory_space<vmem>>, vector<1x16xf32>,
        %parallel_loop3A_1262 = vector.shape_cast %parallel_loop3A_1261 : vector<1x16xf32> to vector<16xf32>
        %parallel_loop3A_1263 = arith.addf %parallel_loop3A_1203, %parallel_loop3A_1262 : vector<16xf32>
        %parallel_loop3A_1264 = arith.constant 16 : i32
        %parallel_loop3A_1265 = arith.muli %parallel_loop3A_1195, %parallel_loop3A_1264 : i32
        %parallel_loop3A_1266 = arith.constant 12 : i32
        %parallel_loop3A_1267 = arith.addi %parallel_loop3A_1265, %parallel_loop3A_1266 : i32
        %parallel_loop3A_1268 = arith.constant 2 : i32
        %parallel_loop3A_1269 = arith.addi %parallel_loop3A_1267, %parallel_loop3A_1268 : i32
        %parallel_loop3A_1270 = arith.index_cast %parallel_loop3A_1269 : i32 to index
        %parallel_loop3A_1271 = arith.constant 0 : index
        %parallel_loop3A_1272 = tpu.vector_load %arg7[%parallel_loop3A_1270, %parallel_loop3A_1271] {strides = array<i32>} : memref<800x64xf32, #tpu.memory_space<vmem>>, vector<1x16xf32>,
        %parallel_loop3A_1273 = vector.shape_cast %parallel_loop3A_1272 : vector<1x16xf32> to vector<16xf32>
        %parallel_loop3A_1274 = arith.addf %parallel_loop3A_1204, %parallel_loop3A_1273 : vector<16xf32>
        %parallel_loop3A_1275 = arith.index_cast %parallel_loop3A_1269 : i32 to index
        %parallel_loop3A_1276 = arith.constant 16 : index
        %parallel_loop3A_1277 = tpu.vector_load %arg7[%parallel_loop3A_1275, %parallel_loop3A_1276] {strides = array<i32>} : memref<800x64xf32, #tpu.memory_space<vmem>>, vector<1x16xf32>,
        %parallel_loop3A_1278 = vector.shape_cast %parallel_loop3A_1277 : vector<1x16xf32> to vector<16xf32>
        %parallel_loop3A_1279 = arith.addf %parallel_loop3A_1205, %parallel_loop3A_1278 : vector<16xf32>
        %parallel_loop3A_1280 = arith.index_cast %parallel_loop3A_1269 : i32 to index
        %parallel_loop3A_1281 = arith.constant 32 : index
        %parallel_loop3A_1282 = tpu.vector_load %arg7[%parallel_loop3A_1280, %parallel_loop3A_1281] {strides = array<i32>} : memref<800x64xf32, #tpu.memory_space<vmem>>, vector<1x16xf32>,
        %parallel_loop3A_1283 = vector.shape_cast %parallel_loop3A_1282 : vector<1x16xf32> to vector<16xf32>
        %parallel_loop3A_1284 = arith.addf %parallel_loop3A_1206, %parallel_loop3A_1283 : vector<16xf32>
        %parallel_loop3A_1285 = arith.index_cast %parallel_loop3A_1269 : i32 to index
        %parallel_loop3A_1286 = arith.constant 48 : index
        %parallel_loop3A_1287 = tpu.vector_load %arg7[%parallel_loop3A_1285, %parallel_loop3A_1286] {strides = array<i32>} : memref<800x64xf32, #tpu.memory_space<vmem>>, vector<1x16xf32>,
        %parallel_loop3A_1288 = vector.shape_cast %parallel_loop3A_1287 : vector<1x16xf32> to vector<16xf32>
        %parallel_loop3A_1289 = arith.addf %parallel_loop3A_1207, %parallel_loop3A_1288 : vector<16xf32>
        %parallel_loop3A_1290 = arith.constant 16 : i32
        %parallel_loop3A_1291 = arith.muli %parallel_loop3A_1195, %parallel_loop3A_1290 : i32
        %parallel_loop3A_1292 = arith.constant 12 : i32
        %parallel_loop3A_1293 = arith.addi %parallel_loop3A_1291, %parallel_loop3A_1292 : i32
        %parallel_loop3A_1294 = arith.constant 3 : i32
        %parallel_loop3A_1295 = arith.addi %parallel_loop3A_1293, %parallel_loop3A_1294 : i32
        %parallel_loop3A_1296 = arith.index_cast %parallel_loop3A_1295 : i32 to index
        %parallel_loop3A_1297 = arith.constant 0 : index
        %parallel_loop3A_1298 = tpu.vector_load %arg7[%parallel_loop3A_1296, %parallel_loop3A_1297] {strides = array<i32>} : memref<800x64xf32, #tpu.memory_space<vmem>>, vector<1x16xf32>,
        %parallel_loop3A_1299 = vector.shape_cast %parallel_loop3A_1298 : vector<1x16xf32> to vector<16xf32>
        %parallel_loop3A_1300 = arith.addf %parallel_loop3A_1208, %parallel_loop3A_1299 : vector<16xf32>
        %parallel_loop3A_1301 = arith.index_cast %parallel_loop3A_1295 : i32 to index
        %parallel_loop3A_1302 = arith.constant 16 : index
        %parallel_loop3A_1303 = tpu.vector_load %arg7[%parallel_loop3A_1301, %parallel_loop3A_1302] {strides = array<i32>} : memref<800x64xf32, #tpu.memory_space<vmem>>, vector<1x16xf32>,
        %parallel_loop3A_1304 = vector.shape_cast %parallel_loop3A_1303 : vector<1x16xf32> to vector<16xf32>
        %parallel_loop3A_1305 = arith.addf %parallel_loop3A_1209, %parallel_loop3A_1304 : vector<16xf32>
        %parallel_loop3A_1306 = arith.index_cast %parallel_loop3A_1295 : i32 to index
        %parallel_loop3A_1307 = arith.constant 32 : index
        %parallel_loop3A_1308 = tpu.vector_load %arg7[%parallel_loop3A_1306, %parallel_loop3A_1307] {strides = array<i32>} : memref<800x64xf32, #tpu.memory_space<vmem>>, vector<1x16xf32>,
        %parallel_loop3A_1309 = vector.shape_cast %parallel_loop3A_1308 : vector<1x16xf32> to vector<16xf32>
        %parallel_loop3A_1310 = arith.addf %parallel_loop3A_1210, %parallel_loop3A_1309 : vector<16xf32>
        %parallel_loop3A_1311 = arith.index_cast %parallel_loop3A_1295 : i32 to index
        %parallel_loop3A_1312 = arith.constant 48 : index
        %parallel_loop3A_1313 = tpu.vector_load %arg7[%parallel_loop3A_1311, %parallel_loop3A_1312] {strides = array<i32>} : memref<800x64xf32, #tpu.memory_space<vmem>>, vector<1x16xf32>,
        %parallel_loop3A_1314 = vector.shape_cast %parallel_loop3A_1313 : vector<1x16xf32> to vector<16xf32>
        %parallel_loop3A_1315 = arith.addf %parallel_loop3A_1211, %parallel_loop3A_1314 : vector<16xf32>
        scf.yield %parallel_loop3A_1222, %parallel_loop3A_1227, %parallel_loop3A_1232, %parallel_loop3A_1237, %parallel_loop3A_1248, %parallel_loop3A_1253, %parallel_loop3A_1258, %parallel_loop3A_1263, %parallel_loop3A_1274, %parallel_loop3A_1279, %parallel_loop3A_1284, %parallel_loop3A_1289, %parallel_loop3A_1300, %parallel_loop3A_1305, %parallel_loop3A_1310, %parallel_loop3A_1315 : vector<16xf32>, vector<16xf32>, vector<16xf32>, vector<16xf32>, vector<16xf32>, vector<16xf32>, vector<16xf32>, vector<16xf32>, vector<16xf32>, vector<16xf32>, vector<16xf32>, vector<16xf32>, vector<16xf32>, vector<16xf32>, vector<16xf32>, vector<16xf32>
      } {sc.loop_unroll_factor = 1 : i64, sc.parallel_access}
      %broadcast_in_dim3A_488 = arith.constant 12 : i32
      %broadcast_in_dim3A_489 = vector.broadcast %broadcast_in_dim3A_488 : i32 to vector<16x1xi32>
      %gather3A_490 = vector.shape_cast %broadcast_in_dim3A_489 : vector<16x1xi32> to vector<16xi32>
      %gather3A_491 = tpu.dynamic_gather %max3A_82[%gather3A_490] in [0] : vector<16xf32>, vector<16xi32> -> vector<16xf32>
      %div3A_492 = arith.divf %parallel_loop3A_487#0, %gather3A_491 : vector<16xf32>
      %swap3A_493 = arith.constant 12 : i32
      %swap3A_494 = arith.index_cast %swap3A_493 : i32 to index
      %swap3A_495 = arith.constant 0 : index
      %swap3A_496 = tpu.vector_load %arg9[%swap3A_494, %swap3A_495] {strides = array<i32>} : memref<16x64xf32, #tpu.memory_space<vmem>>, vector<1x16xf32>,
      %swap3A_497 = vector.shape_cast %swap3A_496 : vector<1x16xf32> to vector<16xf32>
      %swap3A_498 = vector.shape_cast %div3A_492 : vector<16xf32> to vector<1x16xf32>
      tpu.vector_store %arg9[%swap3A_494, %swap3A_495], %swap3A_498 {strides = array<i32>} : memref<16x64xf32, #tpu.memory_space<vmem>>, vector<1x16xf32>,
      %div3A_499 = arith.divf %parallel_loop3A_487#1, %gather3A_491 : vector<16xf32>
      %swap3A_500 = arith.constant 12 : i32
      %swap3A_501 = arith.index_cast %swap3A_500 : i32 to index
      %swap3A_502 = arith.constant 16 : index
      %swap3A_503 = tpu.vector_load %arg9[%swap3A_501, %swap3A_502] {strides = array<i32>} : memref<16x64xf32, #tpu.memory_space<vmem>>, vector<1x16xf32>,
      %swap3A_504 = vector.shape_cast %swap3A_503 : vector<1x16xf32> to vector<16xf32>
      %swap3A_505 = vector.shape_cast %div3A_499 : vector<16xf32> to vector<1x16xf32>
      tpu.vector_store %arg9[%swap3A_501, %swap3A_502], %swap3A_505 {strides = array<i32>} : memref<16x64xf32, #tpu.memory_space<vmem>>, vector<1x16xf32>,
      %div3A_506 = arith.divf %parallel_loop3A_487#2, %gather3A_491 : vector<16xf32>
      %swap3A_507 = arith.constant 12 : i32
      %swap3A_508 = arith.index_cast %swap3A_507 : i32 to index
      %swap3A_509 = arith.constant 32 : index
      %swap3A_510 = tpu.vector_load %arg9[%swap3A_508, %swap3A_509] {strides = array<i32>} : memref<16x64xf32, #tpu.memory_space<vmem>>, vector<1x16xf32>,
      %swap3A_511 = vector.shape_cast %swap3A_510 : vector<1x16xf32> to vector<16xf32>
      %swap3A_512 = vector.shape_cast %div3A_506 : vector<16xf32> to vector<1x16xf32>
      tpu.vector_store %arg9[%swap3A_508, %swap3A_509], %swap3A_512 {strides = array<i32>} : memref<16x64xf32, #tpu.memory_space<vmem>>, vector<1x16xf32>,
      %div3A_513 = arith.divf %parallel_loop3A_487#3, %gather3A_491 : vector<16xf32>
      %swap3A_514 = arith.constant 12 : i32
      %swap3A_515 = arith.index_cast %swap3A_514 : i32 to index
      %swap3A_516 = arith.constant 48 : index
      %swap3A_517 = tpu.vector_load %arg9[%swap3A_515, %swap3A_516] {strides = array<i32>} : memref<16x64xf32, #tpu.memory_space<vmem>>, vector<1x16xf32>,
      %swap3A_518 = vector.shape_cast %swap3A_517 : vector<1x16xf32> to vector<16xf32>
      %swap3A_519 = vector.shape_cast %div3A_513 : vector<16xf32> to vector<1x16xf32>
      tpu.vector_store %arg9[%swap3A_515, %swap3A_516], %swap3A_519 {strides = array<i32>} : memref<16x64xf32, #tpu.memory_space<vmem>>, vector<1x16xf32>,
      %broadcast_in_dim3A_520 = arith.constant 13 : i32
      %broadcast_in_dim3A_521 = vector.broadcast %broadcast_in_dim3A_520 : i32 to vector<16x1xi32>
      %gather3A_522 = vector.shape_cast %broadcast_in_dim3A_521 : vector<16x1xi32> to vector<16xi32>
      %gather3A_523 = tpu.dynamic_gather %max3A_82[%gather3A_522] in [0] : vector<16xf32>, vector<16xi32> -> vector<16xf32>
      %div3A_524 = arith.divf %parallel_loop3A_487#4, %gather3A_523 : vector<16xf32>
      %swap3A_525 = arith.constant 13 : i32
      %swap3A_526 = arith.index_cast %swap3A_525 : i32 to index
      %swap3A_527 = arith.constant 0 : index
      %swap3A_528 = tpu.vector_load %arg9[%swap3A_526, %swap3A_527] {strides = array<i32>} : memref<16x64xf32, #tpu.memory_space<vmem>>, vector<1x16xf32>,
      %swap3A_529 = vector.shape_cast %swap3A_528 : vector<1x16xf32> to vector<16xf32>
      %swap3A_530 = vector.shape_cast %div3A_524 : vector<16xf32> to vector<1x16xf32>
      tpu.vector_store %arg9[%swap3A_526, %swap3A_527], %swap3A_530 {strides = array<i32>} : memref<16x64xf32, #tpu.memory_space<vmem>>, vector<1x16xf32>,
      %div3A_531 = arith.divf %parallel_loop3A_487#5, %gather3A_523 : vector<16xf32>
      %swap3A_532 = arith.constant 13 : i32
      %swap3A_533 = arith.index_cast %swap3A_532 : i32 to index
      %swap3A_534 = arith.constant 16 : index
      %swap3A_535 = tpu.vector_load %arg9[%swap3A_533, %swap3A_534] {strides = array<i32>} : memref<16x64xf32, #tpu.memory_space<vmem>>, vector<1x16xf32>,
      %swap3A_536 = vector.shape_cast %swap3A_535 : vector<1x16xf32> to vector<16xf32>
      %swap3A_537 = vector.shape_cast %div3A_531 : vector<16xf32> to vector<1x16xf32>
      tpu.vector_store %arg9[%swap3A_533, %swap3A_534], %swap3A_537 {strides = array<i32>} : memref<16x64xf32, #tpu.memory_space<vmem>>, vector<1x16xf32>,
      %div3A_538 = arith.divf %parallel_loop3A_487#6, %gather3A_523 : vector<16xf32>
      %swap3A_539 = arith.constant 13 : i32
      %swap3A_540 = arith.index_cast %swap3A_539 : i32 to index
      %swap3A_541 = arith.constant 32 : index
      %swap3A_542 = tpu.vector_load %arg9[%swap3A_540, %swap3A_541] {strides = array<i32>} : memref<16x64xf32, #tpu.memory_space<vmem>>, vector<1x16xf32>,
      %swap3A_543 = vector.shape_cast %swap3A_542 : vector<1x16xf32> to vector<16xf32>
      %swap3A_544 = vector.shape_cast %div3A_538 : vector<16xf32> to vector<1x16xf32>
      tpu.vector_store %arg9[%swap3A_540, %swap3A_541], %swap3A_544 {strides = array<i32>} : memref<16x64xf32, #tpu.memory_space<vmem>>, vector<1x16xf32>,
      %div3A_545 = arith.divf %parallel_loop3A_487#7, %gather3A_523 : vector<16xf32>
      %swap3A_546 = arith.constant 13 : i32
      %swap3A_547 = arith.index_cast %swap3A_546 : i32 to index
      %swap3A_548 = arith.constant 48 : index
      %swap3A_549 = tpu.vector_load %arg9[%swap3A_547, %swap3A_548] {strides = array<i32>} : memref<16x64xf32, #tpu.memory_space<vmem>>, vector<1x16xf32>,
      %swap3A_550 = vector.shape_cast %swap3A_549 : vector<1x16xf32> to vector<16xf32>
      %swap3A_551 = vector.shape_cast %div3A_545 : vector<16xf32> to vector<1x16xf32>
      tpu.vector_store %arg9[%swap3A_547, %swap3A_548], %swap3A_551 {strides = array<i32>} : memref<16x64xf32, #tpu.memory_space<vmem>>, vector<1x16xf32>,
      %broadcast_in_dim3A_552 = arith.constant 14 : i32
      %broadcast_in_dim3A_553 = vector.broadcast %broadcast_in_dim3A_552 : i32 to vector<16x1xi32>
      %gather3A_554 = vector.shape_cast %broadcast_in_dim3A_553 : vector<16x1xi32> to vector<16xi32>
      %gather3A_555 = tpu.dynamic_gather %max3A_82[%gather3A_554] in [0] : vector<16xf32>, vector<16xi32> -> vector<16xf32>
      %div3A_556 = arith.divf %parallel_loop3A_487#8, %gather3A_555 : vector<16xf32>
      %swap3A_557 = arith.constant 14 : i32
      %swap3A_558 = arith.index_cast %swap3A_557 : i32 to index
      %swap3A_559 = arith.constant 0 : index
      %swap3A_560 = tpu.vector_load %arg9[%swap3A_558, %swap3A_559] {strides = array<i32>} : memref<16x64xf32, #tpu.memory_space<vmem>>, vector<1x16xf32>,
      %swap3A_561 = vector.shape_cast %swap3A_560 : vector<1x16xf32> to vector<16xf32>
      %swap3A_562 = vector.shape_cast %div3A_556 : vector<16xf32> to vector<1x16xf32>
      tpu.vector_store %arg9[%swap3A_558, %swap3A_559], %swap3A_562 {strides = array<i32>} : memref<16x64xf32, #tpu.memory_space<vmem>>, vector<1x16xf32>,
      %div3A_563 = arith.divf %parallel_loop3A_487#9, %gather3A_555 : vector<16xf32>
      %swap3A_564 = arith.constant 14 : i32
      %swap3A_565 = arith.index_cast %swap3A_564 : i32 to index
      %swap3A_566 = arith.constant 16 : index
      %swap3A_567 = tpu.vector_load %arg9[%swap3A_565, %swap3A_566] {strides = array<i32>} : memref<16x64xf32, #tpu.memory_space<vmem>>, vector<1x16xf32>,
      %swap3A_568 = vector.shape_cast %swap3A_567 : vector<1x16xf32> to vector<16xf32>
      %swap3A_569 = vector.shape_cast %div3A_563 : vector<16xf32> to vector<1x16xf32>
      tpu.vector_store %arg9[%swap3A_565, %swap3A_566], %swap3A_569 {strides = array<i32>} : memref<16x64xf32, #tpu.memory_space<vmem>>, vector<1x16xf32>,
      %div3A_570 = arith.divf %parallel_loop3A_487#10, %gather3A_555 : vector<16xf32>
      %swap3A_571 = arith.constant 14 : i32
      %swap3A_572 = arith.index_cast %swap3A_571 : i32 to index
      %swap3A_573 = arith.constant 32 : index
      %swap3A_574 = tpu.vector_load %arg9[%swap3A_572, %swap3A_573] {strides = array<i32>} : memref<16x64xf32, #tpu.memory_space<vmem>>, vector<1x16xf32>,
      %swap3A_575 = vector.shape_cast %swap3A_574 : vector<1x16xf32> to vector<16xf32>
      %swap3A_576 = vector.shape_cast %div3A_570 : vector<16xf32> to vector<1x16xf32>
      tpu.vector_store %arg9[%swap3A_572, %swap3A_573], %swap3A_576 {strides = array<i32>} : memref<16x64xf32, #tpu.memory_space<vmem>>, vector<1x16xf32>,
      %div3A_577 = arith.divf %parallel_loop3A_487#11, %gather3A_555 : vector<16xf32>
      %swap3A_578 = arith.constant 14 : i32
      %swap3A_579 = arith.index_cast %swap3A_578 : i32 to index
      %swap3A_580 = arith.constant 48 : index
      %swap3A_581 = tpu.vector_load %arg9[%swap3A_579, %swap3A_580] {strides = array<i32>} : memref<16x64xf32, #tpu.memory_space<vmem>>, vector<1x16xf32>,
      %swap3A_582 = vector.shape_cast %swap3A_581 : vector<1x16xf32> to vector<16xf32>
      %swap3A_583 = vector.shape_cast %div3A_577 : vector<16xf32> to vector<1x16xf32>
      tpu.vector_store %arg9[%swap3A_579, %swap3A_580], %swap3A_583 {strides = array<i32>} : memref<16x64xf32, #tpu.memory_space<vmem>>, vector<1x16xf32>,
      %broadcast_in_dim3A_584 = arith.constant 15 : i32
      %broadcast_in_dim3A_585 = vector.broadcast %broadcast_in_dim3A_584 : i32 to vector<16x1xi32>
      %gather3A_586 = vector.shape_cast %broadcast_in_dim3A_585 : vector<16x1xi32> to vector<16xi32>
      %gather3A_587 = tpu.dynamic_gather %max3A_82[%gather3A_586] in [0] : vector<16xf32>, vector<16xi32> -> vector<16xf32>
      %div3A_588 = arith.divf %parallel_loop3A_487#12, %gather3A_587 : vector<16xf32>
      %swap3A_589 = arith.constant 15 : i32
      %swap3A_590 = arith.index_cast %swap3A_589 : i32 to index
      %swap3A_591 = arith.constant 0 : index
      %swap3A_592 = tpu.vector_load %arg9[%swap3A_590, %swap3A_591] {strides = array<i32>} : memref<16x64xf32, #tpu.memory_space<vmem>>, vector<1x16xf32>,
      %swap3A_593 = vector.shape_cast %swap3A_592 : vector<1x16xf32> to vector<16xf32>
      %swap3A_594 = vector.shape_cast %div3A_588 : vector<16xf32> to vector<1x16xf32>
      tpu.vector_store %arg9[%swap3A_590, %swap3A_591], %swap3A_594 {strides = array<i32>} : memref<16x64xf32, #tpu.memory_space<vmem>>, vector<1x16xf32>,
      %div3A_595 = arith.divf %parallel_loop3A_487#13, %gather3A_587 : vector<16xf32>
      %swap3A_596 = arith.constant 15 : i32
      %swap3A_597 = arith.index_cast %swap3A_596 : i32 to index
      %swap3A_598 = arith.constant 16 : index
      %swap3A_599 = tpu.vector_load %arg9[%swap3A_597, %swap3A_598] {strides = array<i32>} : memref<16x64xf32, #tpu.memory_space<vmem>>, vector<1x16xf32>,
      %swap3A_600 = vector.shape_cast %swap3A_599 : vector<1x16xf32> to vector<16xf32>
      %swap3A_601 = vector.shape_cast %div3A_595 : vector<16xf32> to vector<1x16xf32>
      tpu.vector_store %arg9[%swap3A_597, %swap3A_598], %swap3A_601 {strides = array<i32>} : memref<16x64xf32, #tpu.memory_space<vmem>>, vector<1x16xf32>,
      %div3A_602 = arith.divf %parallel_loop3A_487#14, %gather3A_587 : vector<16xf32>
      %swap3A_603 = arith.constant 15 : i32
      %swap3A_604 = arith.index_cast %swap3A_603 : i32 to index
      %swap3A_605 = arith.constant 32 : index
      %swap3A_606 = tpu.vector_load %arg9[%swap3A_604, %swap3A_605] {strides = array<i32>} : memref<16x64xf32, #tpu.memory_space<vmem>>, vector<1x16xf32>,
      %swap3A_607 = vector.shape_cast %swap3A_606 : vector<1x16xf32> to vector<16xf32>
      %swap3A_608 = vector.shape_cast %div3A_602 : vector<16xf32> to vector<1x16xf32>
      tpu.vector_store %arg9[%swap3A_604, %swap3A_605], %swap3A_608 {strides = array<i32>} : memref<16x64xf32, #tpu.memory_space<vmem>>, vector<1x16xf32>,
      %div3A_609 = arith.divf %parallel_loop3A_487#15, %gather3A_587 : vector<16xf32>
      %swap3A_610 = arith.constant 15 : i32
      %swap3A_611 = arith.index_cast %swap3A_610 : i32 to index
      %swap3A_612 = arith.constant 48 : index
      %swap3A_613 = tpu.vector_load %arg9[%swap3A_611, %swap3A_612] {strides = array<i32>} : memref<16x64xf32, #tpu.memory_space<vmem>>, vector<1x16xf32>,
      %swap3A_614 = vector.shape_cast %swap3A_613 : vector<1x16xf32> to vector<16xf32>
      %swap3A_615 = vector.shape_cast %div3A_609 : vector<16xf32> to vector<1x16xf32>
      tpu.vector_store %arg9[%swap3A_611, %swap3A_612], %swap3A_615 {strides = array<i32>} : memref<16x64xf32, #tpu.memory_space<vmem>>, vector<1x16xf32>,
      %mul3A_616 = arith.constant 16 : i32
      %mul3A_617 = arith.muli %mul3A_50, %mul3A_616 : i32
      %add3A_618 = arith.addi %mul3A_2, %mul3A_617 : i32
      %dma_start3A_619 = arith.constant 0 : i32
      %dma_start3A_620 = tpu.memref_slice %arg4[%add3A_618, %dma_start3A_619] : memref<16384x64xf32, #tpu.memory_space<hbm>> -> memref<16x64xf32, #tpu.memory_space<hbm>>
      %dma_start3A_621 = arith.constant 0 : i32
      %dma_start3A_622 = tpu.memref_slice %arg4[%add3A_618, %dma_start3A_621] : memref<16384x64xf32, #tpu.memory_space<hbm>> -> memref<16x64xf32, #tpu.memory_space<hbm>>
      tpu.enqueue_dma source(%arg9 : memref<16x64xf32, #tpu.memory_space<vmem>>) target(%dma_start3A_622 : memref<16x64xf32, #tpu.memory_space<hbm>>) target_semaphore(%arg15 : memref<!tpu.dma_semaphore, #tpu.memory_space<semaphore_mem>>)
      %mul3A_623 = arith.constant 16 : i32
      %mul3A_624 = arith.muli %min3A_57, %mul3A_623 : i32
      %add3A_625 = arith.addi %mul3A_2, %mul3A_624 : i32
      %mul3A_626 = arith.constant 50 : i32
      %mul3A_627 = arith.muli %add3A_625, %mul3A_626 : i32
      %dma_wait3A_628 = tpu.memref_slice %arg2[%mul3A_627] : memref<819200xi32, #tpu.memory_space<hbm>> -> memref<800xi32, #tpu.memory_space<hbm>>
      %dma_wait3A_629 = tpu.memref_slice %arg2[%mul3A_627] : memref<819200xi32, #tpu.memory_space<hbm>> -> memref<800xi32, #tpu.memory_space<hbm>>
      tpu.wait_dma2 semaphore(%arg11 : memref<!tpu.dma_semaphore, #tpu.memory_space<semaphore_mem>>) src(%dma_wait3A_629 : memref<800xi32, #tpu.memory_space<hbm>>) dst(%arg5 : memref<800xi32, #tpu.memory_space<vmem>>)
      %add3A_630 = arith.constant 2 : i32
      %add3A_631 = arith.addi %mul3A_50, %add3A_630 : i32
      %lt3A = arith.constant 32 : i32
      %lt3A_632 = arith.cmpi slt, %add3A_631, %lt3A : i32
      %convert_element_type3A_633 = arith.extui %lt3A_632 : i1 to i32
      %cond3A_634 = arith.constant 0 : i32
      %cond3A_635 = arith.cmpi ne, %convert_element_type3A_633, %cond3A_634 : i32
      scf.if %cond3A_635 {
        %dma_start3A_1195 = arith.constant 0 : i32
        %dma_start3A_1196 = arith.constant 0 : i32
        %dma_start3A_1197 = tpu.memref_slice %arg3[%dma_start3A_1195, %dma_start3A_1196] : memref<1000000x64xf32, #tpu.memory_space<hbm>> -> memref<1000000x64xf32, #tpu.memory_space<hbm>>
        tpu.enqueue_indirect_dma source(%dma_start3A_1197 : memref<1000000x64xf32, #tpu.memory_space<hbm>>) target(%arg7 : memref<800x64xf32, #tpu.memory_space<vmem>>) offsets(%arg5 : memref<800xi32, #tpu.memory_space<vmem>>) semaphore(%arg13 : memref<!tpu.dma_semaphore, #tpu.memory_space<semaphore_mem>>)
      } else {
      }
      %dma_wait3A_636 = arith.constant 0 : i32
      %dma_wait3A_637 = arith.constant 0 : i32
      %dma_wait3A_638 = tpu.memref_slice %arg3[%dma_wait3A_636, %dma_wait3A_637] : memref<1000000x64xf32, #tpu.memory_space<hbm>> -> memref<1000000x64xf32, #tpu.memory_space<hbm>>
      tpu.wait_indirect_dma semaphore(%arg14 : memref<!tpu.dma_semaphore, #tpu.memory_space<semaphore_mem>>) src(%dma_wait3A_638 : memref<1000000x64xf32, #tpu.memory_space<hbm>>) dst(%arg8 : memref<800x64xf32, #tpu.memory_space<vmem>>)
      %scan3A_639 = arith.constant 0 : i32
      %scan3A_640 = arith.constant 50 : i32
      %scan3A_641 = arith.addi %scan3A_639, %scan3A_640 : i32
      %scan3A_642 = arith.constant 1 : i32
      %scan3A_643 = scf.for %scan3A_1195 = %scan3A_639 to %scan3A_641 step %scan3A_642 iter_args(%scan3A_1196 = %broadcast_in_dim3A_5) -> (vector<16xf32>)  : i32 {
        %mul3A_1197 = arith.constant 16 : i32
        %mul3A_1198 = arith.muli %scan3A_1195, %mul3A_1197 : i32
        %get3A = arith.index_cast %mul3A_1198 : i32 to index
        %get3A_1199 = tpu.vector_load %arg6[%get3A] {strides = array<i32>} : memref<800xi32, #tpu.memory_space<vmem>>, vector<16xi32>,
        %get3A_1200 = vector.shape_cast %get3A_1199 : vector<16xi32> to vector<16xi32>
        %ne3A = arith.constant 0 : i32
        %ne3A_1201 = vector.broadcast %ne3A : i32 to vector<16xi32>
        %ne3A_1202 = arith.cmpi ne, %get3A_1200, %ne3A_1201 : vector<16xi32>
        %select_n3A = arith.select %ne3A_1202, %broadcast_in_dim3A_3, %broadcast_in_dim3A_5 : vector<16xi1>, vector<16xf32>
        %add3A_1203 = arith.addf %scan3A_1196, %select_n3A : vector<16xf32>
        scf.yield %add3A_1203 : vector<16xf32>
      }
      %scan3A_644 = arith.constant 50 : i32
      %max3A_645 = arith.constant 1.000000e+00 : f32
      %max3A_646 = vector.broadcast %max3A_645 : f32 to vector<16xf32>
      %max3A_647 = arith.maximumf %scan3A_643, %max3A_646 : vector<16xf32>
      %mul3A_648 = arith.constant 16 : i32
      %mul3A_649 = arith.muli %min3A_61, %mul3A_648 : i32
      %add3A_650 = arith.addi %mul3A_2, %mul3A_649 : i32
      %mul3A_651 = arith.constant 50 : i32
      %mul3A_652 = arith.muli %add3A_650, %mul3A_651 : i32
      %dma_start3A_653 = tpu.memref_slice %arg2[%mul3A_652] : memref<819200xi32, #tpu.memory_space<hbm>> -> memref<800xi32, #tpu.memory_space<hbm>>
      %dma_start3A_654 = tpu.memref_slice %arg2[%mul3A_652] : memref<819200xi32, #tpu.memory_space<hbm>> -> memref<800xi32, #tpu.memory_space<hbm>>
      tpu.enqueue_dma source(%dma_start3A_654 : memref<800xi32, #tpu.memory_space<hbm>>) target(%arg6 : memref<800xi32, #tpu.memory_space<vmem>>) target_semaphore(%arg12 : memref<!tpu.dma_semaphore, #tpu.memory_space<semaphore_mem>>)
      %gt3A_655 = arith.constant 0 : i32
      %gt3A_656 = arith.cmpi sgt, %scan3A_48, %gt3A_655 : i32
      %convert_element_type3A_657 = arith.extui %gt3A_656 : i1 to i32
      %cond3A_658 = arith.constant 0 : i32
      %cond3A_659 = arith.cmpi ne, %convert_element_type3A_657, %cond3A_658 : i32
      scf.if %cond3A_659 {
        %sub3A = arith.constant 2 : i32
        %sub3A_1195 = arith.subi %add3A_54, %sub3A : i32
        %mul3A_1196 = arith.constant 16 : i32
        %mul3A_1197 = arith.muli %sub3A_1195, %mul3A_1196 : i32
        %add3A_1198 = arith.addi %mul3A_2, %mul3A_1197 : i32
        %dma_wait3A_1199 = arith.constant 0 : i32
        %dma_wait3A_1200 = tpu.memref_slice %arg4[%add3A_1198, %dma_wait3A_1199] : memref<16384x64xf32, #tpu.memory_space<hbm>> -> memref<16x64xf32, #tpu.memory_space<hbm>>
        %dma_wait3A_1201 = arith.constant 0 : i32
        %dma_wait3A_1202 = tpu.memref_slice %arg4[%add3A_1198, %dma_wait3A_1201] : memref<16384x64xf32, #tpu.memory_space<hbm>> -> memref<16x64xf32, #tpu.memory_space<hbm>>
        tpu.wait_dma2 semaphore(%arg16 : memref<!tpu.dma_semaphore, #tpu.memory_space<semaphore_mem>>) src(%arg10 : memref<16x64xf32, #tpu.memory_space<vmem>>) dst(%dma_wait3A_1202 : memref<16x64xf32, #tpu.memory_space<hbm>>)
      } else {
      }
      %parallel_loop3A_660 = arith.constant 0 : i32
      %parallel_loop3A_661 = arith.constant 50 : i32
      %parallel_loop3A_662 = arith.constant 1 : i32
      %parallel_loop3A_663:16 = scf.for %parallel_loop3A_1195 = %parallel_loop3A_660 to %parallel_loop3A_661 step %parallel_loop3A_662 iter_args(%parallel_loop3A_1196 = %broadcast_in_dim3A_5, %parallel_loop3A_1197 = %broadcast_in_dim3A_5, %parallel_loop3A_1198 = %broadcast_in_dim3A_5, %parallel_loop3A_1199 = %broadcast_in_dim3A_5, %parallel_loop3A_1200 = %broadcast_in_dim3A_5, %parallel_loop3A_1201 = %broadcast_in_dim3A_5, %parallel_loop3A_1202 = %broadcast_in_dim3A_5, %parallel_loop3A_1203 = %broadcast_in_dim3A_5, %parallel_loop3A_1204 = %broadcast_in_dim3A_5, %parallel_loop3A_1205 = %broadcast_in_dim3A_5, %parallel_loop3A_1206 = %broadcast_in_dim3A_5, %parallel_loop3A_1207 = %broadcast_in_dim3A_5, %parallel_loop3A_1208 = %broadcast_in_dim3A_5, %parallel_loop3A_1209 = %broadcast_in_dim3A_5, %parallel_loop3A_1210 = %broadcast_in_dim3A_5, %parallel_loop3A_1211 = %broadcast_in_dim3A_5) -> (vector<16xf32>, vector<16xf32>, vector<16xf32>, vector<16xf32>, vector<16xf32>, vector<16xf32>, vector<16xf32>, vector<16xf32>, vector<16xf32>, vector<16xf32>, vector<16xf32>, vector<16xf32>, vector<16xf32>, vector<16xf32>, vector<16xf32>, vector<16xf32>)  : i32 {
        %parallel_loop3A_1212 = arith.constant 16 : i32
        %parallel_loop3A_1213 = arith.muli %parallel_loop3A_1195, %parallel_loop3A_1212 : i32
        %parallel_loop3A_1214 = arith.constant 0 : i32
        %parallel_loop3A_1215 = arith.addi %parallel_loop3A_1213, %parallel_loop3A_1214 : i32
        %parallel_loop3A_1216 = arith.constant 0 : i32
        %parallel_loop3A_1217 = arith.addi %parallel_loop3A_1215, %parallel_loop3A_1216 : i32
        %parallel_loop3A_1218 = arith.index_cast %parallel_loop3A_1217 : i32 to index
        %parallel_loop3A_1219 = arith.constant 0 : index
        %parallel_loop3A_1220 = tpu.vector_load %arg8[%parallel_loop3A_1218, %parallel_loop3A_1219] {strides = array<i32>} : memref<800x64xf32, #tpu.memory_space<vmem>>, vector<1x16xf32>,
        %parallel_loop3A_1221 = vector.shape_cast %parallel_loop3A_1220 : vector<1x16xf32> to vector<16xf32>
        %parallel_loop3A_1222 = arith.addf %parallel_loop3A_1196, %parallel_loop3A_1221 : vector<16xf32>
        %parallel_loop3A_1223 = arith.index_cast %parallel_loop3A_1217 : i32 to index
        %parallel_loop3A_1224 = arith.constant 16 : index
        %parallel_loop3A_1225 = tpu.vector_load %arg8[%parallel_loop3A_1223, %parallel_loop3A_1224] {strides = array<i32>} : memref<800x64xf32, #tpu.memory_space<vmem>>, vector<1x16xf32>,
        %parallel_loop3A_1226 = vector.shape_cast %parallel_loop3A_1225 : vector<1x16xf32> to vector<16xf32>
        %parallel_loop3A_1227 = arith.addf %parallel_loop3A_1197, %parallel_loop3A_1226 : vector<16xf32>
        %parallel_loop3A_1228 = arith.index_cast %parallel_loop3A_1217 : i32 to index
        %parallel_loop3A_1229 = arith.constant 32 : index
        %parallel_loop3A_1230 = tpu.vector_load %arg8[%parallel_loop3A_1228, %parallel_loop3A_1229] {strides = array<i32>} : memref<800x64xf32, #tpu.memory_space<vmem>>, vector<1x16xf32>,
        %parallel_loop3A_1231 = vector.shape_cast %parallel_loop3A_1230 : vector<1x16xf32> to vector<16xf32>
        %parallel_loop3A_1232 = arith.addf %parallel_loop3A_1198, %parallel_loop3A_1231 : vector<16xf32>
        %parallel_loop3A_1233 = arith.index_cast %parallel_loop3A_1217 : i32 to index
        %parallel_loop3A_1234 = arith.constant 48 : index
        %parallel_loop3A_1235 = tpu.vector_load %arg8[%parallel_loop3A_1233, %parallel_loop3A_1234] {strides = array<i32>} : memref<800x64xf32, #tpu.memory_space<vmem>>, vector<1x16xf32>,
        %parallel_loop3A_1236 = vector.shape_cast %parallel_loop3A_1235 : vector<1x16xf32> to vector<16xf32>
        %parallel_loop3A_1237 = arith.addf %parallel_loop3A_1199, %parallel_loop3A_1236 : vector<16xf32>
        %parallel_loop3A_1238 = arith.constant 16 : i32
        %parallel_loop3A_1239 = arith.muli %parallel_loop3A_1195, %parallel_loop3A_1238 : i32
        %parallel_loop3A_1240 = arith.constant 0 : i32
        %parallel_loop3A_1241 = arith.addi %parallel_loop3A_1239, %parallel_loop3A_1240 : i32
        %parallel_loop3A_1242 = arith.constant 1 : i32
        %parallel_loop3A_1243 = arith.addi %parallel_loop3A_1241, %parallel_loop3A_1242 : i32
        %parallel_loop3A_1244 = arith.index_cast %parallel_loop3A_1243 : i32 to index
        %parallel_loop3A_1245 = arith.constant 0 : index
        %parallel_loop3A_1246 = tpu.vector_load %arg8[%parallel_loop3A_1244, %parallel_loop3A_1245] {strides = array<i32>} : memref<800x64xf32, #tpu.memory_space<vmem>>, vector<1x16xf32>,
        %parallel_loop3A_1247 = vector.shape_cast %parallel_loop3A_1246 : vector<1x16xf32> to vector<16xf32>
        %parallel_loop3A_1248 = arith.addf %parallel_loop3A_1200, %parallel_loop3A_1247 : vector<16xf32>
        %parallel_loop3A_1249 = arith.index_cast %parallel_loop3A_1243 : i32 to index
        %parallel_loop3A_1250 = arith.constant 16 : index
        %parallel_loop3A_1251 = tpu.vector_load %arg8[%parallel_loop3A_1249, %parallel_loop3A_1250] {strides = array<i32>} : memref<800x64xf32, #tpu.memory_space<vmem>>, vector<1x16xf32>,
        %parallel_loop3A_1252 = vector.shape_cast %parallel_loop3A_1251 : vector<1x16xf32> to vector<16xf32>
        %parallel_loop3A_1253 = arith.addf %parallel_loop3A_1201, %parallel_loop3A_1252 : vector<16xf32>
        %parallel_loop3A_1254 = arith.index_cast %parallel_loop3A_1243 : i32 to index
        %parallel_loop3A_1255 = arith.constant 32 : index
        %parallel_loop3A_1256 = tpu.vector_load %arg8[%parallel_loop3A_1254, %parallel_loop3A_1255] {strides = array<i32>} : memref<800x64xf32, #tpu.memory_space<vmem>>, vector<1x16xf32>,
        %parallel_loop3A_1257 = vector.shape_cast %parallel_loop3A_1256 : vector<1x16xf32> to vector<16xf32>
        %parallel_loop3A_1258 = arith.addf %parallel_loop3A_1202, %parallel_loop3A_1257 : vector<16xf32>
        %parallel_loop3A_1259 = arith.index_cast %parallel_loop3A_1243 : i32 to index
        %parallel_loop3A_1260 = arith.constant 48 : index
        %parallel_loop3A_1261 = tpu.vector_load %arg8[%parallel_loop3A_1259, %parallel_loop3A_1260] {strides = array<i32>} : memref<800x64xf32, #tpu.memory_space<vmem>>, vector<1x16xf32>,
        %parallel_loop3A_1262 = vector.shape_cast %parallel_loop3A_1261 : vector<1x16xf32> to vector<16xf32>
        %parallel_loop3A_1263 = arith.addf %parallel_loop3A_1203, %parallel_loop3A_1262 : vector<16xf32>
        %parallel_loop3A_1264 = arith.constant 16 : i32
        %parallel_loop3A_1265 = arith.muli %parallel_loop3A_1195, %parallel_loop3A_1264 : i32
        %parallel_loop3A_1266 = arith.constant 0 : i32
        %parallel_loop3A_1267 = arith.addi %parallel_loop3A_1265, %parallel_loop3A_1266 : i32
        %parallel_loop3A_1268 = arith.constant 2 : i32
        %parallel_loop3A_1269 = arith.addi %parallel_loop3A_1267, %parallel_loop3A_1268 : i32
        %parallel_loop3A_1270 = arith.index_cast %parallel_loop3A_1269 : i32 to index
        %parallel_loop3A_1271 = arith.constant 0 : index
        %parallel_loop3A_1272 = tpu.vector_load %arg8[%parallel_loop3A_1270, %parallel_loop3A_1271] {strides = array<i32>} : memref<800x64xf32, #tpu.memory_space<vmem>>, vector<1x16xf32>,
        %parallel_loop3A_1273 = vector.shape_cast %parallel_loop3A_1272 : vector<1x16xf32> to vector<16xf32>
        %parallel_loop3A_1274 = arith.addf %parallel_loop3A_1204, %parallel_loop3A_1273 : vector<16xf32>
        %parallel_loop3A_1275 = arith.index_cast %parallel_loop3A_1269 : i32 to index
        %parallel_loop3A_1276 = arith.constant 16 : index
        %parallel_loop3A_1277 = tpu.vector_load %arg8[%parallel_loop3A_1275, %parallel_loop3A_1276] {strides = array<i32>} : memref<800x64xf32, #tpu.memory_space<vmem>>, vector<1x16xf32>,
        %parallel_loop3A_1278 = vector.shape_cast %parallel_loop3A_1277 : vector<1x16xf32> to vector<16xf32>
        %parallel_loop3A_1279 = arith.addf %parallel_loop3A_1205, %parallel_loop3A_1278 : vector<16xf32>
        %parallel_loop3A_1280 = arith.index_cast %parallel_loop3A_1269 : i32 to index
        %parallel_loop3A_1281 = arith.constant 32 : index
        %parallel_loop3A_1282 = tpu.vector_load %arg8[%parallel_loop3A_1280, %parallel_loop3A_1281] {strides = array<i32>} : memref<800x64xf32, #tpu.memory_space<vmem>>, vector<1x16xf32>,
        %parallel_loop3A_1283 = vector.shape_cast %parallel_loop3A_1282 : vector<1x16xf32> to vector<16xf32>
        %parallel_loop3A_1284 = arith.addf %parallel_loop3A_1206, %parallel_loop3A_1283 : vector<16xf32>
        %parallel_loop3A_1285 = arith.index_cast %parallel_loop3A_1269 : i32 to index
        %parallel_loop3A_1286 = arith.constant 48 : index
        %parallel_loop3A_1287 = tpu.vector_load %arg8[%parallel_loop3A_1285, %parallel_loop3A_1286] {strides = array<i32>} : memref<800x64xf32, #tpu.memory_space<vmem>>, vector<1x16xf32>,
        %parallel_loop3A_1288 = vector.shape_cast %parallel_loop3A_1287 : vector<1x16xf32> to vector<16xf32>
        %parallel_loop3A_1289 = arith.addf %parallel_loop3A_1207, %parallel_loop3A_1288 : vector<16xf32>
        %parallel_loop3A_1290 = arith.constant 16 : i32
        %parallel_loop3A_1291 = arith.muli %parallel_loop3A_1195, %parallel_loop3A_1290 : i32
        %parallel_loop3A_1292 = arith.constant 0 : i32
        %parallel_loop3A_1293 = arith.addi %parallel_loop3A_1291, %parallel_loop3A_1292 : i32
        %parallel_loop3A_1294 = arith.constant 3 : i32
        %parallel_loop3A_1295 = arith.addi %parallel_loop3A_1293, %parallel_loop3A_1294 : i32
        %parallel_loop3A_1296 = arith.index_cast %parallel_loop3A_1295 : i32 to index
        %parallel_loop3A_1297 = arith.constant 0 : index
        %parallel_loop3A_1298 = tpu.vector_load %arg8[%parallel_loop3A_1296, %parallel_loop3A_1297] {strides = array<i32>} : memref<800x64xf32, #tpu.memory_space<vmem>>, vector<1x16xf32>,
        %parallel_loop3A_1299 = vector.shape_cast %parallel_loop3A_1298 : vector<1x16xf32> to vector<16xf32>
        %parallel_loop3A_1300 = arith.addf %parallel_loop3A_1208, %parallel_loop3A_1299 : vector<16xf32>
        %parallel_loop3A_1301 = arith.index_cast %parallel_loop3A_1295 : i32 to index
        %parallel_loop3A_1302 = arith.constant 16 : index
        %parallel_loop3A_1303 = tpu.vector_load %arg8[%parallel_loop3A_1301, %parallel_loop3A_1302] {strides = array<i32>} : memref<800x64xf32, #tpu.memory_space<vmem>>, vector<1x16xf32>,
        %parallel_loop3A_1304 = vector.shape_cast %parallel_loop3A_1303 : vector<1x16xf32> to vector<16xf32>
        %parallel_loop3A_1305 = arith.addf %parallel_loop3A_1209, %parallel_loop3A_1304 : vector<16xf32>
        %parallel_loop3A_1306 = arith.index_cast %parallel_loop3A_1295 : i32 to index
        %parallel_loop3A_1307 = arith.constant 32 : index
        %parallel_loop3A_1308 = tpu.vector_load %arg8[%parallel_loop3A_1306, %parallel_loop3A_1307] {strides = array<i32>} : memref<800x64xf32, #tpu.memory_space<vmem>>, vector<1x16xf32>,
        %parallel_loop3A_1309 = vector.shape_cast %parallel_loop3A_1308 : vector<1x16xf32> to vector<16xf32>
        %parallel_loop3A_1310 = arith.addf %parallel_loop3A_1210, %parallel_loop3A_1309 : vector<16xf32>
        %parallel_loop3A_1311 = arith.index_cast %parallel_loop3A_1295 : i32 to index
        %parallel_loop3A_1312 = arith.constant 48 : index
        %parallel_loop3A_1313 = tpu.vector_load %arg8[%parallel_loop3A_1311, %parallel_loop3A_1312] {strides = array<i32>} : memref<800x64xf32, #tpu.memory_space<vmem>>, vector<1x16xf32>,
        %parallel_loop3A_1314 = vector.shape_cast %parallel_loop3A_1313 : vector<1x16xf32> to vector<16xf32>
        %parallel_loop3A_1315 = arith.addf %parallel_loop3A_1211, %parallel_loop3A_1314 : vector<16xf32>
        scf.yield %parallel_loop3A_1222, %parallel_loop3A_1227, %parallel_loop3A_1232, %parallel_loop3A_1237, %parallel_loop3A_1248, %parallel_loop3A_1253, %parallel_loop3A_1258, %parallel_loop3A_1263, %parallel_loop3A_1274, %parallel_loop3A_1279, %parallel_loop3A_1284, %parallel_loop3A_1289, %parallel_loop3A_1300, %parallel_loop3A_1305, %parallel_loop3A_1310, %parallel_loop3A_1315 : vector<16xf32>, vector<16xf32>, vector<16xf32>, vector<16xf32>, vector<16xf32>, vector<16xf32>, vector<16xf32>, vector<16xf32>, vector<16xf32>, vector<16xf32>, vector<16xf32>, vector<16xf32>, vector<16xf32>, vector<16xf32>, vector<16xf32>, vector<16xf32>
      } {sc.loop_unroll_factor = 1 : i64, sc.parallel_access}
      %broadcast_in_dim3A_664 = arith.constant 0 : i32
      %broadcast_in_dim3A_665 = vector.broadcast %broadcast_in_dim3A_664 : i32 to vector<16x1xi32>
      %gather3A_666 = vector.shape_cast %broadcast_in_dim3A_665 : vector<16x1xi32> to vector<16xi32>
      %gather3A_667 = tpu.dynamic_gather %max3A_647[%gather3A_666] in [0] : vector<16xf32>, vector<16xi32> -> vector<16xf32>
      %div3A_668 = arith.divf %parallel_loop3A_663#0, %gather3A_667 : vector<16xf32>
      %swap3A_669 = arith.constant 0 : i32
      %swap3A_670 = arith.index_cast %swap3A_669 : i32 to index
      %swap3A_671 = arith.constant 0 : index
      %swap3A_672 = tpu.vector_load %arg10[%swap3A_670, %swap3A_671] {strides = array<i32>} : memref<16x64xf32, #tpu.memory_space<vmem>>, vector<1x16xf32>,
      %swap3A_673 = vector.shape_cast %swap3A_672 : vector<1x16xf32> to vector<16xf32>
      %swap3A_674 = vector.shape_cast %div3A_668 : vector<16xf32> to vector<1x16xf32>
      tpu.vector_store %arg10[%swap3A_670, %swap3A_671], %swap3A_674 {strides = array<i32>} : memref<16x64xf32, #tpu.memory_space<vmem>>, vector<1x16xf32>,
      %div3A_675 = arith.divf %parallel_loop3A_663#1, %gather3A_667 : vector<16xf32>
      %swap3A_676 = arith.constant 0 : i32
      %swap3A_677 = arith.index_cast %swap3A_676 : i32 to index
      %swap3A_678 = arith.constant 16 : index
      %swap3A_679 = tpu.vector_load %arg10[%swap3A_677, %swap3A_678] {strides = array<i32>} : memref<16x64xf32, #tpu.memory_space<vmem>>, vector<1x16xf32>,
      %swap3A_680 = vector.shape_cast %swap3A_679 : vector<1x16xf32> to vector<16xf32>
      %swap3A_681 = vector.shape_cast %div3A_675 : vector<16xf32> to vector<1x16xf32>
      tpu.vector_store %arg10[%swap3A_677, %swap3A_678], %swap3A_681 {strides = array<i32>} : memref<16x64xf32, #tpu.memory_space<vmem>>, vector<1x16xf32>,
      %div3A_682 = arith.divf %parallel_loop3A_663#2, %gather3A_667 : vector<16xf32>
      %swap3A_683 = arith.constant 0 : i32
      %swap3A_684 = arith.index_cast %swap3A_683 : i32 to index
      %swap3A_685 = arith.constant 32 : index
      %swap3A_686 = tpu.vector_load %arg10[%swap3A_684, %swap3A_685] {strides = array<i32>} : memref<16x64xf32, #tpu.memory_space<vmem>>, vector<1x16xf32>,
      %swap3A_687 = vector.shape_cast %swap3A_686 : vector<1x16xf32> to vector<16xf32>
      %swap3A_688 = vector.shape_cast %div3A_682 : vector<16xf32> to vector<1x16xf32>
      tpu.vector_store %arg10[%swap3A_684, %swap3A_685], %swap3A_688 {strides = array<i32>} : memref<16x64xf32, #tpu.memory_space<vmem>>, vector<1x16xf32>,
      %div3A_689 = arith.divf %parallel_loop3A_663#3, %gather3A_667 : vector<16xf32>
      %swap3A_690 = arith.constant 0 : i32
      %swap3A_691 = arith.index_cast %swap3A_690 : i32 to index
      %swap3A_692 = arith.constant 48 : index
      %swap3A_693 = tpu.vector_load %arg10[%swap3A_691, %swap3A_692] {strides = array<i32>} : memref<16x64xf32, #tpu.memory_space<vmem>>, vector<1x16xf32>,
      %swap3A_694 = vector.shape_cast %swap3A_693 : vector<1x16xf32> to vector<16xf32>
      %swap3A_695 = vector.shape_cast %div3A_689 : vector<16xf32> to vector<1x16xf32>
      tpu.vector_store %arg10[%swap3A_691, %swap3A_692], %swap3A_695 {strides = array<i32>} : memref<16x64xf32, #tpu.memory_space<vmem>>, vector<1x16xf32>,
      %broadcast_in_dim3A_696 = arith.constant 1 : i32
      %broadcast_in_dim3A_697 = vector.broadcast %broadcast_in_dim3A_696 : i32 to vector<16x1xi32>
      %gather3A_698 = vector.shape_cast %broadcast_in_dim3A_697 : vector<16x1xi32> to vector<16xi32>
      %gather3A_699 = tpu.dynamic_gather %max3A_647[%gather3A_698] in [0] : vector<16xf32>, vector<16xi32> -> vector<16xf32>
      %div3A_700 = arith.divf %parallel_loop3A_663#4, %gather3A_699 : vector<16xf32>
      %swap3A_701 = arith.constant 1 : i32
      %swap3A_702 = arith.index_cast %swap3A_701 : i32 to index
      %swap3A_703 = arith.constant 0 : index
      %swap3A_704 = tpu.vector_load %arg10[%swap3A_702, %swap3A_703] {strides = array<i32>} : memref<16x64xf32, #tpu.memory_space<vmem>>, vector<1x16xf32>,
      %swap3A_705 = vector.shape_cast %swap3A_704 : vector<1x16xf32> to vector<16xf32>
      %swap3A_706 = vector.shape_cast %div3A_700 : vector<16xf32> to vector<1x16xf32>
      tpu.vector_store %arg10[%swap3A_702, %swap3A_703], %swap3A_706 {strides = array<i32>} : memref<16x64xf32, #tpu.memory_space<vmem>>, vector<1x16xf32>,
      %div3A_707 = arith.divf %parallel_loop3A_663#5, %gather3A_699 : vector<16xf32>
      %swap3A_708 = arith.constant 1 : i32
      %swap3A_709 = arith.index_cast %swap3A_708 : i32 to index
      %swap3A_710 = arith.constant 16 : index
      %swap3A_711 = tpu.vector_load %arg10[%swap3A_709, %swap3A_710] {strides = array<i32>} : memref<16x64xf32, #tpu.memory_space<vmem>>, vector<1x16xf32>,
      %swap3A_712 = vector.shape_cast %swap3A_711 : vector<1x16xf32> to vector<16xf32>
      %swap3A_713 = vector.shape_cast %div3A_707 : vector<16xf32> to vector<1x16xf32>
      tpu.vector_store %arg10[%swap3A_709, %swap3A_710], %swap3A_713 {strides = array<i32>} : memref<16x64xf32, #tpu.memory_space<vmem>>, vector<1x16xf32>,
      %div3A_714 = arith.divf %parallel_loop3A_663#6, %gather3A_699 : vector<16xf32>
      %swap3A_715 = arith.constant 1 : i32
      %swap3A_716 = arith.index_cast %swap3A_715 : i32 to index
      %swap3A_717 = arith.constant 32 : index
      %swap3A_718 = tpu.vector_load %arg10[%swap3A_716, %swap3A_717] {strides = array<i32>} : memref<16x64xf32, #tpu.memory_space<vmem>>, vector<1x16xf32>,
      %swap3A_719 = vector.shape_cast %swap3A_718 : vector<1x16xf32> to vector<16xf32>
      %swap3A_720 = vector.shape_cast %div3A_714 : vector<16xf32> to vector<1x16xf32>
      tpu.vector_store %arg10[%swap3A_716, %swap3A_717], %swap3A_720 {strides = array<i32>} : memref<16x64xf32, #tpu.memory_space<vmem>>, vector<1x16xf32>,
      %div3A_721 = arith.divf %parallel_loop3A_663#7, %gather3A_699 : vector<16xf32>
      %swap3A_722 = arith.constant 1 : i32
      %swap3A_723 = arith.index_cast %swap3A_722 : i32 to index
      %swap3A_724 = arith.constant 48 : index
      %swap3A_725 = tpu.vector_load %arg10[%swap3A_723, %swap3A_724] {strides = array<i32>} : memref<16x64xf32, #tpu.memory_space<vmem>>, vector<1x16xf32>,
      %swap3A_726 = vector.shape_cast %swap3A_725 : vector<1x16xf32> to vector<16xf32>
      %swap3A_727 = vector.shape_cast %div3A_721 : vector<16xf32> to vector<1x16xf32>
      tpu.vector_store %arg10[%swap3A_723, %swap3A_724], %swap3A_727 {strides = array<i32>} : memref<16x64xf32, #tpu.memory_space<vmem>>, vector<1x16xf32>,
      %broadcast_in_dim3A_728 = arith.constant 2 : i32
      %broadcast_in_dim3A_729 = vector.broadcast %broadcast_in_dim3A_728 : i32 to vector<16x1xi32>
      %gather3A_730 = vector.shape_cast %broadcast_in_dim3A_729 : vector<16x1xi32> to vector<16xi32>
      %gather3A_731 = tpu.dynamic_gather %max3A_647[%gather3A_730] in [0] : vector<16xf32>, vector<16xi32> -> vector<16xf32>
      %div3A_732 = arith.divf %parallel_loop3A_663#8, %gather3A_731 : vector<16xf32>
      %swap3A_733 = arith.constant 2 : i32
      %swap3A_734 = arith.index_cast %swap3A_733 : i32 to index
      %swap3A_735 = arith.constant 0 : index
      %swap3A_736 = tpu.vector_load %arg10[%swap3A_734, %swap3A_735] {strides = array<i32>} : memref<16x64xf32, #tpu.memory_space<vmem>>, vector<1x16xf32>,
      %swap3A_737 = vector.shape_cast %swap3A_736 : vector<1x16xf32> to vector<16xf32>
      %swap3A_738 = vector.shape_cast %div3A_732 : vector<16xf32> to vector<1x16xf32>
      tpu.vector_store %arg10[%swap3A_734, %swap3A_735], %swap3A_738 {strides = array<i32>} : memref<16x64xf32, #tpu.memory_space<vmem>>, vector<1x16xf32>,
      %div3A_739 = arith.divf %parallel_loop3A_663#9, %gather3A_731 : vector<16xf32>
      %swap3A_740 = arith.constant 2 : i32
      %swap3A_741 = arith.index_cast %swap3A_740 : i32 to index
      %swap3A_742 = arith.constant 16 : index
      %swap3A_743 = tpu.vector_load %arg10[%swap3A_741, %swap3A_742] {strides = array<i32>} : memref<16x64xf32, #tpu.memory_space<vmem>>, vector<1x16xf32>,
      %swap3A_744 = vector.shape_cast %swap3A_743 : vector<1x16xf32> to vector<16xf32>
      %swap3A_745 = vector.shape_cast %div3A_739 : vector<16xf32> to vector<1x16xf32>
      tpu.vector_store %arg10[%swap3A_741, %swap3A_742], %swap3A_745 {strides = array<i32>} : memref<16x64xf32, #tpu.memory_space<vmem>>, vector<1x16xf32>,
      %div3A_746 = arith.divf %parallel_loop3A_663#10, %gather3A_731 : vector<16xf32>
      %swap3A_747 = arith.constant 2 : i32
      %swap3A_748 = arith.index_cast %swap3A_747 : i32 to index
      %swap3A_749 = arith.constant 32 : index
      %swap3A_750 = tpu.vector_load %arg10[%swap3A_748, %swap3A_749] {strides = array<i32>} : memref<16x64xf32, #tpu.memory_space<vmem>>, vector<1x16xf32>,
      %swap3A_751 = vector.shape_cast %swap3A_750 : vector<1x16xf32> to vector<16xf32>
      %swap3A_752 = vector.shape_cast %div3A_746 : vector<16xf32> to vector<1x16xf32>
      tpu.vector_store %arg10[%swap3A_748, %swap3A_749], %swap3A_752 {strides = array<i32>} : memref<16x64xf32, #tpu.memory_space<vmem>>, vector<1x16xf32>,
      %div3A_753 = arith.divf %parallel_loop3A_663#11, %gather3A_731 : vector<16xf32>
      %swap3A_754 = arith.constant 2 : i32
      %swap3A_755 = arith.index_cast %swap3A_754 : i32 to index
      %swap3A_756 = arith.constant 48 : index
      %swap3A_757 = tpu.vector_load %arg10[%swap3A_755, %swap3A_756] {strides = array<i32>} : memref<16x64xf32, #tpu.memory_space<vmem>>, vector<1x16xf32>,
      %swap3A_758 = vector.shape_cast %swap3A_757 : vector<1x16xf32> to vector<16xf32>
      %swap3A_759 = vector.shape_cast %div3A_753 : vector<16xf32> to vector<1x16xf32>
      tpu.vector_store %arg10[%swap3A_755, %swap3A_756], %swap3A_759 {strides = array<i32>} : memref<16x64xf32, #tpu.memory_space<vmem>>, vector<1x16xf32>,
      %broadcast_in_dim3A_760 = arith.constant 3 : i32
      %broadcast_in_dim3A_761 = vector.broadcast %broadcast_in_dim3A_760 : i32 to vector<16x1xi32>
      %gather3A_762 = vector.shape_cast %broadcast_in_dim3A_761 : vector<16x1xi32> to vector<16xi32>
      %gather3A_763 = tpu.dynamic_gather %max3A_647[%gather3A_762] in [0] : vector<16xf32>, vector<16xi32> -> vector<16xf32>
      %div3A_764 = arith.divf %parallel_loop3A_663#12, %gather3A_763 : vector<16xf32>
      %swap3A_765 = arith.constant 3 : i32
      %swap3A_766 = arith.index_cast %swap3A_765 : i32 to index
      %swap3A_767 = arith.constant 0 : index
      %swap3A_768 = tpu.vector_load %arg10[%swap3A_766, %swap3A_767] {strides = array<i32>} : memref<16x64xf32, #tpu.memory_space<vmem>>, vector<1x16xf32>,
      %swap3A_769 = vector.shape_cast %swap3A_768 : vector<1x16xf32> to vector<16xf32>
      %swap3A_770 = vector.shape_cast %div3A_764 : vector<16xf32> to vector<1x16xf32>
      tpu.vector_store %arg10[%swap3A_766, %swap3A_767], %swap3A_770 {strides = array<i32>} : memref<16x64xf32, #tpu.memory_space<vmem>>, vector<1x16xf32>,
      %div3A_771 = arith.divf %parallel_loop3A_663#13, %gather3A_763 : vector<16xf32>
      %swap3A_772 = arith.constant 3 : i32
      %swap3A_773 = arith.index_cast %swap3A_772 : i32 to index
      %swap3A_774 = arith.constant 16 : index
      %swap3A_775 = tpu.vector_load %arg10[%swap3A_773, %swap3A_774] {strides = array<i32>} : memref<16x64xf32, #tpu.memory_space<vmem>>, vector<1x16xf32>,
      %swap3A_776 = vector.shape_cast %swap3A_775 : vector<1x16xf32> to vector<16xf32>
      %swap3A_777 = vector.shape_cast %div3A_771 : vector<16xf32> to vector<1x16xf32>
      tpu.vector_store %arg10[%swap3A_773, %swap3A_774], %swap3A_777 {strides = array<i32>} : memref<16x64xf32, #tpu.memory_space<vmem>>, vector<1x16xf32>,
      %div3A_778 = arith.divf %parallel_loop3A_663#14, %gather3A_763 : vector<16xf32>
      %swap3A_779 = arith.constant 3 : i32
      %swap3A_780 = arith.index_cast %swap3A_779 : i32 to index
      %swap3A_781 = arith.constant 32 : index
      %swap3A_782 = tpu.vector_load %arg10[%swap3A_780, %swap3A_781] {strides = array<i32>} : memref<16x64xf32, #tpu.memory_space<vmem>>, vector<1x16xf32>,
      %swap3A_783 = vector.shape_cast %swap3A_782 : vector<1x16xf32> to vector<16xf32>
      %swap3A_784 = vector.shape_cast %div3A_778 : vector<16xf32> to vector<1x16xf32>
      tpu.vector_store %arg10[%swap3A_780, %swap3A_781], %swap3A_784 {strides = array<i32>} : memref<16x64xf32, #tpu.memory_space<vmem>>, vector<1x16xf32>,
      %div3A_785 = arith.divf %parallel_loop3A_663#15, %gather3A_763 : vector<16xf32>
      %swap3A_786 = arith.constant 3 : i32
      %swap3A_787 = arith.index_cast %swap3A_786 : i32 to index
      %swap3A_788 = arith.constant 48 : index
      %swap3A_789 = tpu.vector_load %arg10[%swap3A_787, %swap3A_788] {strides = array<i32>} : memref<16x64xf32, #tpu.memory_space<vmem>>, vector<1x16xf32>,
      %swap3A_790 = vector.shape_cast %swap3A_789 : vector<1x16xf32> to vector<16xf32>
      %swap3A_791 = vector.shape_cast %div3A_785 : vector<16xf32> to vector<1x16xf32>
      tpu.vector_store %arg10[%swap3A_787, %swap3A_788], %swap3A_791 {strides = array<i32>} : memref<16x64xf32, #tpu.memory_space<vmem>>, vector<1x16xf32>,
      %parallel_loop3A_792 = arith.constant 0 : i32
      %parallel_loop3A_793 = arith.constant 50 : i32
      %parallel_loop3A_794 = arith.constant 1 : i32
      %parallel_loop3A_795:16 = scf.for %parallel_loop3A_1195 = %parallel_loop3A_792 to %parallel_loop3A_793 step %parallel_loop3A_794 iter_args(%parallel_loop3A_1196 = %broadcast_in_dim3A_5, %parallel_loop3A_1197 = %broadcast_in_dim3A_5, %parallel_loop3A_1198 = %broadcast_in_dim3A_5, %parallel_loop3A_1199 = %broadcast_in_dim3A_5, %parallel_loop3A_1200 = %broadcast_in_dim3A_5, %parallel_loop3A_1201 = %broadcast_in_dim3A_5, %parallel_loop3A_1202 = %broadcast_in_dim3A_5, %parallel_loop3A_1203 = %broadcast_in_dim3A_5, %parallel_loop3A_1204 = %broadcast_in_dim3A_5, %parallel_loop3A_1205 = %broadcast_in_dim3A_5, %parallel_loop3A_1206 = %broadcast_in_dim3A_5, %parallel_loop3A_1207 = %broadcast_in_dim3A_5, %parallel_loop3A_1208 = %broadcast_in_dim3A_5, %parallel_loop3A_1209 = %broadcast_in_dim3A_5, %parallel_loop3A_1210 = %broadcast_in_dim3A_5, %parallel_loop3A_1211 = %broadcast_in_dim3A_5) -> (vector<16xf32>, vector<16xf32>, vector<16xf32>, vector<16xf32>, vector<16xf32>, vector<16xf32>, vector<16xf32>, vector<16xf32>, vector<16xf32>, vector<16xf32>, vector<16xf32>, vector<16xf32>, vector<16xf32>, vector<16xf32>, vector<16xf32>, vector<16xf32>)  : i32 {
        %parallel_loop3A_1212 = arith.constant 16 : i32
        %parallel_loop3A_1213 = arith.muli %parallel_loop3A_1195, %parallel_loop3A_1212 : i32
        %parallel_loop3A_1214 = arith.constant 4 : i32
        %parallel_loop3A_1215 = arith.addi %parallel_loop3A_1213, %parallel_loop3A_1214 : i32
        %parallel_loop3A_1216 = arith.constant 0 : i32
        %parallel_loop3A_1217 = arith.addi %parallel_loop3A_1215, %parallel_loop3A_1216 : i32
        %parallel_loop3A_1218 = arith.index_cast %parallel_loop3A_1217 : i32 to index
        %parallel_loop3A_1219 = arith.constant 0 : index
        %parallel_loop3A_1220 = tpu.vector_load %arg8[%parallel_loop3A_1218, %parallel_loop3A_1219] {strides = array<i32>} : memref<800x64xf32, #tpu.memory_space<vmem>>, vector<1x16xf32>,
        %parallel_loop3A_1221 = vector.shape_cast %parallel_loop3A_1220 : vector<1x16xf32> to vector<16xf32>
        %parallel_loop3A_1222 = arith.addf %parallel_loop3A_1196, %parallel_loop3A_1221 : vector<16xf32>
        %parallel_loop3A_1223 = arith.index_cast %parallel_loop3A_1217 : i32 to index
        %parallel_loop3A_1224 = arith.constant 16 : index
        %parallel_loop3A_1225 = tpu.vector_load %arg8[%parallel_loop3A_1223, %parallel_loop3A_1224] {strides = array<i32>} : memref<800x64xf32, #tpu.memory_space<vmem>>, vector<1x16xf32>,
        %parallel_loop3A_1226 = vector.shape_cast %parallel_loop3A_1225 : vector<1x16xf32> to vector<16xf32>
        %parallel_loop3A_1227 = arith.addf %parallel_loop3A_1197, %parallel_loop3A_1226 : vector<16xf32>
        %parallel_loop3A_1228 = arith.index_cast %parallel_loop3A_1217 : i32 to index
        %parallel_loop3A_1229 = arith.constant 32 : index
        %parallel_loop3A_1230 = tpu.vector_load %arg8[%parallel_loop3A_1228, %parallel_loop3A_1229] {strides = array<i32>} : memref<800x64xf32, #tpu.memory_space<vmem>>, vector<1x16xf32>,
        %parallel_loop3A_1231 = vector.shape_cast %parallel_loop3A_1230 : vector<1x16xf32> to vector<16xf32>
        %parallel_loop3A_1232 = arith.addf %parallel_loop3A_1198, %parallel_loop3A_1231 : vector<16xf32>
        %parallel_loop3A_1233 = arith.index_cast %parallel_loop3A_1217 : i32 to index
        %parallel_loop3A_1234 = arith.constant 48 : index
        %parallel_loop3A_1235 = tpu.vector_load %arg8[%parallel_loop3A_1233, %parallel_loop3A_1234] {strides = array<i32>} : memref<800x64xf32, #tpu.memory_space<vmem>>, vector<1x16xf32>,
        %parallel_loop3A_1236 = vector.shape_cast %parallel_loop3A_1235 : vector<1x16xf32> to vector<16xf32>
        %parallel_loop3A_1237 = arith.addf %parallel_loop3A_1199, %parallel_loop3A_1236 : vector<16xf32>
        %parallel_loop3A_1238 = arith.constant 16 : i32
        %parallel_loop3A_1239 = arith.muli %parallel_loop3A_1195, %parallel_loop3A_1238 : i32
        %parallel_loop3A_1240 = arith.constant 4 : i32
        %parallel_loop3A_1241 = arith.addi %parallel_loop3A_1239, %parallel_loop3A_1240 : i32
        %parallel_loop3A_1242 = arith.constant 1 : i32
        %parallel_loop3A_1243 = arith.addi %parallel_loop3A_1241, %parallel_loop3A_1242 : i32
        %parallel_loop3A_1244 = arith.index_cast %parallel_loop3A_1243 : i32 to index
        %parallel_loop3A_1245 = arith.constant 0 : index
        %parallel_loop3A_1246 = tpu.vector_load %arg8[%parallel_loop3A_1244, %parallel_loop3A_1245] {strides = array<i32>} : memref<800x64xf32, #tpu.memory_space<vmem>>, vector<1x16xf32>,
        %parallel_loop3A_1247 = vector.shape_cast %parallel_loop3A_1246 : vector<1x16xf32> to vector<16xf32>
        %parallel_loop3A_1248 = arith.addf %parallel_loop3A_1200, %parallel_loop3A_1247 : vector<16xf32>
        %parallel_loop3A_1249 = arith.index_cast %parallel_loop3A_1243 : i32 to index
        %parallel_loop3A_1250 = arith.constant 16 : index
        %parallel_loop3A_1251 = tpu.vector_load %arg8[%parallel_loop3A_1249, %parallel_loop3A_1250] {strides = array<i32>} : memref<800x64xf32, #tpu.memory_space<vmem>>, vector<1x16xf32>,
        %parallel_loop3A_1252 = vector.shape_cast %parallel_loop3A_1251 : vector<1x16xf32> to vector<16xf32>
        %parallel_loop3A_1253 = arith.addf %parallel_loop3A_1201, %parallel_loop3A_1252 : vector<16xf32>
        %parallel_loop3A_1254 = arith.index_cast %parallel_loop3A_1243 : i32 to index
        %parallel_loop3A_1255 = arith.constant 32 : index
        %parallel_loop3A_1256 = tpu.vector_load %arg8[%parallel_loop3A_1254, %parallel_loop3A_1255] {strides = array<i32>} : memref<800x64xf32, #tpu.memory_space<vmem>>, vector<1x16xf32>,
        %parallel_loop3A_1257 = vector.shape_cast %parallel_loop3A_1256 : vector<1x16xf32> to vector<16xf32>
        %parallel_loop3A_1258 = arith.addf %parallel_loop3A_1202, %parallel_loop3A_1257 : vector<16xf32>
        %parallel_loop3A_1259 = arith.index_cast %parallel_loop3A_1243 : i32 to index
        %parallel_loop3A_1260 = arith.constant 48 : index
        %parallel_loop3A_1261 = tpu.vector_load %arg8[%parallel_loop3A_1259, %parallel_loop3A_1260] {strides = array<i32>} : memref<800x64xf32, #tpu.memory_space<vmem>>, vector<1x16xf32>,
        %parallel_loop3A_1262 = vector.shape_cast %parallel_loop3A_1261 : vector<1x16xf32> to vector<16xf32>
        %parallel_loop3A_1263 = arith.addf %parallel_loop3A_1203, %parallel_loop3A_1262 : vector<16xf32>
        %parallel_loop3A_1264 = arith.constant 16 : i32
        %parallel_loop3A_1265 = arith.muli %parallel_loop3A_1195, %parallel_loop3A_1264 : i32
        %parallel_loop3A_1266 = arith.constant 4 : i32
        %parallel_loop3A_1267 = arith.addi %parallel_loop3A_1265, %parallel_loop3A_1266 : i32
        %parallel_loop3A_1268 = arith.constant 2 : i32
        %parallel_loop3A_1269 = arith.addi %parallel_loop3A_1267, %parallel_loop3A_1268 : i32
        %parallel_loop3A_1270 = arith.index_cast %parallel_loop3A_1269 : i32 to index
        %parallel_loop3A_1271 = arith.constant 0 : index
        %parallel_loop3A_1272 = tpu.vector_load %arg8[%parallel_loop3A_1270, %parallel_loop3A_1271] {strides = array<i32>} : memref<800x64xf32, #tpu.memory_space<vmem>>, vector<1x16xf32>,
        %parallel_loop3A_1273 = vector.shape_cast %parallel_loop3A_1272 : vector<1x16xf32> to vector<16xf32>
        %parallel_loop3A_1274 = arith.addf %parallel_loop3A_1204, %parallel_loop3A_1273 : vector<16xf32>
        %parallel_loop3A_1275 = arith.index_cast %parallel_loop3A_1269 : i32 to index
        %parallel_loop3A_1276 = arith.constant 16 : index
        %parallel_loop3A_1277 = tpu.vector_load %arg8[%parallel_loop3A_1275, %parallel_loop3A_1276] {strides = array<i32>} : memref<800x64xf32, #tpu.memory_space<vmem>>, vector<1x16xf32>,
        %parallel_loop3A_1278 = vector.shape_cast %parallel_loop3A_1277 : vector<1x16xf32> to vector<16xf32>
        %parallel_loop3A_1279 = arith.addf %parallel_loop3A_1205, %parallel_loop3A_1278 : vector<16xf32>
        %parallel_loop3A_1280 = arith.index_cast %parallel_loop3A_1269 : i32 to index
        %parallel_loop3A_1281 = arith.constant 32 : index
        %parallel_loop3A_1282 = tpu.vector_load %arg8[%parallel_loop3A_1280, %parallel_loop3A_1281] {strides = array<i32>} : memref<800x64xf32, #tpu.memory_space<vmem>>, vector<1x16xf32>,
        %parallel_loop3A_1283 = vector.shape_cast %parallel_loop3A_1282 : vector<1x16xf32> to vector<16xf32>
        %parallel_loop3A_1284 = arith.addf %parallel_loop3A_1206, %parallel_loop3A_1283 : vector<16xf32>
        %parallel_loop3A_1285 = arith.index_cast %parallel_loop3A_1269 : i32 to index
        %parallel_loop3A_1286 = arith.constant 48 : index
        %parallel_loop3A_1287 = tpu.vector_load %arg8[%parallel_loop3A_1285, %parallel_loop3A_1286] {strides = array<i32>} : memref<800x64xf32, #tpu.memory_space<vmem>>, vector<1x16xf32>,
        %parallel_loop3A_1288 = vector.shape_cast %parallel_loop3A_1287 : vector<1x16xf32> to vector<16xf32>
        %parallel_loop3A_1289 = arith.addf %parallel_loop3A_1207, %parallel_loop3A_1288 : vector<16xf32>
        %parallel_loop3A_1290 = arith.constant 16 : i32
        %parallel_loop3A_1291 = arith.muli %parallel_loop3A_1195, %parallel_loop3A_1290 : i32
        %parallel_loop3A_1292 = arith.constant 4 : i32
        %parallel_loop3A_1293 = arith.addi %parallel_loop3A_1291, %parallel_loop3A_1292 : i32
        %parallel_loop3A_1294 = arith.constant 3 : i32
        %parallel_loop3A_1295 = arith.addi %parallel_loop3A_1293, %parallel_loop3A_1294 : i32
        %parallel_loop3A_1296 = arith.index_cast %parallel_loop3A_1295 : i32 to index
        %parallel_loop3A_1297 = arith.constant 0 : index
        %parallel_loop3A_1298 = tpu.vector_load %arg8[%parallel_loop3A_1296, %parallel_loop3A_1297] {strides = array<i32>} : memref<800x64xf32, #tpu.memory_space<vmem>>, vector<1x16xf32>,
        %parallel_loop3A_1299 = vector.shape_cast %parallel_loop3A_1298 : vector<1x16xf32> to vector<16xf32>
        %parallel_loop3A_1300 = arith.addf %parallel_loop3A_1208, %parallel_loop3A_1299 : vector<16xf32>
        %parallel_loop3A_1301 = arith.index_cast %parallel_loop3A_1295 : i32 to index
        %parallel_loop3A_1302 = arith.constant 16 : index
        %parallel_loop3A_1303 = tpu.vector_load %arg8[%parallel_loop3A_1301, %parallel_loop3A_1302] {strides = array<i32>} : memref<800x64xf32, #tpu.memory_space<vmem>>, vector<1x16xf32>,
        %parallel_loop3A_1304 = vector.shape_cast %parallel_loop3A_1303 : vector<1x16xf32> to vector<16xf32>
        %parallel_loop3A_1305 = arith.addf %parallel_loop3A_1209, %parallel_loop3A_1304 : vector<16xf32>
        %parallel_loop3A_1306 = arith.index_cast %parallel_loop3A_1295 : i32 to index
        %parallel_loop3A_1307 = arith.constant 32 : index
        %parallel_loop3A_1308 = tpu.vector_load %arg8[%parallel_loop3A_1306, %parallel_loop3A_1307] {strides = array<i32>} : memref<800x64xf32, #tpu.memory_space<vmem>>, vector<1x16xf32>,
        %parallel_loop3A_1309 = vector.shape_cast %parallel_loop3A_1308 : vector<1x16xf32> to vector<16xf32>
        %parallel_loop3A_1310 = arith.addf %parallel_loop3A_1210, %parallel_loop3A_1309 : vector<16xf32>
        %parallel_loop3A_1311 = arith.index_cast %parallel_loop3A_1295 : i32 to index
        %parallel_loop3A_1312 = arith.constant 48 : index
        %parallel_loop3A_1313 = tpu.vector_load %arg8[%parallel_loop3A_1311, %parallel_loop3A_1312] {strides = array<i32>} : memref<800x64xf32, #tpu.memory_space<vmem>>, vector<1x16xf32>,
        %parallel_loop3A_1314 = vector.shape_cast %parallel_loop3A_1313 : vector<1x16xf32> to vector<16xf32>
        %parallel_loop3A_1315 = arith.addf %parallel_loop3A_1211, %parallel_loop3A_1314 : vector<16xf32>
        scf.yield %parallel_loop3A_1222, %parallel_loop3A_1227, %parallel_loop3A_1232, %parallel_loop3A_1237, %parallel_loop3A_1248, %parallel_loop3A_1253, %parallel_loop3A_1258, %parallel_loop3A_1263, %parallel_loop3A_1274, %parallel_loop3A_1279, %parallel_loop3A_1284, %parallel_loop3A_1289, %parallel_loop3A_1300, %parallel_loop3A_1305, %parallel_loop3A_1310, %parallel_loop3A_1315 : vector<16xf32>, vector<16xf32>, vector<16xf32>, vector<16xf32>, vector<16xf32>, vector<16xf32>, vector<16xf32>, vector<16xf32>, vector<16xf32>, vector<16xf32>, vector<16xf32>, vector<16xf32>, vector<16xf32>, vector<16xf32>, vector<16xf32>, vector<16xf32>
      } {sc.loop_unroll_factor = 1 : i64, sc.parallel_access}
      %broadcast_in_dim3A_796 = arith.constant 4 : i32
      %broadcast_in_dim3A_797 = vector.broadcast %broadcast_in_dim3A_796 : i32 to vector<16x1xi32>
      %gather3A_798 = vector.shape_cast %broadcast_in_dim3A_797 : vector<16x1xi32> to vector<16xi32>
      %gather3A_799 = tpu.dynamic_gather %max3A_647[%gather3A_798] in [0] : vector<16xf32>, vector<16xi32> -> vector<16xf32>
      %div3A_800 = arith.divf %parallel_loop3A_795#0, %gather3A_799 : vector<16xf32>
      %swap3A_801 = arith.constant 4 : i32
      %swap3A_802 = arith.index_cast %swap3A_801 : i32 to index
      %swap3A_803 = arith.constant 0 : index
      %swap3A_804 = tpu.vector_load %arg10[%swap3A_802, %swap3A_803] {strides = array<i32>} : memref<16x64xf32, #tpu.memory_space<vmem>>, vector<1x16xf32>,
      %swap3A_805 = vector.shape_cast %swap3A_804 : vector<1x16xf32> to vector<16xf32>
      %swap3A_806 = vector.shape_cast %div3A_800 : vector<16xf32> to vector<1x16xf32>
      tpu.vector_store %arg10[%swap3A_802, %swap3A_803], %swap3A_806 {strides = array<i32>} : memref<16x64xf32, #tpu.memory_space<vmem>>, vector<1x16xf32>,
      %div3A_807 = arith.divf %parallel_loop3A_795#1, %gather3A_799 : vector<16xf32>
      %swap3A_808 = arith.constant 4 : i32
      %swap3A_809 = arith.index_cast %swap3A_808 : i32 to index
      %swap3A_810 = arith.constant 16 : index
      %swap3A_811 = tpu.vector_load %arg10[%swap3A_809, %swap3A_810] {strides = array<i32>} : memref<16x64xf32, #tpu.memory_space<vmem>>, vector<1x16xf32>,
      %swap3A_812 = vector.shape_cast %swap3A_811 : vector<1x16xf32> to vector<16xf32>
      %swap3A_813 = vector.shape_cast %div3A_807 : vector<16xf32> to vector<1x16xf32>
      tpu.vector_store %arg10[%swap3A_809, %swap3A_810], %swap3A_813 {strides = array<i32>} : memref<16x64xf32, #tpu.memory_space<vmem>>, vector<1x16xf32>,
      %div3A_814 = arith.divf %parallel_loop3A_795#2, %gather3A_799 : vector<16xf32>
      %swap3A_815 = arith.constant 4 : i32
      %swap3A_816 = arith.index_cast %swap3A_815 : i32 to index
      %swap3A_817 = arith.constant 32 : index
      %swap3A_818 = tpu.vector_load %arg10[%swap3A_816, %swap3A_817] {strides = array<i32>} : memref<16x64xf32, #tpu.memory_space<vmem>>, vector<1x16xf32>,
      %swap3A_819 = vector.shape_cast %swap3A_818 : vector<1x16xf32> to vector<16xf32>
      %swap3A_820 = vector.shape_cast %div3A_814 : vector<16xf32> to vector<1x16xf32>
      tpu.vector_store %arg10[%swap3A_816, %swap3A_817], %swap3A_820 {strides = array<i32>} : memref<16x64xf32, #tpu.memory_space<vmem>>, vector<1x16xf32>,
      %div3A_821 = arith.divf %parallel_loop3A_795#3, %gather3A_799 : vector<16xf32>
      %swap3A_822 = arith.constant 4 : i32
      %swap3A_823 = arith.index_cast %swap3A_822 : i32 to index
      %swap3A_824 = arith.constant 48 : index
      %swap3A_825 = tpu.vector_load %arg10[%swap3A_823, %swap3A_824] {strides = array<i32>} : memref<16x64xf32, #tpu.memory_space<vmem>>, vector<1x16xf32>,
      %swap3A_826 = vector.shape_cast %swap3A_825 : vector<1x16xf32> to vector<16xf32>
      %swap3A_827 = vector.shape_cast %div3A_821 : vector<16xf32> to vector<1x16xf32>
      tpu.vector_store %arg10[%swap3A_823, %swap3A_824], %swap3A_827 {strides = array<i32>} : memref<16x64xf32, #tpu.memory_space<vmem>>, vector<1x16xf32>,
      %broadcast_in_dim3A_828 = arith.constant 5 : i32
      %broadcast_in_dim3A_829 = vector.broadcast %broadcast_in_dim3A_828 : i32 to vector<16x1xi32>
      %gather3A_830 = vector.shape_cast %broadcast_in_dim3A_829 : vector<16x1xi32> to vector<16xi32>
      %gather3A_831 = tpu.dynamic_gather %max3A_647[%gather3A_830] in [0] : vector<16xf32>, vector<16xi32> -> vector<16xf32>
      %div3A_832 = arith.divf %parallel_loop3A_795#4, %gather3A_831 : vector<16xf32>
      %swap3A_833 = arith.constant 5 : i32
      %swap3A_834 = arith.index_cast %swap3A_833 : i32 to index
      %swap3A_835 = arith.constant 0 : index
      %swap3A_836 = tpu.vector_load %arg10[%swap3A_834, %swap3A_835] {strides = array<i32>} : memref<16x64xf32, #tpu.memory_space<vmem>>, vector<1x16xf32>,
      %swap3A_837 = vector.shape_cast %swap3A_836 : vector<1x16xf32> to vector<16xf32>
      %swap3A_838 = vector.shape_cast %div3A_832 : vector<16xf32> to vector<1x16xf32>
      tpu.vector_store %arg10[%swap3A_834, %swap3A_835], %swap3A_838 {strides = array<i32>} : memref<16x64xf32, #tpu.memory_space<vmem>>, vector<1x16xf32>,
      %div3A_839 = arith.divf %parallel_loop3A_795#5, %gather3A_831 : vector<16xf32>
      %swap3A_840 = arith.constant 5 : i32
      %swap3A_841 = arith.index_cast %swap3A_840 : i32 to index
      %swap3A_842 = arith.constant 16 : index
      %swap3A_843 = tpu.vector_load %arg10[%swap3A_841, %swap3A_842] {strides = array<i32>} : memref<16x64xf32, #tpu.memory_space<vmem>>, vector<1x16xf32>,
      %swap3A_844 = vector.shape_cast %swap3A_843 : vector<1x16xf32> to vector<16xf32>
      %swap3A_845 = vector.shape_cast %div3A_839 : vector<16xf32> to vector<1x16xf32>
      tpu.vector_store %arg10[%swap3A_841, %swap3A_842], %swap3A_845 {strides = array<i32>} : memref<16x64xf32, #tpu.memory_space<vmem>>, vector<1x16xf32>,
      %div3A_846 = arith.divf %parallel_loop3A_795#6, %gather3A_831 : vector<16xf32>
      %swap3A_847 = arith.constant 5 : i32
      %swap3A_848 = arith.index_cast %swap3A_847 : i32 to index
      %swap3A_849 = arith.constant 32 : index
      %swap3A_850 = tpu.vector_load %arg10[%swap3A_848, %swap3A_849] {strides = array<i32>} : memref<16x64xf32, #tpu.memory_space<vmem>>, vector<1x16xf32>,
      %swap3A_851 = vector.shape_cast %swap3A_850 : vector<1x16xf32> to vector<16xf32>
      %swap3A_852 = vector.shape_cast %div3A_846 : vector<16xf32> to vector<1x16xf32>
      tpu.vector_store %arg10[%swap3A_848, %swap3A_849], %swap3A_852 {strides = array<i32>} : memref<16x64xf32, #tpu.memory_space<vmem>>, vector<1x16xf32>,
      %div3A_853 = arith.divf %parallel_loop3A_795#7, %gather3A_831 : vector<16xf32>
      %swap3A_854 = arith.constant 5 : i32
      %swap3A_855 = arith.index_cast %swap3A_854 : i32 to index
      %swap3A_856 = arith.constant 48 : index
      %swap3A_857 = tpu.vector_load %arg10[%swap3A_855, %swap3A_856] {strides = array<i32>} : memref<16x64xf32, #tpu.memory_space<vmem>>, vector<1x16xf32>,
      %swap3A_858 = vector.shape_cast %swap3A_857 : vector<1x16xf32> to vector<16xf32>
      %swap3A_859 = vector.shape_cast %div3A_853 : vector<16xf32> to vector<1x16xf32>
      tpu.vector_store %arg10[%swap3A_855, %swap3A_856], %swap3A_859 {strides = array<i32>} : memref<16x64xf32, #tpu.memory_space<vmem>>, vector<1x16xf32>,
      %broadcast_in_dim3A_860 = arith.constant 6 : i32
      %broadcast_in_dim3A_861 = vector.broadcast %broadcast_in_dim3A_860 : i32 to vector<16x1xi32>
      %gather3A_862 = vector.shape_cast %broadcast_in_dim3A_861 : vector<16x1xi32> to vector<16xi32>
      %gather3A_863 = tpu.dynamic_gather %max3A_647[%gather3A_862] in [0] : vector<16xf32>, vector<16xi32> -> vector<16xf32>
      %div3A_864 = arith.divf %parallel_loop3A_795#8, %gather3A_863 : vector<16xf32>
      %swap3A_865 = arith.constant 6 : i32
      %swap3A_866 = arith.index_cast %swap3A_865 : i32 to index
      %swap3A_867 = arith.constant 0 : index
      %swap3A_868 = tpu.vector_load %arg10[%swap3A_866, %swap3A_867] {strides = array<i32>} : memref<16x64xf32, #tpu.memory_space<vmem>>, vector<1x16xf32>,
      %swap3A_869 = vector.shape_cast %swap3A_868 : vector<1x16xf32> to vector<16xf32>
      %swap3A_870 = vector.shape_cast %div3A_864 : vector<16xf32> to vector<1x16xf32>
      tpu.vector_store %arg10[%swap3A_866, %swap3A_867], %swap3A_870 {strides = array<i32>} : memref<16x64xf32, #tpu.memory_space<vmem>>, vector<1x16xf32>,
      %div3A_871 = arith.divf %parallel_loop3A_795#9, %gather3A_863 : vector<16xf32>
      %swap3A_872 = arith.constant 6 : i32
      %swap3A_873 = arith.index_cast %swap3A_872 : i32 to index
      %swap3A_874 = arith.constant 16 : index
      %swap3A_875 = tpu.vector_load %arg10[%swap3A_873, %swap3A_874] {strides = array<i32>} : memref<16x64xf32, #tpu.memory_space<vmem>>, vector<1x16xf32>,
      %swap3A_876 = vector.shape_cast %swap3A_875 : vector<1x16xf32> to vector<16xf32>
      %swap3A_877 = vector.shape_cast %div3A_871 : vector<16xf32> to vector<1x16xf32>
      tpu.vector_store %arg10[%swap3A_873, %swap3A_874], %swap3A_877 {strides = array<i32>} : memref<16x64xf32, #tpu.memory_space<vmem>>, vector<1x16xf32>,
      %div3A_878 = arith.divf %parallel_loop3A_795#10, %gather3A_863 : vector<16xf32>
      %swap3A_879 = arith.constant 6 : i32
      %swap3A_880 = arith.index_cast %swap3A_879 : i32 to index
      %swap3A_881 = arith.constant 32 : index
      %swap3A_882 = tpu.vector_load %arg10[%swap3A_880, %swap3A_881] {strides = array<i32>} : memref<16x64xf32, #tpu.memory_space<vmem>>, vector<1x16xf32>,
      %swap3A_883 = vector.shape_cast %swap3A_882 : vector<1x16xf32> to vector<16xf32>
      %swap3A_884 = vector.shape_cast %div3A_878 : vector<16xf32> to vector<1x16xf32>
      tpu.vector_store %arg10[%swap3A_880, %swap3A_881], %swap3A_884 {strides = array<i32>} : memref<16x64xf32, #tpu.memory_space<vmem>>, vector<1x16xf32>,
      %div3A_885 = arith.divf %parallel_loop3A_795#11, %gather3A_863 : vector<16xf32>
      %swap3A_886 = arith.constant 6 : i32
      %swap3A_887 = arith.index_cast %swap3A_886 : i32 to index
      %swap3A_888 = arith.constant 48 : index
      %swap3A_889 = tpu.vector_load %arg10[%swap3A_887, %swap3A_888] {strides = array<i32>} : memref<16x64xf32, #tpu.memory_space<vmem>>, vector<1x16xf32>,
      %swap3A_890 = vector.shape_cast %swap3A_889 : vector<1x16xf32> to vector<16xf32>
      %swap3A_891 = vector.shape_cast %div3A_885 : vector<16xf32> to vector<1x16xf32>
      tpu.vector_store %arg10[%swap3A_887, %swap3A_888], %swap3A_891 {strides = array<i32>} : memref<16x64xf32, #tpu.memory_space<vmem>>, vector<1x16xf32>,
      %broadcast_in_dim3A_892 = arith.constant 7 : i32
      %broadcast_in_dim3A_893 = vector.broadcast %broadcast_in_dim3A_892 : i32 to vector<16x1xi32>
      %gather3A_894 = vector.shape_cast %broadcast_in_dim3A_893 : vector<16x1xi32> to vector<16xi32>
      %gather3A_895 = tpu.dynamic_gather %max3A_647[%gather3A_894] in [0] : vector<16xf32>, vector<16xi32> -> vector<16xf32>
      %div3A_896 = arith.divf %parallel_loop3A_795#12, %gather3A_895 : vector<16xf32>
      %swap3A_897 = arith.constant 7 : i32
      %swap3A_898 = arith.index_cast %swap3A_897 : i32 to index
      %swap3A_899 = arith.constant 0 : index
      %swap3A_900 = tpu.vector_load %arg10[%swap3A_898, %swap3A_899] {strides = array<i32>} : memref<16x64xf32, #tpu.memory_space<vmem>>, vector<1x16xf32>,
      %swap3A_901 = vector.shape_cast %swap3A_900 : vector<1x16xf32> to vector<16xf32>
      %swap3A_902 = vector.shape_cast %div3A_896 : vector<16xf32> to vector<1x16xf32>
      tpu.vector_store %arg10[%swap3A_898, %swap3A_899], %swap3A_902 {strides = array<i32>} : memref<16x64xf32, #tpu.memory_space<vmem>>, vector<1x16xf32>,
      %div3A_903 = arith.divf %parallel_loop3A_795#13, %gather3A_895 : vector<16xf32>
      %swap3A_904 = arith.constant 7 : i32
      %swap3A_905 = arith.index_cast %swap3A_904 : i32 to index
      %swap3A_906 = arith.constant 16 : index
      %swap3A_907 = tpu.vector_load %arg10[%swap3A_905, %swap3A_906] {strides = array<i32>} : memref<16x64xf32, #tpu.memory_space<vmem>>, vector<1x16xf32>,
      %swap3A_908 = vector.shape_cast %swap3A_907 : vector<1x16xf32> to vector<16xf32>
      %swap3A_909 = vector.shape_cast %div3A_903 : vector<16xf32> to vector<1x16xf32>
      tpu.vector_store %arg10[%swap3A_905, %swap3A_906], %swap3A_909 {strides = array<i32>} : memref<16x64xf32, #tpu.memory_space<vmem>>, vector<1x16xf32>,
      %div3A_910 = arith.divf %parallel_loop3A_795#14, %gather3A_895 : vector<16xf32>
      %swap3A_911 = arith.constant 7 : i32
      %swap3A_912 = arith.index_cast %swap3A_911 : i32 to index
      %swap3A_913 = arith.constant 32 : index
      %swap3A_914 = tpu.vector_load %arg10[%swap3A_912, %swap3A_913] {strides = array<i32>} : memref<16x64xf32, #tpu.memory_space<vmem>>, vector<1x16xf32>,
      %swap3A_915 = vector.shape_cast %swap3A_914 : vector<1x16xf32> to vector<16xf32>
      %swap3A_916 = vector.shape_cast %div3A_910 : vector<16xf32> to vector<1x16xf32>
      tpu.vector_store %arg10[%swap3A_912, %swap3A_913], %swap3A_916 {strides = array<i32>} : memref<16x64xf32, #tpu.memory_space<vmem>>, vector<1x16xf32>,
      %div3A_917 = arith.divf %parallel_loop3A_795#15, %gather3A_895 : vector<16xf32>
      %swap3A_918 = arith.constant 7 : i32
      %swap3A_919 = arith.index_cast %swap3A_918 : i32 to index
      %swap3A_920 = arith.constant 48 : index
      %swap3A_921 = tpu.vector_load %arg10[%swap3A_919, %swap3A_920] {strides = array<i32>} : memref<16x64xf32, #tpu.memory_space<vmem>>, vector<1x16xf32>,
      %swap3A_922 = vector.shape_cast %swap3A_921 : vector<1x16xf32> to vector<16xf32>
      %swap3A_923 = vector.shape_cast %div3A_917 : vector<16xf32> to vector<1x16xf32>
      tpu.vector_store %arg10[%swap3A_919, %swap3A_920], %swap3A_923 {strides = array<i32>} : memref<16x64xf32, #tpu.memory_space<vmem>>, vector<1x16xf32>,
      %parallel_loop3A_924 = arith.constant 0 : i32
      %parallel_loop3A_925 = arith.constant 50 : i32
      %parallel_loop3A_926 = arith.constant 1 : i32
      %parallel_loop3A_927:16 = scf.for %parallel_loop3A_1195 = %parallel_loop3A_924 to %parallel_loop3A_925 step %parallel_loop3A_926 iter_args(%parallel_loop3A_1196 = %broadcast_in_dim3A_5, %parallel_loop3A_1197 = %broadcast_in_dim3A_5, %parallel_loop3A_1198 = %broadcast_in_dim3A_5, %parallel_loop3A_1199 = %broadcast_in_dim3A_5, %parallel_loop3A_1200 = %broadcast_in_dim3A_5, %parallel_loop3A_1201 = %broadcast_in_dim3A_5, %parallel_loop3A_1202 = %broadcast_in_dim3A_5, %parallel_loop3A_1203 = %broadcast_in_dim3A_5, %parallel_loop3A_1204 = %broadcast_in_dim3A_5, %parallel_loop3A_1205 = %broadcast_in_dim3A_5, %parallel_loop3A_1206 = %broadcast_in_dim3A_5, %parallel_loop3A_1207 = %broadcast_in_dim3A_5, %parallel_loop3A_1208 = %broadcast_in_dim3A_5, %parallel_loop3A_1209 = %broadcast_in_dim3A_5, %parallel_loop3A_1210 = %broadcast_in_dim3A_5, %parallel_loop3A_1211 = %broadcast_in_dim3A_5) -> (vector<16xf32>, vector<16xf32>, vector<16xf32>, vector<16xf32>, vector<16xf32>, vector<16xf32>, vector<16xf32>, vector<16xf32>, vector<16xf32>, vector<16xf32>, vector<16xf32>, vector<16xf32>, vector<16xf32>, vector<16xf32>, vector<16xf32>, vector<16xf32>)  : i32 {
        %parallel_loop3A_1212 = arith.constant 16 : i32
        %parallel_loop3A_1213 = arith.muli %parallel_loop3A_1195, %parallel_loop3A_1212 : i32
        %parallel_loop3A_1214 = arith.constant 8 : i32
        %parallel_loop3A_1215 = arith.addi %parallel_loop3A_1213, %parallel_loop3A_1214 : i32
        %parallel_loop3A_1216 = arith.constant 0 : i32
        %parallel_loop3A_1217 = arith.addi %parallel_loop3A_1215, %parallel_loop3A_1216 : i32
        %parallel_loop3A_1218 = arith.index_cast %parallel_loop3A_1217 : i32 to index
        %parallel_loop3A_1219 = arith.constant 0 : index
        %parallel_loop3A_1220 = tpu.vector_load %arg8[%parallel_loop3A_1218, %parallel_loop3A_1219] {strides = array<i32>} : memref<800x64xf32, #tpu.memory_space<vmem>>, vector<1x16xf32>,
        %parallel_loop3A_1221 = vector.shape_cast %parallel_loop3A_1220 : vector<1x16xf32> to vector<16xf32>
        %parallel_loop3A_1222 = arith.addf %parallel_loop3A_1196, %parallel_loop3A_1221 : vector<16xf32>
        %parallel_loop3A_1223 = arith.index_cast %parallel_loop3A_1217 : i32 to index
        %parallel_loop3A_1224 = arith.constant 16 : index
        %parallel_loop3A_1225 = tpu.vector_load %arg8[%parallel_loop3A_1223, %parallel_loop3A_1224] {strides = array<i32>} : memref<800x64xf32, #tpu.memory_space<vmem>>, vector<1x16xf32>,
        %parallel_loop3A_1226 = vector.shape_cast %parallel_loop3A_1225 : vector<1x16xf32> to vector<16xf32>
        %parallel_loop3A_1227 = arith.addf %parallel_loop3A_1197, %parallel_loop3A_1226 : vector<16xf32>
        %parallel_loop3A_1228 = arith.index_cast %parallel_loop3A_1217 : i32 to index
        %parallel_loop3A_1229 = arith.constant 32 : index
        %parallel_loop3A_1230 = tpu.vector_load %arg8[%parallel_loop3A_1228, %parallel_loop3A_1229] {strides = array<i32>} : memref<800x64xf32, #tpu.memory_space<vmem>>, vector<1x16xf32>,
        %parallel_loop3A_1231 = vector.shape_cast %parallel_loop3A_1230 : vector<1x16xf32> to vector<16xf32>
        %parallel_loop3A_1232 = arith.addf %parallel_loop3A_1198, %parallel_loop3A_1231 : vector<16xf32>
        %parallel_loop3A_1233 = arith.index_cast %parallel_loop3A_1217 : i32 to index
        %parallel_loop3A_1234 = arith.constant 48 : index
        %parallel_loop3A_1235 = tpu.vector_load %arg8[%parallel_loop3A_1233, %parallel_loop3A_1234] {strides = array<i32>} : memref<800x64xf32, #tpu.memory_space<vmem>>, vector<1x16xf32>,
        %parallel_loop3A_1236 = vector.shape_cast %parallel_loop3A_1235 : vector<1x16xf32> to vector<16xf32>
        %parallel_loop3A_1237 = arith.addf %parallel_loop3A_1199, %parallel_loop3A_1236 : vector<16xf32>
        %parallel_loop3A_1238 = arith.constant 16 : i32
        %parallel_loop3A_1239 = arith.muli %parallel_loop3A_1195, %parallel_loop3A_1238 : i32
        %parallel_loop3A_1240 = arith.constant 8 : i32
        %parallel_loop3A_1241 = arith.addi %parallel_loop3A_1239, %parallel_loop3A_1240 : i32
        %parallel_loop3A_1242 = arith.constant 1 : i32
        %parallel_loop3A_1243 = arith.addi %parallel_loop3A_1241, %parallel_loop3A_1242 : i32
        %parallel_loop3A_1244 = arith.index_cast %parallel_loop3A_1243 : i32 to index
        %parallel_loop3A_1245 = arith.constant 0 : index
        %parallel_loop3A_1246 = tpu.vector_load %arg8[%parallel_loop3A_1244, %parallel_loop3A_1245] {strides = array<i32>} : memref<800x64xf32, #tpu.memory_space<vmem>>, vector<1x16xf32>,
        %parallel_loop3A_1247 = vector.shape_cast %parallel_loop3A_1246 : vector<1x16xf32> to vector<16xf32>
        %parallel_loop3A_1248 = arith.addf %parallel_loop3A_1200, %parallel_loop3A_1247 : vector<16xf32>
        %parallel_loop3A_1249 = arith.index_cast %parallel_loop3A_1243 : i32 to index
        %parallel_loop3A_1250 = arith.constant 16 : index
        %parallel_loop3A_1251 = tpu.vector_load %arg8[%parallel_loop3A_1249, %parallel_loop3A_1250] {strides = array<i32>} : memref<800x64xf32, #tpu.memory_space<vmem>>, vector<1x16xf32>,
        %parallel_loop3A_1252 = vector.shape_cast %parallel_loop3A_1251 : vector<1x16xf32> to vector<16xf32>
        %parallel_loop3A_1253 = arith.addf %parallel_loop3A_1201, %parallel_loop3A_1252 : vector<16xf32>
        %parallel_loop3A_1254 = arith.index_cast %parallel_loop3A_1243 : i32 to index
        %parallel_loop3A_1255 = arith.constant 32 : index
        %parallel_loop3A_1256 = tpu.vector_load %arg8[%parallel_loop3A_1254, %parallel_loop3A_1255] {strides = array<i32>} : memref<800x64xf32, #tpu.memory_space<vmem>>, vector<1x16xf32>,
        %parallel_loop3A_1257 = vector.shape_cast %parallel_loop3A_1256 : vector<1x16xf32> to vector<16xf32>
        %parallel_loop3A_1258 = arith.addf %parallel_loop3A_1202, %parallel_loop3A_1257 : vector<16xf32>
        %parallel_loop3A_1259 = arith.index_cast %parallel_loop3A_1243 : i32 to index
        %parallel_loop3A_1260 = arith.constant 48 : index
        %parallel_loop3A_1261 = tpu.vector_load %arg8[%parallel_loop3A_1259, %parallel_loop3A_1260] {strides = array<i32>} : memref<800x64xf32, #tpu.memory_space<vmem>>, vector<1x16xf32>,
        %parallel_loop3A_1262 = vector.shape_cast %parallel_loop3A_1261 : vector<1x16xf32> to vector<16xf32>
        %parallel_loop3A_1263 = arith.addf %parallel_loop3A_1203, %parallel_loop3A_1262 : vector<16xf32>
        %parallel_loop3A_1264 = arith.constant 16 : i32
        %parallel_loop3A_1265 = arith.muli %parallel_loop3A_1195, %parallel_loop3A_1264 : i32
        %parallel_loop3A_1266 = arith.constant 8 : i32
        %parallel_loop3A_1267 = arith.addi %parallel_loop3A_1265, %parallel_loop3A_1266 : i32
        %parallel_loop3A_1268 = arith.constant 2 : i32
        %parallel_loop3A_1269 = arith.addi %parallel_loop3A_1267, %parallel_loop3A_1268 : i32
        %parallel_loop3A_1270 = arith.index_cast %parallel_loop3A_1269 : i32 to index
        %parallel_loop3A_1271 = arith.constant 0 : index
        %parallel_loop3A_1272 = tpu.vector_load %arg8[%parallel_loop3A_1270, %parallel_loop3A_1271] {strides = array<i32>} : memref<800x64xf32, #tpu.memory_space<vmem>>, vector<1x16xf32>,
        %parallel_loop3A_1273 = vector.shape_cast %parallel_loop3A_1272 : vector<1x16xf32> to vector<16xf32>
        %parallel_loop3A_1274 = arith.addf %parallel_loop3A_1204, %parallel_loop3A_1273 : vector<16xf32>
        %parallel_loop3A_1275 = arith.index_cast %parallel_loop3A_1269 : i32 to index
        %parallel_loop3A_1276 = arith.constant 16 : index
        %parallel_loop3A_1277 = tpu.vector_load %arg8[%parallel_loop3A_1275, %parallel_loop3A_1276] {strides = array<i32>} : memref<800x64xf32, #tpu.memory_space<vmem>>, vector<1x16xf32>,
        %parallel_loop3A_1278 = vector.shape_cast %parallel_loop3A_1277 : vector<1x16xf32> to vector<16xf32>
        %parallel_loop3A_1279 = arith.addf %parallel_loop3A_1205, %parallel_loop3A_1278 : vector<16xf32>
        %parallel_loop3A_1280 = arith.index_cast %parallel_loop3A_1269 : i32 to index
        %parallel_loop3A_1281 = arith.constant 32 : index
        %parallel_loop3A_1282 = tpu.vector_load %arg8[%parallel_loop3A_1280, %parallel_loop3A_1281] {strides = array<i32>} : memref<800x64xf32, #tpu.memory_space<vmem>>, vector<1x16xf32>,
        %parallel_loop3A_1283 = vector.shape_cast %parallel_loop3A_1282 : vector<1x16xf32> to vector<16xf32>
        %parallel_loop3A_1284 = arith.addf %parallel_loop3A_1206, %parallel_loop3A_1283 : vector<16xf32>
        %parallel_loop3A_1285 = arith.index_cast %parallel_loop3A_1269 : i32 to index
        %parallel_loop3A_1286 = arith.constant 48 : index
        %parallel_loop3A_1287 = tpu.vector_load %arg8[%parallel_loop3A_1285, %parallel_loop3A_1286] {strides = array<i32>} : memref<800x64xf32, #tpu.memory_space<vmem>>, vector<1x16xf32>,
        %parallel_loop3A_1288 = vector.shape_cast %parallel_loop3A_1287 : vector<1x16xf32> to vector<16xf32>
        %parallel_loop3A_1289 = arith.addf %parallel_loop3A_1207, %parallel_loop3A_1288 : vector<16xf32>
        %parallel_loop3A_1290 = arith.constant 16 : i32
        %parallel_loop3A_1291 = arith.muli %parallel_loop3A_1195, %parallel_loop3A_1290 : i32
        %parallel_loop3A_1292 = arith.constant 8 : i32
        %parallel_loop3A_1293 = arith.addi %parallel_loop3A_1291, %parallel_loop3A_1292 : i32
        %parallel_loop3A_1294 = arith.constant 3 : i32
        %parallel_loop3A_1295 = arith.addi %parallel_loop3A_1293, %parallel_loop3A_1294 : i32
        %parallel_loop3A_1296 = arith.index_cast %parallel_loop3A_1295 : i32 to index
        %parallel_loop3A_1297 = arith.constant 0 : index
        %parallel_loop3A_1298 = tpu.vector_load %arg8[%parallel_loop3A_1296, %parallel_loop3A_1297] {strides = array<i32>} : memref<800x64xf32, #tpu.memory_space<vmem>>, vector<1x16xf32>,
        %parallel_loop3A_1299 = vector.shape_cast %parallel_loop3A_1298 : vector<1x16xf32> to vector<16xf32>
        %parallel_loop3A_1300 = arith.addf %parallel_loop3A_1208, %parallel_loop3A_1299 : vector<16xf32>
        %parallel_loop3A_1301 = arith.index_cast %parallel_loop3A_1295 : i32 to index
        %parallel_loop3A_1302 = arith.constant 16 : index
        %parallel_loop3A_1303 = tpu.vector_load %arg8[%parallel_loop3A_1301, %parallel_loop3A_1302] {strides = array<i32>} : memref<800x64xf32, #tpu.memory_space<vmem>>, vector<1x16xf32>,
        %parallel_loop3A_1304 = vector.shape_cast %parallel_loop3A_1303 : vector<1x16xf32> to vector<16xf32>
        %parallel_loop3A_1305 = arith.addf %parallel_loop3A_1209, %parallel_loop3A_1304 : vector<16xf32>
        %parallel_loop3A_1306 = arith.index_cast %parallel_loop3A_1295 : i32 to index
        %parallel_loop3A_1307 = arith.constant 32 : index
        %parallel_loop3A_1308 = tpu.vector_load %arg8[%parallel_loop3A_1306, %parallel_loop3A_1307] {strides = array<i32>} : memref<800x64xf32, #tpu.memory_space<vmem>>, vector<1x16xf32>,
        %parallel_loop3A_1309 = vector.shape_cast %parallel_loop3A_1308 : vector<1x16xf32> to vector<16xf32>
        %parallel_loop3A_1310 = arith.addf %parallel_loop3A_1210, %parallel_loop3A_1309 : vector<16xf32>
        %parallel_loop3A_1311 = arith.index_cast %parallel_loop3A_1295 : i32 to index
        %parallel_loop3A_1312 = arith.constant 48 : index
        %parallel_loop3A_1313 = tpu.vector_load %arg8[%parallel_loop3A_1311, %parallel_loop3A_1312] {strides = array<i32>} : memref<800x64xf32, #tpu.memory_space<vmem>>, vector<1x16xf32>,
        %parallel_loop3A_1314 = vector.shape_cast %parallel_loop3A_1313 : vector<1x16xf32> to vector<16xf32>
        %parallel_loop3A_1315 = arith.addf %parallel_loop3A_1211, %parallel_loop3A_1314 : vector<16xf32>
        scf.yield %parallel_loop3A_1222, %parallel_loop3A_1227, %parallel_loop3A_1232, %parallel_loop3A_1237, %parallel_loop3A_1248, %parallel_loop3A_1253, %parallel_loop3A_1258, %parallel_loop3A_1263, %parallel_loop3A_1274, %parallel_loop3A_1279, %parallel_loop3A_1284, %parallel_loop3A_1289, %parallel_loop3A_1300, %parallel_loop3A_1305, %parallel_loop3A_1310, %parallel_loop3A_1315 : vector<16xf32>, vector<16xf32>, vector<16xf32>, vector<16xf32>, vector<16xf32>, vector<16xf32>, vector<16xf32>, vector<16xf32>, vector<16xf32>, vector<16xf32>, vector<16xf32>, vector<16xf32>, vector<16xf32>, vector<16xf32>, vector<16xf32>, vector<16xf32>
      } {sc.loop_unroll_factor = 1 : i64, sc.parallel_access}
      %broadcast_in_dim3A_928 = arith.constant 8 : i32
      %broadcast_in_dim3A_929 = vector.broadcast %broadcast_in_dim3A_928 : i32 to vector<16x1xi32>
      %gather3A_930 = vector.shape_cast %broadcast_in_dim3A_929 : vector<16x1xi32> to vector<16xi32>
      %gather3A_931 = tpu.dynamic_gather %max3A_647[%gather3A_930] in [0] : vector<16xf32>, vector<16xi32> -> vector<16xf32>
      %div3A_932 = arith.divf %parallel_loop3A_927#0, %gather3A_931 : vector<16xf32>
      %swap3A_933 = arith.constant 8 : i32
      %swap3A_934 = arith.index_cast %swap3A_933 : i32 to index
      %swap3A_935 = arith.constant 0 : index
      %swap3A_936 = tpu.vector_load %arg10[%swap3A_934, %swap3A_935] {strides = array<i32>} : memref<16x64xf32, #tpu.memory_space<vmem>>, vector<1x16xf32>,
      %swap3A_937 = vector.shape_cast %swap3A_936 : vector<1x16xf32> to vector<16xf32>
      %swap3A_938 = vector.shape_cast %div3A_932 : vector<16xf32> to vector<1x16xf32>
      tpu.vector_store %arg10[%swap3A_934, %swap3A_935], %swap3A_938 {strides = array<i32>} : memref<16x64xf32, #tpu.memory_space<vmem>>, vector<1x16xf32>,
      %div3A_939 = arith.divf %parallel_loop3A_927#1, %gather3A_931 : vector<16xf32>
      %swap3A_940 = arith.constant 8 : i32
      %swap3A_941 = arith.index_cast %swap3A_940 : i32 to index
      %swap3A_942 = arith.constant 16 : index
      %swap3A_943 = tpu.vector_load %arg10[%swap3A_941, %swap3A_942] {strides = array<i32>} : memref<16x64xf32, #tpu.memory_space<vmem>>, vector<1x16xf32>,
      %swap3A_944 = vector.shape_cast %swap3A_943 : vector<1x16xf32> to vector<16xf32>
      %swap3A_945 = vector.shape_cast %div3A_939 : vector<16xf32> to vector<1x16xf32>
      tpu.vector_store %arg10[%swap3A_941, %swap3A_942], %swap3A_945 {strides = array<i32>} : memref<16x64xf32, #tpu.memory_space<vmem>>, vector<1x16xf32>,
      %div3A_946 = arith.divf %parallel_loop3A_927#2, %gather3A_931 : vector<16xf32>
      %swap3A_947 = arith.constant 8 : i32
      %swap3A_948 = arith.index_cast %swap3A_947 : i32 to index
      %swap3A_949 = arith.constant 32 : index
      %swap3A_950 = tpu.vector_load %arg10[%swap3A_948, %swap3A_949] {strides = array<i32>} : memref<16x64xf32, #tpu.memory_space<vmem>>, vector<1x16xf32>,
      %swap3A_951 = vector.shape_cast %swap3A_950 : vector<1x16xf32> to vector<16xf32>
      %swap3A_952 = vector.shape_cast %div3A_946 : vector<16xf32> to vector<1x16xf32>
      tpu.vector_store %arg10[%swap3A_948, %swap3A_949], %swap3A_952 {strides = array<i32>} : memref<16x64xf32, #tpu.memory_space<vmem>>, vector<1x16xf32>,
      %div3A_953 = arith.divf %parallel_loop3A_927#3, %gather3A_931 : vector<16xf32>
      %swap3A_954 = arith.constant 8 : i32
      %swap3A_955 = arith.index_cast %swap3A_954 : i32 to index
      %swap3A_956 = arith.constant 48 : index
      %swap3A_957 = tpu.vector_load %arg10[%swap3A_955, %swap3A_956] {strides = array<i32>} : memref<16x64xf32, #tpu.memory_space<vmem>>, vector<1x16xf32>,
      %swap3A_958 = vector.shape_cast %swap3A_957 : vector<1x16xf32> to vector<16xf32>
      %swap3A_959 = vector.shape_cast %div3A_953 : vector<16xf32> to vector<1x16xf32>
      tpu.vector_store %arg10[%swap3A_955, %swap3A_956], %swap3A_959 {strides = array<i32>} : memref<16x64xf32, #tpu.memory_space<vmem>>, vector<1x16xf32>,
      %broadcast_in_dim3A_960 = arith.constant 9 : i32
      %broadcast_in_dim3A_961 = vector.broadcast %broadcast_in_dim3A_960 : i32 to vector<16x1xi32>
      %gather3A_962 = vector.shape_cast %broadcast_in_dim3A_961 : vector<16x1xi32> to vector<16xi32>
      %gather3A_963 = tpu.dynamic_gather %max3A_647[%gather3A_962] in [0] : vector<16xf32>, vector<16xi32> -> vector<16xf32>
      %div3A_964 = arith.divf %parallel_loop3A_927#4, %gather3A_963 : vector<16xf32>
      %swap3A_965 = arith.constant 9 : i32
      %swap3A_966 = arith.index_cast %swap3A_965 : i32 to index
      %swap3A_967 = arith.constant 0 : index
      %swap3A_968 = tpu.vector_load %arg10[%swap3A_966, %swap3A_967] {strides = array<i32>} : memref<16x64xf32, #tpu.memory_space<vmem>>, vector<1x16xf32>,
      %swap3A_969 = vector.shape_cast %swap3A_968 : vector<1x16xf32> to vector<16xf32>
      %swap3A_970 = vector.shape_cast %div3A_964 : vector<16xf32> to vector<1x16xf32>
      tpu.vector_store %arg10[%swap3A_966, %swap3A_967], %swap3A_970 {strides = array<i32>} : memref<16x64xf32, #tpu.memory_space<vmem>>, vector<1x16xf32>,
      %div3A_971 = arith.divf %parallel_loop3A_927#5, %gather3A_963 : vector<16xf32>
      %swap3A_972 = arith.constant 9 : i32
      %swap3A_973 = arith.index_cast %swap3A_972 : i32 to index
      %swap3A_974 = arith.constant 16 : index
      %swap3A_975 = tpu.vector_load %arg10[%swap3A_973, %swap3A_974] {strides = array<i32>} : memref<16x64xf32, #tpu.memory_space<vmem>>, vector<1x16xf32>,
      %swap3A_976 = vector.shape_cast %swap3A_975 : vector<1x16xf32> to vector<16xf32>
      %swap3A_977 = vector.shape_cast %div3A_971 : vector<16xf32> to vector<1x16xf32>
      tpu.vector_store %arg10[%swap3A_973, %swap3A_974], %swap3A_977 {strides = array<i32>} : memref<16x64xf32, #tpu.memory_space<vmem>>, vector<1x16xf32>,
      %div3A_978 = arith.divf %parallel_loop3A_927#6, %gather3A_963 : vector<16xf32>
      %swap3A_979 = arith.constant 9 : i32
      %swap3A_980 = arith.index_cast %swap3A_979 : i32 to index
      %swap3A_981 = arith.constant 32 : index
      %swap3A_982 = tpu.vector_load %arg10[%swap3A_980, %swap3A_981] {strides = array<i32>} : memref<16x64xf32, #tpu.memory_space<vmem>>, vector<1x16xf32>,
      %swap3A_983 = vector.shape_cast %swap3A_982 : vector<1x16xf32> to vector<16xf32>
      %swap3A_984 = vector.shape_cast %div3A_978 : vector<16xf32> to vector<1x16xf32>
      tpu.vector_store %arg10[%swap3A_980, %swap3A_981], %swap3A_984 {strides = array<i32>} : memref<16x64xf32, #tpu.memory_space<vmem>>, vector<1x16xf32>,
      %div3A_985 = arith.divf %parallel_loop3A_927#7, %gather3A_963 : vector<16xf32>
      %swap3A_986 = arith.constant 9 : i32
      %swap3A_987 = arith.index_cast %swap3A_986 : i32 to index
      %swap3A_988 = arith.constant 48 : index
      %swap3A_989 = tpu.vector_load %arg10[%swap3A_987, %swap3A_988] {strides = array<i32>} : memref<16x64xf32, #tpu.memory_space<vmem>>, vector<1x16xf32>,
      %swap3A_990 = vector.shape_cast %swap3A_989 : vector<1x16xf32> to vector<16xf32>
      %swap3A_991 = vector.shape_cast %div3A_985 : vector<16xf32> to vector<1x16xf32>
      tpu.vector_store %arg10[%swap3A_987, %swap3A_988], %swap3A_991 {strides = array<i32>} : memref<16x64xf32, #tpu.memory_space<vmem>>, vector<1x16xf32>,
      %broadcast_in_dim3A_992 = arith.constant 10 : i32
      %broadcast_in_dim3A_993 = vector.broadcast %broadcast_in_dim3A_992 : i32 to vector<16x1xi32>
      %gather3A_994 = vector.shape_cast %broadcast_in_dim3A_993 : vector<16x1xi32> to vector<16xi32>
      %gather3A_995 = tpu.dynamic_gather %max3A_647[%gather3A_994] in [0] : vector<16xf32>, vector<16xi32> -> vector<16xf32>
      %div3A_996 = arith.divf %parallel_loop3A_927#8, %gather3A_995 : vector<16xf32>
      %swap3A_997 = arith.constant 10 : i32
      %swap3A_998 = arith.index_cast %swap3A_997 : i32 to index
      %swap3A_999 = arith.constant 0 : index
      %swap3A_1000 = tpu.vector_load %arg10[%swap3A_998, %swap3A_999] {strides = array<i32>} : memref<16x64xf32, #tpu.memory_space<vmem>>, vector<1x16xf32>,
      %swap3A_1001 = vector.shape_cast %swap3A_1000 : vector<1x16xf32> to vector<16xf32>
      %swap3A_1002 = vector.shape_cast %div3A_996 : vector<16xf32> to vector<1x16xf32>
      tpu.vector_store %arg10[%swap3A_998, %swap3A_999], %swap3A_1002 {strides = array<i32>} : memref<16x64xf32, #tpu.memory_space<vmem>>, vector<1x16xf32>,
      %div3A_1003 = arith.divf %parallel_loop3A_927#9, %gather3A_995 : vector<16xf32>
      %swap3A_1004 = arith.constant 10 : i32
      %swap3A_1005 = arith.index_cast %swap3A_1004 : i32 to index
      %swap3A_1006 = arith.constant 16 : index
      %swap3A_1007 = tpu.vector_load %arg10[%swap3A_1005, %swap3A_1006] {strides = array<i32>} : memref<16x64xf32, #tpu.memory_space<vmem>>, vector<1x16xf32>,
      %swap3A_1008 = vector.shape_cast %swap3A_1007 : vector<1x16xf32> to vector<16xf32>
      %swap3A_1009 = vector.shape_cast %div3A_1003 : vector<16xf32> to vector<1x16xf32>
      tpu.vector_store %arg10[%swap3A_1005, %swap3A_1006], %swap3A_1009 {strides = array<i32>} : memref<16x64xf32, #tpu.memory_space<vmem>>, vector<1x16xf32>,
      %div3A_1010 = arith.divf %parallel_loop3A_927#10, %gather3A_995 : vector<16xf32>
      %swap3A_1011 = arith.constant 10 : i32
      %swap3A_1012 = arith.index_cast %swap3A_1011 : i32 to index
      %swap3A_1013 = arith.constant 32 : index
      %swap3A_1014 = tpu.vector_load %arg10[%swap3A_1012, %swap3A_1013] {strides = array<i32>} : memref<16x64xf32, #tpu.memory_space<vmem>>, vector<1x16xf32>,
      %swap3A_1015 = vector.shape_cast %swap3A_1014 : vector<1x16xf32> to vector<16xf32>
      %swap3A_1016 = vector.shape_cast %div3A_1010 : vector<16xf32> to vector<1x16xf32>
      tpu.vector_store %arg10[%swap3A_1012, %swap3A_1013], %swap3A_1016 {strides = array<i32>} : memref<16x64xf32, #tpu.memory_space<vmem>>, vector<1x16xf32>,
      %div3A_1017 = arith.divf %parallel_loop3A_927#11, %gather3A_995 : vector<16xf32>
      %swap3A_1018 = arith.constant 10 : i32
      %swap3A_1019 = arith.index_cast %swap3A_1018 : i32 to index
      %swap3A_1020 = arith.constant 48 : index
      %swap3A_1021 = tpu.vector_load %arg10[%swap3A_1019, %swap3A_1020] {strides = array<i32>} : memref<16x64xf32, #tpu.memory_space<vmem>>, vector<1x16xf32>,
      %swap3A_1022 = vector.shape_cast %swap3A_1021 : vector<1x16xf32> to vector<16xf32>
      %swap3A_1023 = vector.shape_cast %div3A_1017 : vector<16xf32> to vector<1x16xf32>
      tpu.vector_store %arg10[%swap3A_1019, %swap3A_1020], %swap3A_1023 {strides = array<i32>} : memref<16x64xf32, #tpu.memory_space<vmem>>, vector<1x16xf32>,
      %broadcast_in_dim3A_1024 = arith.constant 11 : i32
      %broadcast_in_dim3A_1025 = vector.broadcast %broadcast_in_dim3A_1024 : i32 to vector<16x1xi32>
      %gather3A_1026 = vector.shape_cast %broadcast_in_dim3A_1025 : vector<16x1xi32> to vector<16xi32>
      %gather3A_1027 = tpu.dynamic_gather %max3A_647[%gather3A_1026] in [0] : vector<16xf32>, vector<16xi32> -> vector<16xf32>
      %div3A_1028 = arith.divf %parallel_loop3A_927#12, %gather3A_1027 : vector<16xf32>
      %swap3A_1029 = arith.constant 11 : i32
      %swap3A_1030 = arith.index_cast %swap3A_1029 : i32 to index
      %swap3A_1031 = arith.constant 0 : index
      %swap3A_1032 = tpu.vector_load %arg10[%swap3A_1030, %swap3A_1031] {strides = array<i32>} : memref<16x64xf32, #tpu.memory_space<vmem>>, vector<1x16xf32>,
      %swap3A_1033 = vector.shape_cast %swap3A_1032 : vector<1x16xf32> to vector<16xf32>
      %swap3A_1034 = vector.shape_cast %div3A_1028 : vector<16xf32> to vector<1x16xf32>
      tpu.vector_store %arg10[%swap3A_1030, %swap3A_1031], %swap3A_1034 {strides = array<i32>} : memref<16x64xf32, #tpu.memory_space<vmem>>, vector<1x16xf32>,
      %div3A_1035 = arith.divf %parallel_loop3A_927#13, %gather3A_1027 : vector<16xf32>
      %swap3A_1036 = arith.constant 11 : i32
      %swap3A_1037 = arith.index_cast %swap3A_1036 : i32 to index
      %swap3A_1038 = arith.constant 16 : index
      %swap3A_1039 = tpu.vector_load %arg10[%swap3A_1037, %swap3A_1038] {strides = array<i32>} : memref<16x64xf32, #tpu.memory_space<vmem>>, vector<1x16xf32>,
      %swap3A_1040 = vector.shape_cast %swap3A_1039 : vector<1x16xf32> to vector<16xf32>
      %swap3A_1041 = vector.shape_cast %div3A_1035 : vector<16xf32> to vector<1x16xf32>
      tpu.vector_store %arg10[%swap3A_1037, %swap3A_1038], %swap3A_1041 {strides = array<i32>} : memref<16x64xf32, #tpu.memory_space<vmem>>, vector<1x16xf32>,
      %div3A_1042 = arith.divf %parallel_loop3A_927#14, %gather3A_1027 : vector<16xf32>
      %swap3A_1043 = arith.constant 11 : i32
      %swap3A_1044 = arith.index_cast %swap3A_1043 : i32 to index
      %swap3A_1045 = arith.constant 32 : index
      %swap3A_1046 = tpu.vector_load %arg10[%swap3A_1044, %swap3A_1045] {strides = array<i32>} : memref<16x64xf32, #tpu.memory_space<vmem>>, vector<1x16xf32>,
      %swap3A_1047 = vector.shape_cast %swap3A_1046 : vector<1x16xf32> to vector<16xf32>
      %swap3A_1048 = vector.shape_cast %div3A_1042 : vector<16xf32> to vector<1x16xf32>
      tpu.vector_store %arg10[%swap3A_1044, %swap3A_1045], %swap3A_1048 {strides = array<i32>} : memref<16x64xf32, #tpu.memory_space<vmem>>, vector<1x16xf32>,
      %div3A_1049 = arith.divf %parallel_loop3A_927#15, %gather3A_1027 : vector<16xf32>
      %swap3A_1050 = arith.constant 11 : i32
      %swap3A_1051 = arith.index_cast %swap3A_1050 : i32 to index
      %swap3A_1052 = arith.constant 48 : index
      %swap3A_1053 = tpu.vector_load %arg10[%swap3A_1051, %swap3A_1052] {strides = array<i32>} : memref<16x64xf32, #tpu.memory_space<vmem>>, vector<1x16xf32>,
      %swap3A_1054 = vector.shape_cast %swap3A_1053 : vector<1x16xf32> to vector<16xf32>
      %swap3A_1055 = vector.shape_cast %div3A_1049 : vector<16xf32> to vector<1x16xf32>
      tpu.vector_store %arg10[%swap3A_1051, %swap3A_1052], %swap3A_1055 {strides = array<i32>} : memref<16x64xf32, #tpu.memory_space<vmem>>, vector<1x16xf32>,
      %parallel_loop3A_1056 = arith.constant 0 : i32
      %parallel_loop3A_1057 = arith.constant 50 : i32
      %parallel_loop3A_1058 = arith.constant 1 : i32
      %parallel_loop3A_1059:16 = scf.for %parallel_loop3A_1195 = %parallel_loop3A_1056 to %parallel_loop3A_1057 step %parallel_loop3A_1058 iter_args(%parallel_loop3A_1196 = %broadcast_in_dim3A_5, %parallel_loop3A_1197 = %broadcast_in_dim3A_5, %parallel_loop3A_1198 = %broadcast_in_dim3A_5, %parallel_loop3A_1199 = %broadcast_in_dim3A_5, %parallel_loop3A_1200 = %broadcast_in_dim3A_5, %parallel_loop3A_1201 = %broadcast_in_dim3A_5, %parallel_loop3A_1202 = %broadcast_in_dim3A_5, %parallel_loop3A_1203 = %broadcast_in_dim3A_5, %parallel_loop3A_1204 = %broadcast_in_dim3A_5, %parallel_loop3A_1205 = %broadcast_in_dim3A_5, %parallel_loop3A_1206 = %broadcast_in_dim3A_5, %parallel_loop3A_1207 = %broadcast_in_dim3A_5, %parallel_loop3A_1208 = %broadcast_in_dim3A_5, %parallel_loop3A_1209 = %broadcast_in_dim3A_5, %parallel_loop3A_1210 = %broadcast_in_dim3A_5, %parallel_loop3A_1211 = %broadcast_in_dim3A_5) -> (vector<16xf32>, vector<16xf32>, vector<16xf32>, vector<16xf32>, vector<16xf32>, vector<16xf32>, vector<16xf32>, vector<16xf32>, vector<16xf32>, vector<16xf32>, vector<16xf32>, vector<16xf32>, vector<16xf32>, vector<16xf32>, vector<16xf32>, vector<16xf32>)  : i32 {
        %parallel_loop3A_1212 = arith.constant 16 : i32
        %parallel_loop3A_1213 = arith.muli %parallel_loop3A_1195, %parallel_loop3A_1212 : i32
        %parallel_loop3A_1214 = arith.constant 12 : i32
        %parallel_loop3A_1215 = arith.addi %parallel_loop3A_1213, %parallel_loop3A_1214 : i32
        %parallel_loop3A_1216 = arith.constant 0 : i32
        %parallel_loop3A_1217 = arith.addi %parallel_loop3A_1215, %parallel_loop3A_1216 : i32
        %parallel_loop3A_1218 = arith.index_cast %parallel_loop3A_1217 : i32 to index
        %parallel_loop3A_1219 = arith.constant 0 : index
        %parallel_loop3A_1220 = tpu.vector_load %arg8[%parallel_loop3A_1218, %parallel_loop3A_1219] {strides = array<i32>} : memref<800x64xf32, #tpu.memory_space<vmem>>, vector<1x16xf32>,
        %parallel_loop3A_1221 = vector.shape_cast %parallel_loop3A_1220 : vector<1x16xf32> to vector<16xf32>
        %parallel_loop3A_1222 = arith.addf %parallel_loop3A_1196, %parallel_loop3A_1221 : vector<16xf32>
        %parallel_loop3A_1223 = arith.index_cast %parallel_loop3A_1217 : i32 to index
        %parallel_loop3A_1224 = arith.constant 16 : index
        %parallel_loop3A_1225 = tpu.vector_load %arg8[%parallel_loop3A_1223, %parallel_loop3A_1224] {strides = array<i32>} : memref<800x64xf32, #tpu.memory_space<vmem>>, vector<1x16xf32>,
        %parallel_loop3A_1226 = vector.shape_cast %parallel_loop3A_1225 : vector<1x16xf32> to vector<16xf32>
        %parallel_loop3A_1227 = arith.addf %parallel_loop3A_1197, %parallel_loop3A_1226 : vector<16xf32>
        %parallel_loop3A_1228 = arith.index_cast %parallel_loop3A_1217 : i32 to index
        %parallel_loop3A_1229 = arith.constant 32 : index
        %parallel_loop3A_1230 = tpu.vector_load %arg8[%parallel_loop3A_1228, %parallel_loop3A_1229] {strides = array<i32>} : memref<800x64xf32, #tpu.memory_space<vmem>>, vector<1x16xf32>,
        %parallel_loop3A_1231 = vector.shape_cast %parallel_loop3A_1230 : vector<1x16xf32> to vector<16xf32>
        %parallel_loop3A_1232 = arith.addf %parallel_loop3A_1198, %parallel_loop3A_1231 : vector<16xf32>
        %parallel_loop3A_1233 = arith.index_cast %parallel_loop3A_1217 : i32 to index
        %parallel_loop3A_1234 = arith.constant 48 : index
        %parallel_loop3A_1235 = tpu.vector_load %arg8[%parallel_loop3A_1233, %parallel_loop3A_1234] {strides = array<i32>} : memref<800x64xf32, #tpu.memory_space<vmem>>, vector<1x16xf32>,
        %parallel_loop3A_1236 = vector.shape_cast %parallel_loop3A_1235 : vector<1x16xf32> to vector<16xf32>
        %parallel_loop3A_1237 = arith.addf %parallel_loop3A_1199, %parallel_loop3A_1236 : vector<16xf32>
        %parallel_loop3A_1238 = arith.constant 16 : i32
        %parallel_loop3A_1239 = arith.muli %parallel_loop3A_1195, %parallel_loop3A_1238 : i32
        %parallel_loop3A_1240 = arith.constant 12 : i32
        %parallel_loop3A_1241 = arith.addi %parallel_loop3A_1239, %parallel_loop3A_1240 : i32
        %parallel_loop3A_1242 = arith.constant 1 : i32
        %parallel_loop3A_1243 = arith.addi %parallel_loop3A_1241, %parallel_loop3A_1242 : i32
        %parallel_loop3A_1244 = arith.index_cast %parallel_loop3A_1243 : i32 to index
        %parallel_loop3A_1245 = arith.constant 0 : index
        %parallel_loop3A_1246 = tpu.vector_load %arg8[%parallel_loop3A_1244, %parallel_loop3A_1245] {strides = array<i32>} : memref<800x64xf32, #tpu.memory_space<vmem>>, vector<1x16xf32>,
        %parallel_loop3A_1247 = vector.shape_cast %parallel_loop3A_1246 : vector<1x16xf32> to vector<16xf32>
        %parallel_loop3A_1248 = arith.addf %parallel_loop3A_1200, %parallel_loop3A_1247 : vector<16xf32>
        %parallel_loop3A_1249 = arith.index_cast %parallel_loop3A_1243 : i32 to index
        %parallel_loop3A_1250 = arith.constant 16 : index
        %parallel_loop3A_1251 = tpu.vector_load %arg8[%parallel_loop3A_1249, %parallel_loop3A_1250] {strides = array<i32>} : memref<800x64xf32, #tpu.memory_space<vmem>>, vector<1x16xf32>,
        %parallel_loop3A_1252 = vector.shape_cast %parallel_loop3A_1251 : vector<1x16xf32> to vector<16xf32>
        %parallel_loop3A_1253 = arith.addf %parallel_loop3A_1201, %parallel_loop3A_1252 : vector<16xf32>
        %parallel_loop3A_1254 = arith.index_cast %parallel_loop3A_1243 : i32 to index
        %parallel_loop3A_1255 = arith.constant 32 : index
        %parallel_loop3A_1256 = tpu.vector_load %arg8[%parallel_loop3A_1254, %parallel_loop3A_1255] {strides = array<i32>} : memref<800x64xf32, #tpu.memory_space<vmem>>, vector<1x16xf32>,
        %parallel_loop3A_1257 = vector.shape_cast %parallel_loop3A_1256 : vector<1x16xf32> to vector<16xf32>
        %parallel_loop3A_1258 = arith.addf %parallel_loop3A_1202, %parallel_loop3A_1257 : vector<16xf32>
        %parallel_loop3A_1259 = arith.index_cast %parallel_loop3A_1243 : i32 to index
        %parallel_loop3A_1260 = arith.constant 48 : index
        %parallel_loop3A_1261 = tpu.vector_load %arg8[%parallel_loop3A_1259, %parallel_loop3A_1260] {strides = array<i32>} : memref<800x64xf32, #tpu.memory_space<vmem>>, vector<1x16xf32>,
        %parallel_loop3A_1262 = vector.shape_cast %parallel_loop3A_1261 : vector<1x16xf32> to vector<16xf32>
        %parallel_loop3A_1263 = arith.addf %parallel_loop3A_1203, %parallel_loop3A_1262 : vector<16xf32>
        %parallel_loop3A_1264 = arith.constant 16 : i32
        %parallel_loop3A_1265 = arith.muli %parallel_loop3A_1195, %parallel_loop3A_1264 : i32
        %parallel_loop3A_1266 = arith.constant 12 : i32
        %parallel_loop3A_1267 = arith.addi %parallel_loop3A_1265, %parallel_loop3A_1266 : i32
        %parallel_loop3A_1268 = arith.constant 2 : i32
        %parallel_loop3A_1269 = arith.addi %parallel_loop3A_1267, %parallel_loop3A_1268 : i32
        %parallel_loop3A_1270 = arith.index_cast %parallel_loop3A_1269 : i32 to index
        %parallel_loop3A_1271 = arith.constant 0 : index
        %parallel_loop3A_1272 = tpu.vector_load %arg8[%parallel_loop3A_1270, %parallel_loop3A_1271] {strides = array<i32>} : memref<800x64xf32, #tpu.memory_space<vmem>>, vector<1x16xf32>,
        %parallel_loop3A_1273 = vector.shape_cast %parallel_loop3A_1272 : vector<1x16xf32> to vector<16xf32>
        %parallel_loop3A_1274 = arith.addf %parallel_loop3A_1204, %parallel_loop3A_1273 : vector<16xf32>
        %parallel_loop3A_1275 = arith.index_cast %parallel_loop3A_1269 : i32 to index
        %parallel_loop3A_1276 = arith.constant 16 : index
        %parallel_loop3A_1277 = tpu.vector_load %arg8[%parallel_loop3A_1275, %parallel_loop3A_1276] {strides = array<i32>} : memref<800x64xf32, #tpu.memory_space<vmem>>, vector<1x16xf32>,
        %parallel_loop3A_1278 = vector.shape_cast %parallel_loop3A_1277 : vector<1x16xf32> to vector<16xf32>
        %parallel_loop3A_1279 = arith.addf %parallel_loop3A_1205, %parallel_loop3A_1278 : vector<16xf32>
        %parallel_loop3A_1280 = arith.index_cast %parallel_loop3A_1269 : i32 to index
        %parallel_loop3A_1281 = arith.constant 32 : index
        %parallel_loop3A_1282 = tpu.vector_load %arg8[%parallel_loop3A_1280, %parallel_loop3A_1281] {strides = array<i32>} : memref<800x64xf32, #tpu.memory_space<vmem>>, vector<1x16xf32>,
        %parallel_loop3A_1283 = vector.shape_cast %parallel_loop3A_1282 : vector<1x16xf32> to vector<16xf32>
        %parallel_loop3A_1284 = arith.addf %parallel_loop3A_1206, %parallel_loop3A_1283 : vector<16xf32>
        %parallel_loop3A_1285 = arith.index_cast %parallel_loop3A_1269 : i32 to index
        %parallel_loop3A_1286 = arith.constant 48 : index
        %parallel_loop3A_1287 = tpu.vector_load %arg8[%parallel_loop3A_1285, %parallel_loop3A_1286] {strides = array<i32>} : memref<800x64xf32, #tpu.memory_space<vmem>>, vector<1x16xf32>,
        %parallel_loop3A_1288 = vector.shape_cast %parallel_loop3A_1287 : vector<1x16xf32> to vector<16xf32>
        %parallel_loop3A_1289 = arith.addf %parallel_loop3A_1207, %parallel_loop3A_1288 : vector<16xf32>
        %parallel_loop3A_1290 = arith.constant 16 : i32
        %parallel_loop3A_1291 = arith.muli %parallel_loop3A_1195, %parallel_loop3A_1290 : i32
        %parallel_loop3A_1292 = arith.constant 12 : i32
        %parallel_loop3A_1293 = arith.addi %parallel_loop3A_1291, %parallel_loop3A_1292 : i32
        %parallel_loop3A_1294 = arith.constant 3 : i32
        %parallel_loop3A_1295 = arith.addi %parallel_loop3A_1293, %parallel_loop3A_1294 : i32
        %parallel_loop3A_1296 = arith.index_cast %parallel_loop3A_1295 : i32 to index
        %parallel_loop3A_1297 = arith.constant 0 : index
        %parallel_loop3A_1298 = tpu.vector_load %arg8[%parallel_loop3A_1296, %parallel_loop3A_1297] {strides = array<i32>} : memref<800x64xf32, #tpu.memory_space<vmem>>, vector<1x16xf32>,
        %parallel_loop3A_1299 = vector.shape_cast %parallel_loop3A_1298 : vector<1x16xf32> to vector<16xf32>
        %parallel_loop3A_1300 = arith.addf %parallel_loop3A_1208, %parallel_loop3A_1299 : vector<16xf32>
        %parallel_loop3A_1301 = arith.index_cast %parallel_loop3A_1295 : i32 to index
        %parallel_loop3A_1302 = arith.constant 16 : index
        %parallel_loop3A_1303 = tpu.vector_load %arg8[%parallel_loop3A_1301, %parallel_loop3A_1302] {strides = array<i32>} : memref<800x64xf32, #tpu.memory_space<vmem>>, vector<1x16xf32>,
        %parallel_loop3A_1304 = vector.shape_cast %parallel_loop3A_1303 : vector<1x16xf32> to vector<16xf32>
        %parallel_loop3A_1305 = arith.addf %parallel_loop3A_1209, %parallel_loop3A_1304 : vector<16xf32>
        %parallel_loop3A_1306 = arith.index_cast %parallel_loop3A_1295 : i32 to index
        %parallel_loop3A_1307 = arith.constant 32 : index
        %parallel_loop3A_1308 = tpu.vector_load %arg8[%parallel_loop3A_1306, %parallel_loop3A_1307] {strides = array<i32>} : memref<800x64xf32, #tpu.memory_space<vmem>>, vector<1x16xf32>,
        %parallel_loop3A_1309 = vector.shape_cast %parallel_loop3A_1308 : vector<1x16xf32> to vector<16xf32>
        %parallel_loop3A_1310 = arith.addf %parallel_loop3A_1210, %parallel_loop3A_1309 : vector<16xf32>
        %parallel_loop3A_1311 = arith.index_cast %parallel_loop3A_1295 : i32 to index
        %parallel_loop3A_1312 = arith.constant 48 : index
        %parallel_loop3A_1313 = tpu.vector_load %arg8[%parallel_loop3A_1311, %parallel_loop3A_1312] {strides = array<i32>} : memref<800x64xf32, #tpu.memory_space<vmem>>, vector<1x16xf32>,
        %parallel_loop3A_1314 = vector.shape_cast %parallel_loop3A_1313 : vector<1x16xf32> to vector<16xf32>
        %parallel_loop3A_1315 = arith.addf %parallel_loop3A_1211, %parallel_loop3A_1314 : vector<16xf32>
        scf.yield %parallel_loop3A_1222, %parallel_loop3A_1227, %parallel_loop3A_1232, %parallel_loop3A_1237, %parallel_loop3A_1248, %parallel_loop3A_1253, %parallel_loop3A_1258, %parallel_loop3A_1263, %parallel_loop3A_1274, %parallel_loop3A_1279, %parallel_loop3A_1284, %parallel_loop3A_1289, %parallel_loop3A_1300, %parallel_loop3A_1305, %parallel_loop3A_1310, %parallel_loop3A_1315 : vector<16xf32>, vector<16xf32>, vector<16xf32>, vector<16xf32>, vector<16xf32>, vector<16xf32>, vector<16xf32>, vector<16xf32>, vector<16xf32>, vector<16xf32>, vector<16xf32>, vector<16xf32>, vector<16xf32>, vector<16xf32>, vector<16xf32>, vector<16xf32>
      } {sc.loop_unroll_factor = 1 : i64, sc.parallel_access}
      %broadcast_in_dim3A_1060 = arith.constant 12 : i32
      %broadcast_in_dim3A_1061 = vector.broadcast %broadcast_in_dim3A_1060 : i32 to vector<16x1xi32>
      %gather3A_1062 = vector.shape_cast %broadcast_in_dim3A_1061 : vector<16x1xi32> to vector<16xi32>
      %gather3A_1063 = tpu.dynamic_gather %max3A_647[%gather3A_1062] in [0] : vector<16xf32>, vector<16xi32> -> vector<16xf32>
      %div3A_1064 = arith.divf %parallel_loop3A_1059#0, %gather3A_1063 : vector<16xf32>
      %swap3A_1065 = arith.constant 12 : i32
      %swap3A_1066 = arith.index_cast %swap3A_1065 : i32 to index
      %swap3A_1067 = arith.constant 0 : index
      %swap3A_1068 = tpu.vector_load %arg10[%swap3A_1066, %swap3A_1067] {strides = array<i32>} : memref<16x64xf32, #tpu.memory_space<vmem>>, vector<1x16xf32>,
      %swap3A_1069 = vector.shape_cast %swap3A_1068 : vector<1x16xf32> to vector<16xf32>
      %swap3A_1070 = vector.shape_cast %div3A_1064 : vector<16xf32> to vector<1x16xf32>
      tpu.vector_store %arg10[%swap3A_1066, %swap3A_1067], %swap3A_1070 {strides = array<i32>} : memref<16x64xf32, #tpu.memory_space<vmem>>, vector<1x16xf32>,
      %div3A_1071 = arith.divf %parallel_loop3A_1059#1, %gather3A_1063 : vector<16xf32>
      %swap3A_1072 = arith.constant 12 : i32
      %swap3A_1073 = arith.index_cast %swap3A_1072 : i32 to index
      %swap3A_1074 = arith.constant 16 : index
      %swap3A_1075 = tpu.vector_load %arg10[%swap3A_1073, %swap3A_1074] {strides = array<i32>} : memref<16x64xf32, #tpu.memory_space<vmem>>, vector<1x16xf32>,
      %swap3A_1076 = vector.shape_cast %swap3A_1075 : vector<1x16xf32> to vector<16xf32>
      %swap3A_1077 = vector.shape_cast %div3A_1071 : vector<16xf32> to vector<1x16xf32>
      tpu.vector_store %arg10[%swap3A_1073, %swap3A_1074], %swap3A_1077 {strides = array<i32>} : memref<16x64xf32, #tpu.memory_space<vmem>>, vector<1x16xf32>,
      %div3A_1078 = arith.divf %parallel_loop3A_1059#2, %gather3A_1063 : vector<16xf32>
      %swap3A_1079 = arith.constant 12 : i32
      %swap3A_1080 = arith.index_cast %swap3A_1079 : i32 to index
      %swap3A_1081 = arith.constant 32 : index
      %swap3A_1082 = tpu.vector_load %arg10[%swap3A_1080, %swap3A_1081] {strides = array<i32>} : memref<16x64xf32, #tpu.memory_space<vmem>>, vector<1x16xf32>,
      %swap3A_1083 = vector.shape_cast %swap3A_1082 : vector<1x16xf32> to vector<16xf32>
      %swap3A_1084 = vector.shape_cast %div3A_1078 : vector<16xf32> to vector<1x16xf32>
      tpu.vector_store %arg10[%swap3A_1080, %swap3A_1081], %swap3A_1084 {strides = array<i32>} : memref<16x64xf32, #tpu.memory_space<vmem>>, vector<1x16xf32>,
      %div3A_1085 = arith.divf %parallel_loop3A_1059#3, %gather3A_1063 : vector<16xf32>
      %swap3A_1086 = arith.constant 12 : i32
      %swap3A_1087 = arith.index_cast %swap3A_1086 : i32 to index
      %swap3A_1088 = arith.constant 48 : index
      %swap3A_1089 = tpu.vector_load %arg10[%swap3A_1087, %swap3A_1088] {strides = array<i32>} : memref<16x64xf32, #tpu.memory_space<vmem>>, vector<1x16xf32>,
      %swap3A_1090 = vector.shape_cast %swap3A_1089 : vector<1x16xf32> to vector<16xf32>
      %swap3A_1091 = vector.shape_cast %div3A_1085 : vector<16xf32> to vector<1x16xf32>
      tpu.vector_store %arg10[%swap3A_1087, %swap3A_1088], %swap3A_1091 {strides = array<i32>} : memref<16x64xf32, #tpu.memory_space<vmem>>, vector<1x16xf32>,
      %broadcast_in_dim3A_1092 = arith.constant 13 : i32
      %broadcast_in_dim3A_1093 = vector.broadcast %broadcast_in_dim3A_1092 : i32 to vector<16x1xi32>
      %gather3A_1094 = vector.shape_cast %broadcast_in_dim3A_1093 : vector<16x1xi32> to vector<16xi32>
      %gather3A_1095 = tpu.dynamic_gather %max3A_647[%gather3A_1094] in [0] : vector<16xf32>, vector<16xi32> -> vector<16xf32>
      %div3A_1096 = arith.divf %parallel_loop3A_1059#4, %gather3A_1095 : vector<16xf32>
      %swap3A_1097 = arith.constant 13 : i32
      %swap3A_1098 = arith.index_cast %swap3A_1097 : i32 to index
      %swap3A_1099 = arith.constant 0 : index
      %swap3A_1100 = tpu.vector_load %arg10[%swap3A_1098, %swap3A_1099] {strides = array<i32>} : memref<16x64xf32, #tpu.memory_space<vmem>>, vector<1x16xf32>,
      %swap3A_1101 = vector.shape_cast %swap3A_1100 : vector<1x16xf32> to vector<16xf32>
      %swap3A_1102 = vector.shape_cast %div3A_1096 : vector<16xf32> to vector<1x16xf32>
      tpu.vector_store %arg10[%swap3A_1098, %swap3A_1099], %swap3A_1102 {strides = array<i32>} : memref<16x64xf32, #tpu.memory_space<vmem>>, vector<1x16xf32>,
      %div3A_1103 = arith.divf %parallel_loop3A_1059#5, %gather3A_1095 : vector<16xf32>
      %swap3A_1104 = arith.constant 13 : i32
      %swap3A_1105 = arith.index_cast %swap3A_1104 : i32 to index
      %swap3A_1106 = arith.constant 16 : index
      %swap3A_1107 = tpu.vector_load %arg10[%swap3A_1105, %swap3A_1106] {strides = array<i32>} : memref<16x64xf32, #tpu.memory_space<vmem>>, vector<1x16xf32>,
      %swap3A_1108 = vector.shape_cast %swap3A_1107 : vector<1x16xf32> to vector<16xf32>
      %swap3A_1109 = vector.shape_cast %div3A_1103 : vector<16xf32> to vector<1x16xf32>
      tpu.vector_store %arg10[%swap3A_1105, %swap3A_1106], %swap3A_1109 {strides = array<i32>} : memref<16x64xf32, #tpu.memory_space<vmem>>, vector<1x16xf32>,
      %div3A_1110 = arith.divf %parallel_loop3A_1059#6, %gather3A_1095 : vector<16xf32>
      %swap3A_1111 = arith.constant 13 : i32
      %swap3A_1112 = arith.index_cast %swap3A_1111 : i32 to index
      %swap3A_1113 = arith.constant 32 : index
      %swap3A_1114 = tpu.vector_load %arg10[%swap3A_1112, %swap3A_1113] {strides = array<i32>} : memref<16x64xf32, #tpu.memory_space<vmem>>, vector<1x16xf32>,
      %swap3A_1115 = vector.shape_cast %swap3A_1114 : vector<1x16xf32> to vector<16xf32>
      %swap3A_1116 = vector.shape_cast %div3A_1110 : vector<16xf32> to vector<1x16xf32>
      tpu.vector_store %arg10[%swap3A_1112, %swap3A_1113], %swap3A_1116 {strides = array<i32>} : memref<16x64xf32, #tpu.memory_space<vmem>>, vector<1x16xf32>,
      %div3A_1117 = arith.divf %parallel_loop3A_1059#7, %gather3A_1095 : vector<16xf32>
      %swap3A_1118 = arith.constant 13 : i32
      %swap3A_1119 = arith.index_cast %swap3A_1118 : i32 to index
      %swap3A_1120 = arith.constant 48 : index
      %swap3A_1121 = tpu.vector_load %arg10[%swap3A_1119, %swap3A_1120] {strides = array<i32>} : memref<16x64xf32, #tpu.memory_space<vmem>>, vector<1x16xf32>,
      %swap3A_1122 = vector.shape_cast %swap3A_1121 : vector<1x16xf32> to vector<16xf32>
      %swap3A_1123 = vector.shape_cast %div3A_1117 : vector<16xf32> to vector<1x16xf32>
      tpu.vector_store %arg10[%swap3A_1119, %swap3A_1120], %swap3A_1123 {strides = array<i32>} : memref<16x64xf32, #tpu.memory_space<vmem>>, vector<1x16xf32>,
      %broadcast_in_dim3A_1124 = arith.constant 14 : i32
      %broadcast_in_dim3A_1125 = vector.broadcast %broadcast_in_dim3A_1124 : i32 to vector<16x1xi32>
      %gather3A_1126 = vector.shape_cast %broadcast_in_dim3A_1125 : vector<16x1xi32> to vector<16xi32>
      %gather3A_1127 = tpu.dynamic_gather %max3A_647[%gather3A_1126] in [0] : vector<16xf32>, vector<16xi32> -> vector<16xf32>
      %div3A_1128 = arith.divf %parallel_loop3A_1059#8, %gather3A_1127 : vector<16xf32>
      %swap3A_1129 = arith.constant 14 : i32
      %swap3A_1130 = arith.index_cast %swap3A_1129 : i32 to index
      %swap3A_1131 = arith.constant 0 : index
      %swap3A_1132 = tpu.vector_load %arg10[%swap3A_1130, %swap3A_1131] {strides = array<i32>} : memref<16x64xf32, #tpu.memory_space<vmem>>, vector<1x16xf32>,
      %swap3A_1133 = vector.shape_cast %swap3A_1132 : vector<1x16xf32> to vector<16xf32>
      %swap3A_1134 = vector.shape_cast %div3A_1128 : vector<16xf32> to vector<1x16xf32>
      tpu.vector_store %arg10[%swap3A_1130, %swap3A_1131], %swap3A_1134 {strides = array<i32>} : memref<16x64xf32, #tpu.memory_space<vmem>>, vector<1x16xf32>,
      %div3A_1135 = arith.divf %parallel_loop3A_1059#9, %gather3A_1127 : vector<16xf32>
      %swap3A_1136 = arith.constant 14 : i32
      %swap3A_1137 = arith.index_cast %swap3A_1136 : i32 to index
      %swap3A_1138 = arith.constant 16 : index
      %swap3A_1139 = tpu.vector_load %arg10[%swap3A_1137, %swap3A_1138] {strides = array<i32>} : memref<16x64xf32, #tpu.memory_space<vmem>>, vector<1x16xf32>,
      %swap3A_1140 = vector.shape_cast %swap3A_1139 : vector<1x16xf32> to vector<16xf32>
      %swap3A_1141 = vector.shape_cast %div3A_1135 : vector<16xf32> to vector<1x16xf32>
      tpu.vector_store %arg10[%swap3A_1137, %swap3A_1138], %swap3A_1141 {strides = array<i32>} : memref<16x64xf32, #tpu.memory_space<vmem>>, vector<1x16xf32>,
      %div3A_1142 = arith.divf %parallel_loop3A_1059#10, %gather3A_1127 : vector<16xf32>
      %swap3A_1143 = arith.constant 14 : i32
      %swap3A_1144 = arith.index_cast %swap3A_1143 : i32 to index
      %swap3A_1145 = arith.constant 32 : index
      %swap3A_1146 = tpu.vector_load %arg10[%swap3A_1144, %swap3A_1145] {strides = array<i32>} : memref<16x64xf32, #tpu.memory_space<vmem>>, vector<1x16xf32>,
      %swap3A_1147 = vector.shape_cast %swap3A_1146 : vector<1x16xf32> to vector<16xf32>
      %swap3A_1148 = vector.shape_cast %div3A_1142 : vector<16xf32> to vector<1x16xf32>
      tpu.vector_store %arg10[%swap3A_1144, %swap3A_1145], %swap3A_1148 {strides = array<i32>} : memref<16x64xf32, #tpu.memory_space<vmem>>, vector<1x16xf32>,
      %div3A_1149 = arith.divf %parallel_loop3A_1059#11, %gather3A_1127 : vector<16xf32>
      %swap3A_1150 = arith.constant 14 : i32
      %swap3A_1151 = arith.index_cast %swap3A_1150 : i32 to index
      %swap3A_1152 = arith.constant 48 : index
      %swap3A_1153 = tpu.vector_load %arg10[%swap3A_1151, %swap3A_1152] {strides = array<i32>} : memref<16x64xf32, #tpu.memory_space<vmem>>, vector<1x16xf32>,
      %swap3A_1154 = vector.shape_cast %swap3A_1153 : vector<1x16xf32> to vector<16xf32>
      %swap3A_1155 = vector.shape_cast %div3A_1149 : vector<16xf32> to vector<1x16xf32>
      tpu.vector_store %arg10[%swap3A_1151, %swap3A_1152], %swap3A_1155 {strides = array<i32>} : memref<16x64xf32, #tpu.memory_space<vmem>>, vector<1x16xf32>,
      %broadcast_in_dim3A_1156 = arith.constant 15 : i32
      %broadcast_in_dim3A_1157 = vector.broadcast %broadcast_in_dim3A_1156 : i32 to vector<16x1xi32>
      %gather3A_1158 = vector.shape_cast %broadcast_in_dim3A_1157 : vector<16x1xi32> to vector<16xi32>
      %gather3A_1159 = tpu.dynamic_gather %max3A_647[%gather3A_1158] in [0] : vector<16xf32>, vector<16xi32> -> vector<16xf32>
      %div3A_1160 = arith.divf %parallel_loop3A_1059#12, %gather3A_1159 : vector<16xf32>
      %swap3A_1161 = arith.constant 15 : i32
      %swap3A_1162 = arith.index_cast %swap3A_1161 : i32 to index
      %swap3A_1163 = arith.constant 0 : index
      %swap3A_1164 = tpu.vector_load %arg10[%swap3A_1162, %swap3A_1163] {strides = array<i32>} : memref<16x64xf32, #tpu.memory_space<vmem>>, vector<1x16xf32>,
      %swap3A_1165 = vector.shape_cast %swap3A_1164 : vector<1x16xf32> to vector<16xf32>
      %swap3A_1166 = vector.shape_cast %div3A_1160 : vector<16xf32> to vector<1x16xf32>
      tpu.vector_store %arg10[%swap3A_1162, %swap3A_1163], %swap3A_1166 {strides = array<i32>} : memref<16x64xf32, #tpu.memory_space<vmem>>, vector<1x16xf32>,
      %div3A_1167 = arith.divf %parallel_loop3A_1059#13, %gather3A_1159 : vector<16xf32>
      %swap3A_1168 = arith.constant 15 : i32
      %swap3A_1169 = arith.index_cast %swap3A_1168 : i32 to index
      %swap3A_1170 = arith.constant 16 : index
      %swap3A_1171 = tpu.vector_load %arg10[%swap3A_1169, %swap3A_1170] {strides = array<i32>} : memref<16x64xf32, #tpu.memory_space<vmem>>, vector<1x16xf32>,
      %swap3A_1172 = vector.shape_cast %swap3A_1171 : vector<1x16xf32> to vector<16xf32>
      %swap3A_1173 = vector.shape_cast %div3A_1167 : vector<16xf32> to vector<1x16xf32>
      tpu.vector_store %arg10[%swap3A_1169, %swap3A_1170], %swap3A_1173 {strides = array<i32>} : memref<16x64xf32, #tpu.memory_space<vmem>>, vector<1x16xf32>,
      %div3A_1174 = arith.divf %parallel_loop3A_1059#14, %gather3A_1159 : vector<16xf32>
      %swap3A_1175 = arith.constant 15 : i32
      %swap3A_1176 = arith.index_cast %swap3A_1175 : i32 to index
      %swap3A_1177 = arith.constant 32 : index
      %swap3A_1178 = tpu.vector_load %arg10[%swap3A_1176, %swap3A_1177] {strides = array<i32>} : memref<16x64xf32, #tpu.memory_space<vmem>>, vector<1x16xf32>,
      %swap3A_1179 = vector.shape_cast %swap3A_1178 : vector<1x16xf32> to vector<16xf32>
      %swap3A_1180 = vector.shape_cast %div3A_1174 : vector<16xf32> to vector<1x16xf32>
      tpu.vector_store %arg10[%swap3A_1176, %swap3A_1177], %swap3A_1180 {strides = array<i32>} : memref<16x64xf32, #tpu.memory_space<vmem>>, vector<1x16xf32>,
      %div3A_1181 = arith.divf %parallel_loop3A_1059#15, %gather3A_1159 : vector<16xf32>
      %swap3A_1182 = arith.constant 15 : i32
      %swap3A_1183 = arith.index_cast %swap3A_1182 : i32 to index
      %swap3A_1184 = arith.constant 48 : index
      %swap3A_1185 = tpu.vector_load %arg10[%swap3A_1183, %swap3A_1184] {strides = array<i32>} : memref<16x64xf32, #tpu.memory_space<vmem>>, vector<1x16xf32>,
      %swap3A_1186 = vector.shape_cast %swap3A_1185 : vector<1x16xf32> to vector<16xf32>
      %swap3A_1187 = vector.shape_cast %div3A_1181 : vector<16xf32> to vector<1x16xf32>
      tpu.vector_store %arg10[%swap3A_1183, %swap3A_1184], %swap3A_1187 {strides = array<i32>} : memref<16x64xf32, #tpu.memory_space<vmem>>, vector<1x16xf32>,
      %mul3A_1188 = arith.constant 16 : i32
      %mul3A_1189 = arith.muli %add3A_54, %mul3A_1188 : i32
      %add3A_1190 = arith.addi %mul3A_2, %mul3A_1189 : i32
      %dma_start3A_1191 = arith.constant 0 : i32
      %dma_start3A_1192 = tpu.memref_slice %arg4[%add3A_1190, %dma_start3A_1191] : memref<16384x64xf32, #tpu.memory_space<hbm>> -> memref<16x64xf32, #tpu.memory_space<hbm>>
      %dma_start3A_1193 = arith.constant 0 : i32
      %dma_start3A_1194 = tpu.memref_slice %arg4[%add3A_1190, %dma_start3A_1193] : memref<16384x64xf32, #tpu.memory_space<hbm>> -> memref<16x64xf32, #tpu.memory_space<hbm>>
      tpu.enqueue_dma source(%arg10 : memref<16x64xf32, #tpu.memory_space<vmem>>) target(%dma_start3A_1194 : memref<16x64xf32, #tpu.memory_space<hbm>>) target_semaphore(%arg16 : memref<!tpu.dma_semaphore, #tpu.memory_space<semaphore_mem>>)
    }
    %scan3A_29 = arith.constant 16 : i32
    %add3A_30 = arith.constant 496 : i32
    %add3A_31 = arith.addi %mul3A_2, %add3A_30 : i32
    %mul3A_32 = arith.constant 50 : i32
    %mul3A_33 = arith.muli %add3A_31, %mul3A_32 : i32
    %dma_wait3A_34 = tpu.memref_slice %arg2[%mul3A_33] : memref<819200xi32, #tpu.memory_space<hbm>> -> memref<800xi32, #tpu.memory_space<hbm>>
    %dma_wait3A_35 = tpu.memref_slice %arg2[%mul3A_33] : memref<819200xi32, #tpu.memory_space<hbm>> -> memref<800xi32, #tpu.memory_space<hbm>>
    tpu.wait_dma2 semaphore(%arg12 : memref<!tpu.dma_semaphore, #tpu.memory_space<semaphore_mem>>) src(%dma_wait3A_35 : memref<800xi32, #tpu.memory_space<hbm>>) dst(%arg6 : memref<800xi32, #tpu.memory_space<vmem>>)
    %add3A_36 = arith.constant 480 : i32
    %add3A_37 = arith.addi %mul3A_2, %add3A_36 : i32
    %dma_wait3A_38 = arith.constant 0 : i32
    %dma_wait3A_39 = tpu.memref_slice %arg4[%add3A_37, %dma_wait3A_38] : memref<16384x64xf32, #tpu.memory_space<hbm>> -> memref<16x64xf32, #tpu.memory_space<hbm>>
    %dma_wait3A_40 = arith.constant 0 : i32
    %dma_wait3A_41 = tpu.memref_slice %arg4[%add3A_37, %dma_wait3A_40] : memref<16384x64xf32, #tpu.memory_space<hbm>> -> memref<16x64xf32, #tpu.memory_space<hbm>>
    tpu.wait_dma2 semaphore(%arg15 : memref<!tpu.dma_semaphore, #tpu.memory_space<semaphore_mem>>) src(%arg9 : memref<16x64xf32, #tpu.memory_space<vmem>>) dst(%dma_wait3A_41 : memref<16x64xf32, #tpu.memory_space<hbm>>)
    %add3A_42 = arith.constant 496 : i32
    %add3A_43 = arith.addi %mul3A_2, %add3A_42 : i32
    %dma_wait3A_44 = arith.constant 0 : i32
    %dma_wait3A_45 = tpu.memref_slice %arg4[%add3A_43, %dma_wait3A_44] : memref<16384x64xf32, #tpu.memory_space<hbm>> -> memref<16x64xf32, #tpu.memory_space<hbm>>
    %dma_wait3A_46 = arith.constant 0 : i32
    %dma_wait3A_47 = tpu.memref_slice %arg4[%add3A_43, %dma_wait3A_46] : memref<16384x64xf32, #tpu.memory_space<hbm>> -> memref<16x64xf32, #tpu.memory_space<hbm>>
    tpu.wait_dma2 semaphore(%arg16 : memref<!tpu.dma_semaphore, #tpu.memory_space<semaphore_mem>>) src(%arg10 : memref<16x64xf32, #tpu.memory_space<vmem>>) dst(%dma_wait3A_47 : memref<16x64xf32, #tpu.memory_space<hbm>>)
    return
  }
}

</mosaic_0001>

<sc_bundles>
// kernel: kernel.3.cloned.1.call-start
scs
__scs_entry_jumppad:
0x0: {  	(pc) =	sbr.rel $0x88, $3  }
0x1: {  	(tag) =	ssettag $0x0;
	lr =	simm.s32 $0x1  }
0x2: {  	[smem:$0x3F9F] =	sst lr;
	_ =	strace $0xD0000000  }
0x3: {  	_ = 	snop  }
0x4: {  	_ = 	snop  }
0x5: {  	_ = 	snop  }
0x6: {  	_ = 	snop  }
0x7: {  	_ = 	snop  }
__scs_overlays_trampoline_lowered:
0x8: {  	[smem:$0x3FAE] =	sst s0  }
0x9: {  	[smem:$0x3FAF] =	sst s1  }
0xa: {  	[smem:$0x3FB0] =	sst s2  }
0xb: {  	[smem:$0x3FB1] =	sst s3  }
0xc: {  	[smem:$0x3FB2] =	sst s4  }
0xd: {  	[smem:$0x3FB3] =	sst s5  }
0xe: {  	[smem:$0x3FB4] =	sst s6  }
0xf: {  	[smem:$0x3FB5] =	sst s7  }
0x10: {  	[smem:$0x3FB6] =	sst s8  }
0x11: {  	[smem:$0x3FB7] =	sst s9;
	s0 =	simm.s32 @!p0 $0x0  }
0x12: {  	s1 =	sld [smem:$0x3F9D];
	s0 =	simm.s32 @p0 $0x1  }
0x13: {  	[smem:$0x3FB8] =	sst s0;
	s0 =	simm.s32 @!p1 $0x0  }
0x14: {  	s2 =	sld [smem:$0x3F9C];
	s0 =	simm.s32 @p1 $0x1  }
0x15: {  	[smem:$0x3FB9] =	sst s0;
	s0 =	simm.s32 @!p2 $0x0  }
0x16: {  	s3 =	sld [smem:$0x3FDB];
	s0 =	simm.s32 @p2 $0x1  }
0x17: {  	s4 =	simm.s32 $0x1BF5;
	[smem:$0x3FBB] =	sst s0  }
0x18: {  	s0 =	sld [smem:$0x3F9E];
	_ =	swait.ge [sflag:s4], $0x0  }
0x19: {  	s7 =	sld [smem:$0x3F9F]  }
0x1a: {  	s8 =	sadd.s32 $0xFFFFE003, lr  }
0x1b: {  	s9 =	sadd.s32 $0xFFFFFEF7, lr;
	s5 =	simm.s32 $0xFFFFFFFF;
	p2 =	slt.u32 s8, $0xFFFFF086  }
0x1c: {  	p1 =	slt.u32 s9, $0xF7A;
	s5 =	simm.s32 @!p2 $0x0  }
0x1d: {  	s5 =	simm.s32 @p1 $0x1;
	p0 =	seq.s32 s7, s2  }
0x1e: {  	s7 =	smul.u32 @!p0 $0xF7A, s2;
	p2 =	seq.s32 @!p0 s5, $0x0  }
0x1f: {  	s9 =	smul.u32 $0xF7A, s1;
	s8 =	simm.s32 @!p0 $0x1BF5;
	p2 =	por !p2, p0  }
0x20: {  	[sflag:s8] =	ssyncset.s32 @!p0 $0xFFFFF086;
	s6 =	sadd.s32 @!p0 s3, s7;
	s7 =	simm.s32 @!p0 $0x108  }
0x21: {  	s3 =	sadd.s32 s3, s9;
	s6 =	sadd.s32 @!p0 $0x88, s6;
	s7 =	simm.s32 @p2 $0x1082  }
0x22: {  	[simem:s7], [sflag:s8] =	dma.local @!p0 [hbm:s6], $0xF7A  }
0x23: {  	s9 =	sor.u32 $0xD0000000, s2;
	s6 =	simm.s32 $0x108;
	_ =	swait.ge @!p0 [sflag:s8], $0x0  }
0x24: {  	s3 =	sadd.s32 $0x88, s3;
	s6 =	simm.s32 @!p1 $0x1082;
	[sflag:s4] =	ssyncset.s32 $0xFFFFF086  }
0x25: {  	[simem:s6], [sflag:s4] =	dma.local [hbm:s3], $0xF7A  }
0x26: {  	[smem:$0x3F9F] =	sst s1;
	(tag) =	ssettag s2;
	_ =	strace s9  }
0x27: {  	s1 =	sld [smem:$0x3FAF]  }
0x28: {  	s2 =	sld [smem:$0x3FB0]  }
0x29: {  	s4 =	sld [smem:$0x3FB2]  }
0x2a: {  	p0 =	seq.s32 s5, $0x0;
	s5 =	sld [smem:$0x3FB3]  }
0x2b: {  	s6 =	sld [smem:$0x3FB4]  }
0x2c: {  	s7 =	sld [smem:$0x3FB5]  }
0x2d: {  	s3 =	simm.s32 $0x108;
	s8 =	sld [smem:$0x3FB6]  }
0x2e: {  	s3 =	simm.s32 @!p0 $0x1082;
	s9 =	sld [smem:$0x3FB7]  }
0x2f: {  	lr =	sadd.s32 s0, s3;
	s0 =	sld [smem:$0x3FAE]  }
0x30: {  	s3 =	sld [smem:$0x3FB1]  }
0x31: {  	[smem:$0x3FBA] =	sst s10  }
0x32: {  	s10 =	sld [smem:$0x3FB8];
	_ =	sdelay $0x3  }
0x33: {  	p0 =	seq.s32 s10, $0x1;
	s10 =	sld [smem:$0x3FBA];
	_ =	sdelay $0x3  }
0x34: {  	[smem:$0x3FBA] =	sst s10  }
0x35: {  	s10 =	sld [smem:$0x3FB9];
	_ =	sdelay $0x3  }
0x36: {  	p1 =	seq.s32 s10, $0x1;
	s10 =	sld [smem:$0x3FBA];
	_ =	sdelay $0x3  }
0x37: {  	[smem:$0x3FBA] =	sst s10  }
0x38: {  	s10 =	sld [smem:$0x3FBB]  }
0x39: {  	_ = 	snop;
	(pc) =	sbr.ind lr, $3  }
0x3a: {  	_ = 	snop  }
0x3b: {  	_ = 	snop  }
0x3c: {  	p2 =	seq.s32 s10, $0x1;
	s10 =	sld [smem:$0x3FBA]  }
0x3d: {  	_ =	shalt  }
0x3e: {  	_ =	shalt  }
0x3f: {  	_ =	shalt  }
0x40: {  	_ =	shalt  }
0x41: {  	_ =	shalt  }
0x42: {  	_ =	shalt  }
0x43: {  	_ =	shalt  }
0x44: {  	_ =	shalt  }
0x45: {  	_ =	shalt  }
0x46: {  	_ =	shalt  }
0x47: {  	_ =	shalt  }
0x48: {  	_ =	shalt  }
0x49: {  	_ =	shalt  }
0x4a: {  	_ =	shalt  }
0x4b: {  	_ =	shalt  }
0x4c: {  	_ =	shalt  }
0x4d: {  	_ =	shalt  }
0x4e: {  	_ =	shalt  }
0x4f: {  	_ =	shalt  }
0x50: {  	_ =	shalt  }
0x51: {  	_ =	shalt  }
0x52: {  	_ =	shalt  }
0x53: {  	_ =	shalt  }
0x54: {  	_ =	shalt  }
0x55: {  	_ =	shalt  }
0x56: {  	_ =	shalt  }
0x57: {  	_ =	shalt  }
0x58: {  	_ =	shalt  }
0x59: {  	_ =	shalt  }
0x5a: {  	_ =	shalt  }
0x5b: {  	_ =	shalt  }
0x5c: {  	_ =	shalt  }
0x5d: {  	_ =	shalt  }
0x5e: {  	_ =	shalt  }
0x5f: {  	_ =	shalt  }
0x60: {  	_ =	shalt  }
0x61: {  	_ =	shalt  }
0x62: {  	_ =	shalt  }
0x63: {  	_ =	shalt  }
0x64: {  	_ =	shalt  }
0x65: {  	_ =	shalt  }
0x66: {  	_ =	shalt  }
0x67: {  	_ =	shalt  }
0x68: {  	_ =	shalt  }
0x69: {  	_ =	shalt  }
0x6a: {  	_ =	shalt  }
0x6b: {  	_ =	shalt  }
0x6c: {  	_ =	shalt  }
0x6d: {  	_ =	shalt  }
0x6e: {  	_ =	shalt  }
0x6f: {  	_ =	shalt  }
0x70: {  	_ =	shalt  }
0x71: {  	_ =	shalt  }
0x72: {  	_ =	shalt  }
0x73: {  	_ =	shalt  }
0x74: {  	_ =	shalt  }
0x75: {  	_ =	shalt  }
0x76: {  	_ =	shalt  }
0x77: {  	_ =	shalt  }
0x78: {  	_ =	shalt  }
0x79: {  	_ =	shalt  }
0x7a: {  	_ =	shalt  }
0x7b: {  	_ =	shalt  }
0x7c: {  	_ =	shalt  }
0x7d: {  	_ =	shalt  }
0x7e: {  	_ =	shalt  }
0x7f: {  	_ =	shalt  }
0x80: {  	_ =	shalt  }
0x81: {  	_ =	shalt  }
0x82: {  	_ =	shalt  }
0x83: {  	_ =	shalt  }
0x84: {  	_ =	shalt  }
0x85: {  	_ =	shalt  }
0x86: {  	_ =	shalt  }
0x87: {  	_ =	shalt  }
.Lfunc_end0:
.L_simem_size_0:
called_computation_lowered:
.L_overlay_start_0:
0x88: {  	s2 =	sld [smem:$0x3FD9]  }
0x89: {  	s3 =	sld [smem:$0x3FFE];
	_ =	sdelay $0x1  }
0x8a: {  	s1 =	srdreg.scid  }
0x8b: {  	s0 =	sand.u32 $0x1, s1  }
0x8c: {  	s17 =	sshll.u32 s0, $0xA;
	s2 =	sadd.s32 s3, s2  }
0x8d: {  	s2 =	sadd.s32 s2, s17  }
0x8e: {  	[smem:$0x3FC6] =	sst s2  }
0x8f: {  	_ = 	snop  }
0x90: {  	s2 =	sld [smem:$0x3FD0];
	(tm) =	ssettm $0x1  }
0x91: {  	s18 =	sld [smem:$0x3FFB];
	_ =	sdelay $0x3  }
0x92: {  	_ =	strace s18  }
0x93: {  	s3 =	sld [smem:$0x3FFC];
	_ =	sdelay $0x3  }
0x94: {  	_ =	strace s3  }
0x95: {  	s3 =	sld [smem:$0x3FFD];
	_ =	sdelay $0x3  }
0x96: {  	_ =	strace s3  }
0x97: {  	_ =	strace $0x8FFFFFFF  }
0x98: {  	s19 =	sld [smem:$0x3FDB];
	_ =	sdelay $0x1  }
0x99: {  	s4 =	simm.s32 $_scs_section_size  }
0x9a: {  	s5 =	simm.s32 $_size__tile_overlayer_lowered;
	s6 =	simm.s32 $_tile_overlayer_lowered  }
0x9b: {  	s22 =	simm.s32 $0x1BFF;
	s21 =	sshll.u32 s6, $0x1;
	s3 =	sadd.s32 s4, s19  }
0x9c: {  	s7 =	simm.s32 $0x0;
	s20 =	sshll.u32 s5, $0x1;
	s5 =	sadd.s32 s21, s3  }
0x9d: {  	[timem:s7], [sflag:s22] =	dma.local [hbm:s5], s20  }
0x9e: {  	_ =	swait.ge [sflag:s22], s20  }
0x9f: {  	s4 =	ssub.s32 $0x0, s20;
	[sflag:s22] =	ssyncset.done $0x0  }
0xa0: {  	[sflag:s22] =	ssyncadd.s32 s4;
	_ =	sdelay $0x1  }
0xa1: {  	s23 =	simm.s32 $0x1B8B  }
0xa2: {  	_ =	swait.ge [sflag:s23], $0x1  }
0xa3: {  	[sflag:s23] =	ssyncset.done $0x0  }
0xa4: {  	s25 =	simm.s32 $0x1B8E;
	s24 =	sld [smem:$0x3FFE];
	[sflag:s23] =	ssyncadd.s32 $0xFFFFFFFF  }
0xa5: {  	s26 =	simm.s32 $execute0_lowered;
	[smem:$0x3FD2] =	sst s25  }
0xa6: {  	s5 =	sshll.u32 s26, $0x1;
	_ =	strace $0x80000046;
	[dreg:$0x1] =	wrdreg $0xFFFFFFFF  }
0xa7: {  	s28 =	simm.s32 $_size_execute0_lowered;
	s3 =	sadd.s32 s3, s5;
	[dreg:$0x0] =	wrdreg $0x0  }
0xa8: {  	s5 =	sshll.u32 s28, $0x1;
	[dreg:$0x2] =	wrdreg s3  }
0xa9: {  	[dreg:$0x3] =	wrdreg s5  }
0xaa: {  	[dreg:$0x4] =	wrdreg $0xC0  }
0xab: {  	_ =	task [dreg:s7], $0x5FFFF  }
0xac: {  	[dreg:$0x1] =	wrdreg $0xFFFFFFFF  }
0xad: {  	[dreg:$0x0] =	wrdreg $0x60  }
0xae: {  	[dreg:$0x2] =	wrdreg s24  }
0xaf: {  	[dreg:$0x3] =	wrdreg s2  }
0xb0: {  	[dreg:$0x4] =	wrdreg $0x9  }
0xb1: {  	_ =	task.clear_ibuf [dreg:s7], $0x5FFFF;
	_ =	strace $0x90000046  }
0xb2: {  	s29 =	simm.s32 $0x9;
	_ =	strace $0x80000048  }
0xb3: {  	_ =	swait.ge [sflag:s29], $0x1  }
0xb4: {  	[sflag:s29] =	ssyncadd.s32 $0xFFFFFFFF  }
0xb5: {  	_ =	strace $0x90000048  }
0xb6: {  	_ =	sfence  }
0xb7: {  	s30 =	sld [smem:$0x0];
	_ =	sdelay $0x2  }
0xb8: {  	s31 =	sshll.u32 s1, $0xD;
	s1 =	sshrl.u32 s1, $0x2  }
0xb9: {  	s3 =	sand.u32 $0x4000, s31;
	s1 =	sadd.s32 s1, s30  }
0xba: {  	s0 =	sor.u32 s3, s0;
	s1 =	sshll.u32 s1, $0x11  }
0xbb: {  	s0 =	sor.u32 s1, s0  }
0xbc: {  	s0 =	sadd.s32 $0x8F2B, s0  }
0xbd: {  	[sflag:s0] =	ssyncadd.remote.s32 $0x1  }
0xbe: {  	_ =	sfence.sel $0xFFFF  }
0xbf: {  	[dreg:$0x0] =	wrdreg $0xFFFFFFFF;
	(pc) =	sbr.abs _section_cstart, $3  }
0xc0: {  	[dreg:$0x1] =	wrdreg $0xFFFFFFFF  }
0xc1: {  	_ =	task.clear_ibuf [dreg:s7], $0x2FFFF;
	_ =	strace $0x9FFFFFFF  }
0xc2: {  	(tm) =	ssettm $0x7FFFFFFF  }
0xc3: {  	_ =	shalt  }
tec
execute0_lowered:
.L_overlay_start_1:
0x0: {  	(tag) =	ssettag $0x1  }
0x1: {  	s4 =	rddreg [dreg:$0x0]  }
0x2: {  	s8 =	rddreg [dreg:$0x1]  }
0x3: {  	s0 =	rddreg [dreg:$0x2]  }
0x4: {  	s3 =	srdreg.scid;
	s1 =	stileid.u32  }
0x5: {  	s2 =	simm.s32 $0x0;
	s12 =	simm.s32 $0x320;
	s13 =	simm.s32 $0x1  }
0x6: {  	s14 =	simm.s32 $0x640;
	s15 =	simm.s32 $0x2;
	s16 =	simm.s32 $0xCE40  }
0x7: {  	s17 =	simm.s32 $0x3;
	s18 =	simm.s32 $0x19640;
	s19 =	simm.s32 $0x4  }
0x8: {  	s20 =	simm.s32 $0x19A40;
	s21 =	simm.s32 $0x5;
	s22 =	simm.s32 $0x6  }
0x9: {  	s23 =	simm.s32 $0x0;
	s3 =	sand.u32 $0x1, s3;
	[smem:$0x7FF] =	sst s2  }
0xa: {  	v0 =	vimm.f32 $1.000000000e+00;
	v1 =	vimm.s32 $0x0;
	s5 =	sshll.u32 s1, $0x1;
	s6 =	ssub.s32 $0x2, s3;
	_ =	strace $0x80000047  }
0xb: {  	v2 =	vimm.s32 $0x1;
	v3 =	vimm.s32 $0x2;
	v4 =	vimm.s32 $0x3;
	s7 =	sor.u32 s3, s5;
	s3 =	sadd.s32 $0x600, s4;
	s4 =	sadd.s32 $0xF42A00, s4  }
0xc: {  	v5 =	vimm.s32 $0x4;
	v6 =	vimm.s32 $0x5;
	v7 =	vimm.s32 $0x6;
	s30 =	sshrl.u32 s6, $0x1;
	s9 =	smul.u32 $0xC80, s7;
	s11 =	sshll.u32 s7, $0x9  }
0xd: {  	v8 =	vimm.s32 $0x7;
	v9 =	vimm.s32 $0x8;
	v10 =	vimm.s32 $0x9;
	s31 =	sshll.u32 s7, $0xC;
	s10 =	ssub.s32 s6, s30;
	s7 =	sor.u32 $0x20, s11  }
0xe: {  	v11 =	vimm.s32 $0xA;
	v12 =	vimm.s32 $0xB;
	v13 =	vimm.s32 $0xC;
	s8 =	sadd.s32 s8, s31;
	s5 =	sadd.s32 s3, s9;
	s9 =	sor.u32 $0x30, s11  }
0xf: {  	v14 =	vimm.s32 $0xD;
	v15 =	vimm.s32 $0xE;
	v16 =	vimm.s32 $0xF;
	s10 =	smax.u32 s10, $0x1;
	s11 =	sadd.s32 $0x80, s8;
	s6 =	sadd.s32 $0x64, s5  }
.LBB2_1:
0x10: {  	[tilespmem:s2], [sflag:$0x1] =	stream.linear.gather [hbm4b:s5+s2], $0x320, $0x38;
	[tilespmem:$0x19E40] =	vst v63  }
0x11: {  	_ = 	snop  }
0x12: {  	[tilespmem:s12], [sflag:$0x2] =	stream.linear.gather [hbm4b:s6+s2], $0x320, $0x38;
	[tilespmem:$0x19E40] =	vst v63  }
0x13: {  	_ =	swait.ge [sflag:s13], $0x320  }
0x14: {  	[sflag:s13] =	ssyncset.done $0x0  }
0x15: {  	s24 =	simm.s32 $0x0;
	[sflag:s13] =	ssyncadd.s32 $0xFFFFFCE0  }
0x16: {  	[tilespmem:s14], [sflag:$0x3] =	stream.indirect.gather [hbm4b:s4+s12], $0x40, s2, s12, $0xb8;
	[tilespmem:$0x19E40] =	vst v63  }
.LBB2_2:
0x17: {  	_ =	swait.ge [sflag:s15], $0x320  }
0x18: {  	[sflag:s15] =	ssyncset.done $0x0  }
0x19: {  	[sflag:s15] =	ssyncadd.s32 $0xFFFFFCE0  }
0x1a: {  	[tilespmem:s16], [sflag:$0x4] =	stream.indirect.gather [hbm4b:s4+s12], $0x40, s12, s12, $0xb8;
	[tilespmem:$0x19E40] =	vst v63  }
0x1b: {  	_ =	swait.ge [sflag:s17], $0xC800  }
0x1c: {  	[sflag:s17] =	ssyncset.done $0x0  }
0x1d: {  	s26 =	simm.s32 $0x0;
	[sflag:s17] =	ssyncadd.s32 $0xFFFF3800  }
0x1e: {  	v18 =	vld [tilespmem:s26+$0x0]  }
0x1f: {  	v17 =	vimm.f32 $0.0e+00;
	s25 =	simm.s32 $0x40  }
.LBB2_3:
0x20: {  	p0 =	sne.s32 s25, $0xC40  }
.Ltmp0:
0x21: {  	_ = 	snop;
	(pc) =	sbr.rel @p0 .LBB2_3-.Ltmp0, $4  }
0x22: {  	_ = 	snop  }
0x23: {  	s26 =	sshra.s32 s25, $0x2;
	s25 =	sadd.s32 $0x40, s25;
	vm0 =	veq.s32 v18, $0x0  }
0x24: {  	v18 =	vld [tilespmem:s26+$0x0];
	v19 =	vsel vm0, $0x0, v0  }
0x25: {  	v17 =	vadd.f32 v19, v17  }
0x26: {  	s25 =	sshll.u32 s24, $0x1  }
0x27: {  	s26 =	smin.u32 s25, $0x1D  }
0x28: {  	s26 =	sshll.u32 s26, $0x4  }
0x29: {  	s26 =	sadd.s32 s7, s26  }
0x2a: {  	s26 =	smul.u32 $0x32, s26;
	_ =	sdelay $0x1  }
0x2b: {  	s26 =	sshrl.u32 s26, $0x3  }
0x2c: {  	p0 =	seq.s32 s24, $0x0;
	s26 =	sadd.s32 s3, s26  }
0x2d: {  	[tilespmem:s2], [sflag:$0x1] =	stream.linear.gather [hbm4b:s26+s2], $0x320, $0x38;
	[tilespmem:$0x19E40] =	vst v63  }
0x2e: {  	s26 =	simm.s32 @!p0 $0x5  }
0x2f: {  	_ =	swait.ge @!p0 [sflag:s26], $0x400  }
0x30: {  	[sflag:s26] =	ssyncset.done @!p0 $0x0  }
0x31: {  	s29 =	simm.s32 $0x0;
	[sflag:s26] =	ssyncadd.s32 @!p0 $0xFFFFFC00  }
0x32: {  	v20 =	vld [tilespmem:s29+$0x730]  }
0x33: {  	v21 =	vld [tilespmem:s29+$0x640]  }
0x34: {  	v22 =	vld [tilespmem:s29+$0x650]  }
0x35: {  	v23 =	vld [tilespmem:s29+$0x660]  }
0x36: {  	v24 =	vld [tilespmem:s29+$0x670]  }
0x37: {  	v25 =	vld [tilespmem:s29+$0x680]  }
0x38: {  	v26 =	vld [tilespmem:s29+$0x690]  }
0x39: {  	vm0 =	veq.s32 v18, $0x0;
	v28 =	vld [tilespmem:s29+$0x6A0]  }
0x3a: {  	v19 =	vimm.f32 $0.0e+00;
	v18 =	vsel vm0, $0x0, v0;
	v34 =	vld [tilespmem:s29+$0x6B0]  }
0x3b: {  	v17 =	vadd.f32 v18, v17;
	v37 =	vld [tilespmem:s29+$0x6C0];
	v18 =	vadd.f32 v20, v19  }
0x3c: {  	v20 =	vld [tilespmem:s29+$0x6D0];
	v33 =	vadd.f32 v21, v19;
	v32 =	vadd.f32 v22, v19  }
0x3d: {  	v38 =	vld [tilespmem:s29+$0x6E0];
	v31 =	vadd.f32 v23, v19;
	v30 =	vadd.f32 v24, v19  }
0x3e: {  	v35 =	vld [tilespmem:s29+$0x6F0];
	v29 =	vadd.f32 v25, v19;
	v27 =	vadd.f32 v26, v19  }
0x3f: {  	v17 =	vmax.f32 v17, $1.000000000e+00;
	v36 =	vld [tilespmem:s29+$0x700];
	v28 =	vadd.f32 v28, v19;
	v26 =	vadd.f32 v34, v19  }
0x40: {  	v25 =	vadd.f32 v37, v19;
	v34 =	vld [tilespmem:s29+$0x710];
	v23 =	vimm.f32 $0.0e+00;
	v24 =	vimm.f32 $0.0e+00  }
0x41: {  	s28 =	simm.s32 $0x2000;
	s26 =	smin.u32 s25, $0x1C;
	s25 =	simm.s32 $0x400;
	v37 =	vld [tilespmem:s29+$0x720];
	v21 =	vimm.f32 $0.0e+00;
	v22 =	vadd.f32 v20, v19;
	v20 =	vimm.f32 $0.0e+00  }
.LBB2_5:
0x42: {  	p1 =	sne.s32 s28, $0x31000;
	v39 =	vld [tilespmem:s25+$0x730];
	v19 =	vadd.f32 v38, v19  }
0x43: {  	v38 =	vld [tilespmem:s25+$0x640];
	v23 =	vadd.f32 v35, v23  }
0x44: {  	v35 =	vld [tilespmem:s25+$0x650];
	v24 =	vadd.f32 v36, v24  }
0x45: {  	v36 =	vld [tilespmem:s25+$0x660];
	v21 =	vadd.f32 v34, v21  }
0x46: {  	v34 =	vld [tilespmem:s25+$0x670];
	v20 =	vadd.f32 v37, v20  }
0x47: {  	v37 =	vld [tilespmem:s25+$0x680];
	v18 =	vadd.f32 v39, v18  }
0x48: {  	v33 =	vadd.f32 v38, v33;
	v38 =	vld [tilespmem:s25+$0x690]  }
0x49: {  	v32 =	vadd.f32 v35, v32;
	v35 =	vld [tilespmem:s25+$0x6A0]  }
0x4a: {  	v31 =	vadd.f32 v36, v31;
	v36 =	vld [tilespmem:s25+$0x6B0]  }
0x4b: {  	v30 =	vadd.f32 v34, v30;
	v34 =	vld [tilespmem:s25+$0x6C0]  }
0x4c: {  	v29 =	vadd.f32 v37, v29;
	v37 =	vld [tilespmem:s25+$0x6D0]  }
.Ltmp1:
0x4d: {  	v27 =	vadd.f32 v38, v27;
	v38 =	vld [tilespmem:s25+$0x6E0];
	(pc) =	sbr.rel @p1 .LBB2_5-.Ltmp1, $4  }
0x4e: {  	v28 =	vadd.f32 v35, v28;
	v35 =	vld [tilespmem:s25+$0x6F0]  }
0x4f: {  	v26 =	vadd.f32 v36, v26;
	v36 =	vld [tilespmem:s25+$0x700]  }
0x50: {  	v25 =	vadd.f32 v34, v25;
	v34 =	vld [tilespmem:s25+$0x710]  }
0x51: {  	v22 =	vadd.f32 v37, v22;
	v37 =	vld [tilespmem:s25+$0x720];
	s25 =	sshra.s32 s28, $0x2;
	s28 =	sadd.s32 $0x1000, s28  }
0x52: {  	v39 =	vld [tilespmem:s25+$0x730]  }
0x53: {  	v40 =	vld [tilespmem:s25+$0x640];
	v42 =	vperm.xlane v17, v1  }
0x54: {  	v41 =	vld [tilespmem:s25+$0x650]  }
0x55: {  	v43 =	vld [tilespmem:s25+$0x660];
	(erf) = vrcp.f32 v42  }
0x56: {  	v44 =	vld [tilespmem:s25+$0x670];
	v46 =	vperm.xlane v17, v2  }
0x57: {  	v61 =	vld [tilespmem:s25+$0x680]  }
0x58: {  	v45 =	vld [tilespmem:s25+$0x690];
	(erf) = vrcp.f32 v46  }
0x59: {  	v47 =	vld [tilespmem:s25+$0x6A0]  }
0x5a: {  	v48 =	vld [tilespmem:s25+$0x6B0]  }
0x5b: {  	v62 =	vld [tilespmem:s25+$0x6C0];
	v50 =	vperm.xlane v17, v3  }
0x5c: {  	v49 =	vld [tilespmem:s25+$0x6D0]  }
0x5d: {  	v51 =	vld [tilespmem:s25+$0x6E0];
	(erf) = vrcp.f32 v50;
	v33 =	vadd.f32 v40, v33  }
0x5e: {  	v63 =	vld [tilespmem:s25+$0x6F0];
	v32 =	vadd.f32 v41, v32;
	v57 =	vpop (erf)  }
0x5f: {  	v56 =	vld [tilespmem:s25+$0x700];
	v52 =	vperm.xlane v17, v4;
	v31 =	vadd.f32 v43, v31;
	v33 =	vmul.f32 v57, v33  }
0x60: {  	v58 =	vld [tilespmem:s25+$0x710];
	v30 =	vadd.f32 v44, v30;
	v29 =	vadd.f32 v61, v29;
	v32 =	vmul.f32 v57, v32  }
0x61: {  	v59 =	vld [tilespmem:s25+$0x720];
	(erf) = vrcp.f32 v52;
	v31 =	vmul.f32 v57, v31;
	v60 =	vpop (erf);
	[tilespmem:$0x19640] =	vst v33  }
0x62: {  	v27 =	vadd.f32 v45, v27;
	v30 =	vmul.f32 v57, v30;
	v29 =	vmul.f32 v60, v29;
	[tilespmem:$0x19650] =	vst v32  }
0x63: {  	v28 =	vadd.f32 v47, v28;
	[tilespmem:$0x19660] =	vst v31  }
0x64: {  	v23 =	vadd.f32 v35, v23;
	v26 =	vadd.f32 v48, v26;
	v27 =	vmul.f32 v60, v27;
	[tilespmem:$0x19670] =	vst v30  }
0x65: {  	v19 =	vadd.f32 v38, v19;
	v25 =	vadd.f32 v62, v25;
	v28 =	vmul.f32 v60, v28;
	[tilespmem:$0x19680] =	vst v29  }
0x66: {  	v22 =	vadd.f32 v49, v22;
	v23 =	vadd.f32 v63, v23;
	v26 =	vmul.f32 v60, v26;
	[tilespmem:$0x19690] =	vst v27;
	v29 =	vpop (erf)  }
0x67: {  	v24 =	vadd.f32 v36, v24;
	v19 =	vadd.f32 v51, v19;
	[tilespmem:$0x196A0] =	vst v28;
	v25 =	vmul.f32 v29, v25  }
0x68: {  	v21 =	vadd.f32 v34, v21;
	[tilespmem:$0x196B0] =	vst v26;
	v22 =	vmul.f32 v29, v22  }
0x69: {  	v24 =	vadd.f32 v56, v24;
	v19 =	vmul.f32 v29, v19;
	[tilespmem:$0x196C0] =	vst v25  }
0x6a: {  	v20 =	vadd.f32 v37, v20;
	v21 =	vadd.f32 v58, v21;
	[tilespmem:$0x196D0] =	vst v22;
	v22 =	vmul.f32 v29, v23;
	v23 =	vpop (erf)  }
0x6b: {  	v18 =	vadd.f32 v39, v18;
	[tilespmem:$0x196E0] =	vst v19;
	v19 =	vmul.f32 v23, v24  }
0x6c: {  	v20 =	vadd.f32 v59, v20;
	v21 =	vmul.f32 v23, v21;
	[tilespmem:$0x196F0] =	vst v22  }
0x6d: {  	v18 =	vmul.f32 v23, v18;
	[tilespmem:$0x19700] =	vst v19  }
0x6e: {  	v19 =	vmul.f32 v23, v20;
	[tilespmem:$0x19710] =	vst v21  }
0x6f: {  	[tilespmem:$0x19730] =	vst v18  }
0x70: {  	s29 =	simm.s32 $0x1F0;
	[tilespmem:$0x19720] =	vst v19  }
0x71: {  	v18 =	vld [tilespmem:s29+$0x640]  }
0x72: {  	v20 =	vld [tilespmem:s29+$0x550]  }
0x73: {  	v21 =	vld [tilespmem:s29+$0x560]  }
0x74: {  	v22 =	vld [tilespmem:s29+$0x570]  }
0x75: {  	v23 =	vld [tilespmem:s29+$0x580]  }
0x76: {  	v24 =	vld [tilespmem:s29+$0x590]  }
0x77: {  	v25 =	vld [tilespmem:s29+$0x5A0]  }
0x78: {  	v26 =	vld [tilespmem:s29+$0x5B0]  }
0x79: {  	v61 =	vld [tilespmem:s29+$0x5C0]  }
0x7a: {  	v19 =	vimm.f32 $0.0e+00;
	v62 =	vld [tilespmem:s29+$0x5D0]  }
0x7b: {  	v63 =	vld [tilespmem:s29+$0x5E0];
	v18 =	vadd.f32 v18, v19  }
0x7c: {  	v33 =	vadd.f32 v20, v19;
	v32 =	vadd.f32 v21, v19  }
0x7d: {  	v38 =	vld [tilespmem:s29+$0x5F0];
	v31 =	vadd.f32 v22, v19;
	v30 =	vadd.f32 v23, v19  }
0x7e: {  	v37 =	vld [tilespmem:s29+$0x600];
	v29 =	vadd.f32 v24, v19;
	v28 =	vadd.f32 v25, v19  }
0x7f: {  	v36 =	vld [tilespmem:s29+$0x610];
	v27 =	vadd.f32 v26, v19;
	v26 =	vadd.f32 v61, v19  }
0x80: {  	v34 =	vld [tilespmem:s29+$0x620];
	v25 =	vadd.f32 v62, v19;
	v22 =	vadd.f32 v63, v19;
	v23 =	vimm.f32 $0.0e+00  }
0x81: {  	s25 =	simm.s32 $0x5F0;
	s28 =	simm.s32 $0x27C0;
	v35 =	vld [tilespmem:s29+$0x630];
	v24 =	vimm.f32 $0.0e+00;
	v21 =	vimm.f32 $0.0e+00;
	v20 =	vimm.f32 $0.0e+00  }
.LBB2_7:
0x82: {  	p1 =	sne.s32 s28, $0x317C0;
	v39 =	vld [tilespmem:s25+$0x640];
	v19 =	vadd.f32 v38, v19  }
0x83: {  	v38 =	vld [tilespmem:s25+$0x550];
	v23 =	vadd.f32 v37, v23  }
0x84: {  	v37 =	vld [tilespmem:s25+$0x560];
	v24 =	vadd.f32 v36, v24  }
0x85: {  	v36 =	vld [tilespmem:s25+$0x570];
	v21 =	vadd.f32 v34, v21  }
0x86: {  	v34 =	vld [tilespmem:s25+$0x580];
	v20 =	vadd.f32 v35, v20  }
0x87: {  	v35 =	vld [tilespmem:s25+$0x590];
	v18 =	vadd.f32 v39, v18  }
0x88: {  	v33 =	vadd.f32 v38, v33;
	v38 =	vld [tilespmem:s25+$0x5A0]  }
0x89: {  	v32 =	vadd.f32 v37, v32;
	v37 =	vld [tilespmem:s25+$0x5B0]  }
0x8a: {  	v31 =	vadd.f32 v36, v31;
	v36 =	vld [tilespmem:s25+$0x5C0]  }
0x8b: {  	v30 =	vadd.f32 v34, v30;
	v34 =	vld [tilespmem:s25+$0x5D0]  }
0x8c: {  	v29 =	vadd.f32 v35, v29;
	v35 =	vld [tilespmem:s25+$0x5E0]  }
.Ltmp2:
0x8d: {  	v28 =	vadd.f32 v38, v28;
	v38 =	vld [tilespmem:s25+$0x5F0];
	(pc) =	sbr.rel @p1 .LBB2_7-.Ltmp2, $4  }
0x8e: {  	v27 =	vadd.f32 v37, v27;
	v37 =	vld [tilespmem:s25+$0x600]  }
0x8f: {  	v26 =	vadd.f32 v36, v26;
	v36 =	vld [tilespmem:s25+$0x610]  }
0x90: {  	v25 =	vadd.f32 v34, v25;
	v34 =	vld [tilespmem:s25+$0x620]  }
0x91: {  	v22 =	vadd.f32 v35, v22;
	v35 =	vld [tilespmem:s25+$0x630];
	s25 =	sshra.s32 s28, $0x2;
	s28 =	sadd.s32 $0x1000, s28  }
0x92: {  	v39 =	vld [tilespmem:s25+$0x640]  }
0x93: {  	v40 =	vld [tilespmem:s25+$0x550];
	v42 =	vperm.xlane v17, v5  }
0x94: {  	v41 =	vld [tilespmem:s25+$0x560]  }
0x95: {  	v43 =	vld [tilespmem:s25+$0x570];
	(erf) = vrcp.f32 v42  }
0x96: {  	v44 =	vld [tilespmem:s25+$0x580];
	v46 =	vperm.xlane v17, v6  }
0x97: {  	v61 =	vld [tilespmem:s25+$0x590]  }
0x98: {  	v45 =	vld [tilespmem:s25+$0x5A0];
	(erf) = vrcp.f32 v46  }
0x99: {  	v47 =	vld [tilespmem:s25+$0x5B0]  }
0x9a: {  	v48 =	vld [tilespmem:s25+$0x5C0]  }
0x9b: {  	v62 =	vld [tilespmem:s25+$0x5D0];
	v50 =	vperm.xlane v17, v7  }
0x9c: {  	v49 =	vld [tilespmem:s25+$0x5E0]  }
0x9d: {  	v51 =	vld [tilespmem:s25+$0x5F0];
	(erf) = vrcp.f32 v50;
	v33 =	vadd.f32 v40, v33  }
0x9e: {  	v63 =	vld [tilespmem:s25+$0x600];
	v32 =	vadd.f32 v41, v32;
	v57 =	vpop (erf)  }
0x9f: {  	v56 =	vld [tilespmem:s25+$0x610];
	v52 =	vperm.xlane v17, v8;
	v31 =	vadd.f32 v43, v31;
	v33 =	vmul.f32 v57, v33  }
0xa0: {  	v58 =	vld [tilespmem:s25+$0x620];
	v30 =	vadd.f32 v44, v30;
	v29 =	vadd.f32 v61, v29;
	v32 =	vmul.f32 v57, v32  }
0xa1: {  	v59 =	vld [tilespmem:s25+$0x630];
	(erf) = vrcp.f32 v52;
	v31 =	vmul.f32 v57, v31;
	v60 =	vpop (erf);
	[tilespmem:$0x19740] =	vst v33  }
0xa2: {  	v28 =	vadd.f32 v45, v28;
	v30 =	vmul.f32 v57, v30;
	v29 =	vmul.f32 v60, v29;
	[tilespmem:$0x19750] =	vst v32  }
0xa3: {  	v27 =	vadd.f32 v47, v27;
	[tilespmem:$0x19760] =	vst v31  }
0xa4: {  	v23 =	vadd.f32 v37, v23;
	v26 =	vadd.f32 v48, v26;
	v28 =	vmul.f32 v60, v28;
	[tilespmem:$0x19770] =	vst v30  }
0xa5: {  	v19 =	vadd.f32 v38, v19;
	v25 =	vadd.f32 v62, v25;
	v27 =	vmul.f32 v60, v27;
	[tilespmem:$0x19780] =	vst v29  }
0xa6: {  	v22 =	vadd.f32 v49, v22;
	v23 =	vadd.f32 v63, v23;
	v26 =	vmul.f32 v60, v26;
	[tilespmem:$0x19790] =	vst v28;
	v29 =	vpop (erf)  }
0xa7: {  	v24 =	vadd.f32 v36, v24;
	v19 =	vadd.f32 v51, v19;
	[tilespmem:$0x197A0] =	vst v27;
	v25 =	vmul.f32 v29, v25  }
0xa8: {  	v21 =	vadd.f32 v34, v21;
	[tilespmem:$0x197B0] =	vst v26;
	v22 =	vmul.f32 v29, v22  }
0xa9: {  	v24 =	vadd.f32 v56, v24;
	v19 =	vmul.f32 v29, v19;
	[tilespmem:$0x197C0] =	vst v25  }
0xaa: {  	v20 =	vadd.f32 v35, v20;
	v21 =	vadd.f32 v58, v21;
	[tilespmem:$0x197D0] =	vst v22;
	v22 =	vmul.f32 v29, v23;
	v23 =	vpop (erf)  }
0xab: {  	v18 =	vadd.f32 v39, v18;
	[tilespmem:$0x197E0] =	vst v19;
	v19 =	vmul.f32 v23, v24  }
0xac: {  	v20 =	vadd.f32 v59, v20;
	v21 =	vmul.f32 v23, v21;
	[tilespmem:$0x197F0] =	vst v22  }
0xad: {  	v18 =	vmul.f32 v23, v18;
	[tilespmem:$0x19800] =	vst v19  }
0xae: {  	v19 =	vmul.f32 v23, v20;
	[tilespmem:$0x19810] =	vst v21  }
0xaf: {  	[tilespmem:$0x19830] =	vst v18  }
0xb0: {  	s29 =	simm.s32 $0x2F0;
	[tilespmem:$0x19820] =	vst v19  }
0xb1: {  	v18 =	vld [tilespmem:s29+$0x640]  }
0xb2: {  	v20 =	vld [tilespmem:s29+$0x550]  }
0xb3: {  	v21 =	vld [tilespmem:s29+$0x560]  }
0xb4: {  	v22 =	vld [tilespmem:s29+$0x570]  }
0xb5: {  	v23 =	vld [tilespmem:s29+$0x580]  }
0xb6: {  	v24 =	vld [tilespmem:s29+$0x590]  }
0xb7: {  	v25 =	vld [tilespmem:s29+$0x5A0]  }
0xb8: {  	v26 =	vld [tilespmem:s29+$0x5B0]  }
0xb9: {  	v61 =	vld [tilespmem:s29+$0x5C0]  }
0xba: {  	v19 =	vimm.f32 $0.0e+00;
	v62 =	vld [tilespmem:s29+$0x5D0]  }
0xbb: {  	v63 =	vld [tilespmem:s29+$0x5E0];
	v18 =	vadd.f32 v18, v19  }
0xbc: {  	v33 =	vadd.f32 v20, v19;
	v32 =	vadd.f32 v21, v19  }
0xbd: {  	v38 =	vld [tilespmem:s29+$0x5F0];
	v31 =	vadd.f32 v22, v19;
	v30 =	vadd.f32 v23, v19  }
0xbe: {  	v37 =	vld [tilespmem:s29+$0x600];
	v29 =	vadd.f32 v24, v19;
	v28 =	vadd.f32 v25, v19  }
0xbf: {  	v36 =	vld [tilespmem:s29+$0x610];
	v27 =	vadd.f32 v26, v19;
	v26 =	vadd.f32 v61, v19  }
0xc0: {  	v34 =	vld [tilespmem:s29+$0x620];
	v25 =	vadd.f32 v62, v19;
	v22 =	vadd.f32 v63, v19;
	v23 =	vimm.f32 $0.0e+00  }
0xc1: {  	s25 =	simm.s32 $0x6F0;
	s28 =	simm.s32 $0x2BC0;
	v35 =	vld [tilespmem:s29+$0x630];
	v24 =	vimm.f32 $0.0e+00;
	v21 =	vimm.f32 $0.0e+00;
	v20 =	vimm.f32 $0.0e+00  }
.LBB2_9:
0xc2: {  	p1 =	sne.s32 s28, $0x31BC0;
	v39 =	vld [tilespmem:s25+$0x640];
	v19 =	vadd.f32 v38, v19  }
0xc3: {  	v38 =	vld [tilespmem:s25+$0x550];
	v23 =	vadd.f32 v37, v23  }
0xc4: {  	v37 =	vld [tilespmem:s25+$0x560];
	v24 =	vadd.f32 v36, v24  }
0xc5: {  	v36 =	vld [tilespmem:s25+$0x570];
	v21 =	vadd.f32 v34, v21  }
0xc6: {  	v34 =	vld [tilespmem:s25+$0x580];
	v20 =	vadd.f32 v35, v20  }
0xc7: {  	v35 =	vld [tilespmem:s25+$0x590];
	v18 =	vadd.f32 v39, v18  }
0xc8: {  	v33 =	vadd.f32 v38, v33;
	v38 =	vld [tilespmem:s25+$0x5A0]  }
0xc9: {  	v32 =	vadd.f32 v37, v32;
	v37 =	vld [tilespmem:s25+$0x5B0]  }
0xca: {  	v31 =	vadd.f32 v36, v31;
	v36 =	vld [tilespmem:s25+$0x5C0]  }
0xcb: {  	v30 =	vadd.f32 v34, v30;
	v34 =	vld [tilespmem:s25+$0x5D0]  }
0xcc: {  	v29 =	vadd.f32 v35, v29;
	v35 =	vld [tilespmem:s25+$0x5E0]  }
.Ltmp3:
0xcd: {  	v28 =	vadd.f32 v38, v28;
	v38 =	vld [tilespmem:s25+$0x5F0];
	(pc) =	sbr.rel @p1 .LBB2_9-.Ltmp3, $4  }
0xce: {  	v27 =	vadd.f32 v37, v27;
	v37 =	vld [tilespmem:s25+$0x600]  }
0xcf: {  	v26 =	vadd.f32 v36, v26;
	v36 =	vld [tilespmem:s25+$0x610]  }
0xd0: {  	v25 =	vadd.f32 v34, v25;
	v34 =	vld [tilespmem:s25+$0x620]  }
0xd1: {  	v22 =	vadd.f32 v35, v22;
	v35 =	vld [tilespmem:s25+$0x630];
	s25 =	sshra.s32 s28, $0x2;
	s28 =	sadd.s32 $0x1000, s28  }
0xd2: {  	v39 =	vld [tilespmem:s25+$0x640]  }
0xd3: {  	v40 =	vld [tilespmem:s25+$0x550];
	v42 =	vperm.xlane v17, v9  }
0xd4: {  	v41 =	vld [tilespmem:s25+$0x560]  }
0xd5: {  	v43 =	vld [tilespmem:s25+$0x570];
	(erf) = vrcp.f32 v42  }
0xd6: {  	v44 =	vld [tilespmem:s25+$0x580];
	v46 =	vperm.xlane v17, v10  }
0xd7: {  	v61 =	vld [tilespmem:s25+$0x590]  }
0xd8: {  	v45 =	vld [tilespmem:s25+$0x5A0];
	(erf) = vrcp.f32 v46  }
0xd9: {  	v47 =	vld [tilespmem:s25+$0x5B0]  }
0xda: {  	v48 =	vld [tilespmem:s25+$0x5C0]  }
0xdb: {  	v62 =	vld [tilespmem:s25+$0x5D0];
	v50 =	vperm.xlane v17, v11  }
0xdc: {  	v49 =	vld [tilespmem:s25+$0x5E0]  }
0xdd: {  	v51 =	vld [tilespmem:s25+$0x5F0];
	(erf) = vrcp.f32 v50;
	v33 =	vadd.f32 v40, v33  }
0xde: {  	v63 =	vld [tilespmem:s25+$0x600];
	v32 =	vadd.f32 v41, v32;
	v57 =	vpop (erf)  }
0xdf: {  	v56 =	vld [tilespmem:s25+$0x610];
	v52 =	vperm.xlane v17, v12;
	v31 =	vadd.f32 v43, v31;
	v33 =	vmul.f32 v57, v33  }
0xe0: {  	v58 =	vld [tilespmem:s25+$0x620];
	v30 =	vadd.f32 v44, v30;
	v29 =	vadd.f32 v61, v29;
	v32 =	vmul.f32 v57, v32  }
0xe1: {  	v59 =	vld [tilespmem:s25+$0x630];
	(erf) = vrcp.f32 v52;
	v31 =	vmul.f32 v57, v31;
	v60 =	vpop (erf);
	[tilespmem:$0x19840] =	vst v33  }
0xe2: {  	v28 =	vadd.f32 v45, v28;
	v30 =	vmul.f32 v57, v30;
	v29 =	vmul.f32 v60, v29;
	[tilespmem:$0x19850] =	vst v32  }
0xe3: {  	v27 =	vadd.f32 v47, v27;
	[tilespmem:$0x19860] =	vst v31  }
0xe4: {  	v23 =	vadd.f32 v37, v23;
	v26 =	vadd.f32 v48, v26;
	v28 =	vmul.f32 v60, v28;
	[tilespmem:$0x19870] =	vst v30  }
0xe5: {  	v19 =	vadd.f32 v38, v19;
	v25 =	vadd.f32 v62, v25;
	v27 =	vmul.f32 v60, v27;
	[tilespmem:$0x19880] =	vst v29  }
0xe6: {  	v22 =	vadd.f32 v49, v22;
	v23 =	vadd.f32 v63, v23;
	v26 =	vmul.f32 v60, v26;
	[tilespmem:$0x19890] =	vst v28;
	v29 =	vpop (erf)  }
0xe7: {  	v24 =	vadd.f32 v36, v24;
	v19 =	vadd.f32 v51, v19;
	[tilespmem:$0x198A0] =	vst v27;
	v25 =	vmul.f32 v29, v25  }
0xe8: {  	v21 =	vadd.f32 v34, v21;
	[tilespmem:$0x198B0] =	vst v26;
	v22 =	vmul.f32 v29, v22  }
0xe9: {  	v24 =	vadd.f32 v56, v24;
	v19 =	vmul.f32 v29, v19;
	[tilespmem:$0x198C0] =	vst v25  }
0xea: {  	v20 =	vadd.f32 v35, v20;
	v21 =	vadd.f32 v58, v21;
	[tilespmem:$0x198D0] =	vst v22;
	v22 =	vmul.f32 v29, v23;
	v23 =	vpop (erf)  }
0xeb: {  	v18 =	vadd.f32 v39, v18;
	[tilespmem:$0x198E0] =	vst v19;
	v19 =	vmul.f32 v23, v24  }
0xec: {  	v20 =	vadd.f32 v59, v20;
	v21 =	vmul.f32 v23, v21;
	[tilespmem:$0x198F0] =	vst v22  }
0xed: {  	v18 =	vmul.f32 v23, v18;
	[tilespmem:$0x19900] =	vst v19  }
0xee: {  	v19 =	vmul.f32 v23, v20;
	[tilespmem:$0x19910] =	vst v21  }
0xef: {  	[tilespmem:$0x19930] =	vst v18  }
0xf0: {  	s29 =	simm.s32 $0x3F0;
	[tilespmem:$0x19920] =	vst v19  }
0xf1: {  	v18 =	vld [tilespmem:s29+$0x640]  }
0xf2: {  	v20 =	vld [tilespmem:s29+$0x550]  }
0xf3: {  	v21 =	vld [tilespmem:s29+$0x560]  }
0xf4: {  	v22 =	vld [tilespmem:s29+$0x570]  }
0xf5: {  	v23 =	vld [tilespmem:s29+$0x580]  }
0xf6: {  	v24 =	vld [tilespmem:s29+$0x590]  }
0xf7: {  	v25 =	vld [tilespmem:s29+$0x5A0]  }
0xf8: {  	v26 =	vld [tilespmem:s29+$0x5B0]  }
0xf9: {  	v61 =	vld [tilespmem:s29+$0x5C0]  }
0xfa: {  	v19 =	vimm.f32 $0.0e+00;
	v62 =	vld [tilespmem:s29+$0x5D0]  }
0xfb: {  	v63 =	vld [tilespmem:s29+$0x5E0];
	v18 =	vadd.f32 v18, v19  }
0xfc: {  	v33 =	vadd.f32 v20, v19;
	v32 =	vadd.f32 v21, v19  }
0xfd: {  	v38 =	vld [tilespmem:s29+$0x5F0];
	v31 =	vadd.f32 v22, v19;
	v30 =	vadd.f32 v23, v19  }
0xfe: {  	v37 =	vld [tilespmem:s29+$0x600];
	v29 =	vadd.f32 v24, v19;
	v28 =	vadd.f32 v25, v19  }
0xff: {  	v36 =	vld [tilespmem:s29+$0x610];
	v27 =	vadd.f32 v26, v19;
	v26 =	vadd.f32 v61, v19  }
0x100: {  	v34 =	vld [tilespmem:s29+$0x620];
	v25 =	vadd.f32 v62, v19;
	v22 =	vadd.f32 v63, v19;
	v23 =	vimm.f32 $0.0e+00  }
0x101: {  	s25 =	simm.s32 $0x7F0;
	s28 =	simm.s32 $0x2FC0;
	v35 =	vld [tilespmem:s29+$0x630];
	v24 =	vimm.f32 $0.0e+00;
	v21 =	vimm.f32 $0.0e+00;
	v20 =	vimm.f32 $0.0e+00  }
.LBB2_11:
0x102: {  	p1 =	sne.s32 s28, $0x31FC0;
	v39 =	vld [tilespmem:s25+$0x640];
	v19 =	vadd.f32 v38, v19  }
0x103: {  	v38 =	vld [tilespmem:s25+$0x550];
	v23 =	vadd.f32 v37, v23  }
0x104: {  	v37 =	vld [tilespmem:s25+$0x560];
	v24 =	vadd.f32 v36, v24  }
0x105: {  	v36 =	vld [tilespmem:s25+$0x570];
	v21 =	vadd.f32 v34, v21  }
0x106: {  	v34 =	vld [tilespmem:s25+$0x580];
	v20 =	vadd.f32 v35, v20  }
0x107: {  	v35 =	vld [tilespmem:s25+$0x590];
	v18 =	vadd.f32 v39, v18  }
0x108: {  	v33 =	vadd.f32 v38, v33;
	v38 =	vld [tilespmem:s25+$0x5A0]  }
0x109: {  	v32 =	vadd.f32 v37, v32;
	v37 =	vld [tilespmem:s25+$0x5B0]  }
0x10a: {  	v31 =	vadd.f32 v36, v31;
	v36 =	vld [tilespmem:s25+$0x5C0]  }
0x10b: {  	v30 =	vadd.f32 v34, v30;
	v34 =	vld [tilespmem:s25+$0x5D0]  }
0x10c: {  	v29 =	vadd.f32 v35, v29;
	v35 =	vld [tilespmem:s25+$0x5E0]  }
.Ltmp4:
0x10d: {  	v28 =	vadd.f32 v38, v28;
	v38 =	vld [tilespmem:s25+$0x5F0];
	(pc) =	sbr.rel @p1 .LBB2_11-.Ltmp4, $4  }
0x10e: {  	v27 =	vadd.f32 v37, v27;
	v37 =	vld [tilespmem:s25+$0x600]  }
0x10f: {  	v26 =	vadd.f32 v36, v26;
	v36 =	vld [tilespmem:s25+$0x610]  }
0x110: {  	v25 =	vadd.f32 v34, v25;
	v34 =	vld [tilespmem:s25+$0x620]  }
0x111: {  	v22 =	vadd.f32 v35, v22;
	v35 =	vld [tilespmem:s25+$0x630];
	s25 =	sshra.s32 s28, $0x2;
	s28 =	sadd.s32 $0x1000, s28  }
0x112: {  	v39 =	vld [tilespmem:s25+$0x640]  }
0x113: {  	v40 =	vld [tilespmem:s25+$0x550];
	v42 =	vperm.xlane v17, v13  }
0x114: {  	v41 =	vld [tilespmem:s25+$0x560]  }
0x115: {  	v43 =	vld [tilespmem:s25+$0x570];
	(erf) = vrcp.f32 v42  }
0x116: {  	v44 =	vld [tilespmem:s25+$0x580]  }
0x117: {  	v54 =	vld [tilespmem:s25+$0x590];
	v46 =	vperm.xlane v17, v14  }
0x118: {  	v45 =	vld [tilespmem:s25+$0x5A0]  }
0x119: {  	v47 =	vld [tilespmem:s25+$0x5B0];
	(erf) = vrcp.f32 v46  }
0x11a: {  	v48 =	vld [tilespmem:s25+$0x5C0]  }
0x11b: {  	v55 =	vld [tilespmem:s25+$0x5D0];
	v50 =	vperm.xlane v17, v15  }
0x11c: {  	v49 =	vld [tilespmem:s25+$0x5E0]  }
0x11d: {  	v51 =	vld [tilespmem:s25+$0x5F0];
	(erf) = vrcp.f32 v50;
	v33 =	vadd.f32 v40, v33  }
0x11e: {  	v56 =	vld [tilespmem:s25+$0x600];
	v17 =	vperm.xlane v17, v16;
	v32 =	vadd.f32 v41, v32;
	v58 =	vpop (erf)  }
0x11f: {  	v57 =	vld [tilespmem:s25+$0x610];
	v31 =	vadd.f32 v43, v31;
	v33 =	vmul.f32 v58, v33  }
0x120: {  	v59 =	vld [tilespmem:s25+$0x620];
	v30 =	vadd.f32 v44, v30;
	v32 =	vmul.f32 v58, v32  }
0x121: {  	v60 =	vld [tilespmem:s25+$0x630];
	v29 =	vadd.f32 v54, v29;
	(erf) = vrcp.f32 v17;
	v31 =	vmul.f32 v58, v31;
	[tilespmem:$0x19940] =	vst v33  }
0x122: {  	v28 =	vadd.f32 v45, v28;
	v17 =	vpop (erf);
	v30 =	vmul.f32 v58, v30;
	[tilespmem:$0x19950] =	vst v32  }
0x123: {  	v27 =	vadd.f32 v47, v27;
	v29 =	vmul.f32 v17, v29;
	[tilespmem:$0x19960] =	vst v31  }
0x124: {  	v26 =	vadd.f32 v48, v26;
	v28 =	vmul.f32 v17, v28;
	[tilespmem:$0x19970] =	vst v30  }
0x125: {  	v19 =	vadd.f32 v38, v19;
	v25 =	vadd.f32 v55, v25;
	v27 =	vmul.f32 v17, v27;
	[tilespmem:$0x19980] =	vst v29  }
0x126: {  	v23 =	vadd.f32 v37, v23;
	v22 =	vadd.f32 v49, v22;
	v61 =	vpop (erf);
	v17 =	vmul.f32 v17, v26;
	[tilespmem:$0x19990] =	vst v28  }
0x127: {  	v24 =	vadd.f32 v36, v24;
	v19 =	vadd.f32 v51, v19;
	v25 =	vmul.f32 v61, v25;
	[tilespmem:$0x199A0] =	vst v27  }
0x128: {  	v21 =	vadd.f32 v34, v21;
	v23 =	vadd.f32 v56, v23;
	[tilespmem:$0x199B0] =	vst v17;
	v17 =	vmul.f32 v61, v22  }
0x129: {  	v20 =	vadd.f32 v35, v20;
	v62 =	vadd.f32 v57, v24;
	v19 =	vmul.f32 v61, v19;
	[tilespmem:$0x199C0] =	vst v25  }
0x12a: {  	v21 =	vadd.f32 v59, v21;
	[tilespmem:$0x199D0] =	vst v17;
	v17 =	vmul.f32 v61, v23;
	v63 =	vpop (erf)  }
0x12b: {  	v20 =	vadd.f32 v60, v20;
	[tilespmem:$0x199E0] =	vst v19;
	v19 =	vmul.f32 v63, v62  }
0x12c: {  	v18 =	vadd.f32 v39, v18;
	[tilespmem:$0x199F0] =	vst v17;
	v17 =	vmul.f32 v63, v21  }
0x12d: {  	[tilespmem:$0x19A00] =	vst v19;
	v19 =	vmul.f32 v63, v20  }
0x12e: {  	[tilespmem:$0x19A10] =	vst v17;
	v17 =	vmul.f32 v63, v18  }
0x12f: {  	s25 =	sshll.u32 s24, $0x8;
	[tilespmem:$0x19A20] =	vst v19  }
0x130: {  	s28 =	sadd.s32 s25, s8;
	[tilespmem:$0x19A30] =	vst v17  }
0x131: {  	[hbm4b:s28+s2] =	stream.linear.scatter [tilespmem:s18], [sflag:$0x5], $0x400, $0x38;
	[tilespmem:$0x19E40] =	vst v63  }
0x132: {  	p1 =	seq.s32 s24, $0xF;
	_ =	swait.ge [sflag:s13], $0x320  }
0x133: {  	s29 =	simm.s32 @!p1 $0x0;
	[sflag:s13] =	ssyncset.done $0x0  }
0x134: {  	s30 =	simm.s32 @!p1 $0x640;
	s28 =	simm.s32 @!p1 $0x320;
	[sflag:s13] =	ssyncadd.s32 $0xFFFFFCE0  }
0x135: {  	[tilespmem:s30], [sflag:$0x3] =	stream.indirect.gather @!p1 [hbm4b:s4+s28], $0x40, s29, s28, $0xb8;
	[tilespmem:$0x19E40] =	vst v63  }
0x136: {  	_ =	swait.ge [sflag:s19], $0xC800  }
0x137: {  	[sflag:s19] =	ssyncset.done $0x0  }
0x138: {  	s31 =	simm.s32 $0x0;
	[sflag:s19] =	ssyncadd.s32 $0xFFFF3800  }
0x139: {  	v18 =	vld [tilespmem:s31+$0x320]  }
0x13a: {  	v17 =	vimm.f32 $0.0e+00;
	s28 =	simm.s32 $0x40  }
.LBB2_13:
0x13b: {  	p1 =	sne.s32 s28, $0xC40  }
.Ltmp5:
0x13c: {  	_ = 	snop;
	(pc) =	sbr.rel @p1 .LBB2_13-.Ltmp5, $4  }
0x13d: {  	_ = 	snop  }
0x13e: {  	s29 =	sshra.s32 s28, $0x2;
	s28 =	sadd.s32 $0x40, s28;
	vm0 =	veq.s32 v18, $0x0  }
0x13f: {  	v18 =	vld [tilespmem:s29+$0x320];
	v19 =	vsel vm0, $0x0, v0  }
0x140: {  	v17 =	vadd.f32 v19, v17  }
0x141: {  	s26 =	sshll.u32 s26, $0x4  }
0x142: {  	s26 =	sadd.s32 s26, s9  }
0x143: {  	s26 =	smul.u32 $0x32, s26;
	_ =	sdelay $0x1  }
0x144: {  	s26 =	sshrl.u32 s26, $0x3  }
0x145: {  	s26 =	sadd.s32 s3, s26  }
0x146: {  	[tilespmem:s12], [sflag:$0x2] =	stream.linear.gather [hbm4b:s26+s2], $0x320, $0x38;
	[tilespmem:$0x19E40] =	vst v63  }
0x147: {  	s26 =	simm.s32 @!p0 $0x6  }
0x148: {  	_ =	swait.ge @!p0 [sflag:s26], $0x400  }
0x149: {  	[sflag:s26] =	ssyncset.done @!p0 $0x0  }
0x14a: {  	s29 =	simm.s32 $0x0;
	[sflag:s26] =	ssyncadd.s32 @!p0 $0xFFFFFC00  }
0x14b: {  	v20 =	vld [tilespmem:s29+$0xCF30]  }
0x14c: {  	v21 =	vld [tilespmem:s29+$0xCE40]  }
0x14d: {  	v22 =	vld [tilespmem:s29+$0xCE50]  }
0x14e: {  	v23 =	vld [tilespmem:s29+$0xCE60]  }
0x14f: {  	v24 =	vld [tilespmem:s29+$0xCE70]  }
0x150: {  	v25 =	vld [tilespmem:s29+$0xCE80]  }
0x151: {  	v26 =	vld [tilespmem:s29+$0xCE90]  }
0x152: {  	vm0 =	veq.s32 v18, $0x0;
	v28 =	vld [tilespmem:s29+$0xCEA0]  }
0x153: {  	v19 =	vimm.f32 $0.0e+00;
	v18 =	vsel vm0, $0x0, v0;
	v34 =	vld [tilespmem:s29+$0xCEB0]  }
0x154: {  	v17 =	vadd.f32 v18, v17;
	v35 =	vld [tilespmem:s29+$0xCEC0];
	v18 =	vadd.f32 v20, v19  }
0x155: {  	v20 =	vld [tilespmem:s29+$0xCED0];
	v33 =	vadd.f32 v21, v19;
	v32 =	vadd.f32 v22, v19  }
0x156: {  	v38 =	vld [tilespmem:s29+$0xCEE0];
	v31 =	vadd.f32 v23, v19;
	v30 =	vadd.f32 v24, v19  }
0x157: {  	v36 =	vld [tilespmem:s29+$0xCEF0];
	v29 =	vadd.f32 v25, v19;
	v27 =	vadd.f32 v26, v19  }
0x158: {  	v17 =	vmax.f32 v17, $1.000000000e+00;
	v37 =	vld [tilespmem:s29+$0xCF00];
	v28 =	vadd.f32 v28, v19;
	v26 =	vadd.f32 v34, v19  }
0x159: {  	v25 =	vadd.f32 v35, v19;
	v34 =	vld [tilespmem:s29+$0xCF10];
	v23 =	vimm.f32 $0.0e+00;
	v24 =	vimm.f32 $0.0e+00  }
0x15a: {  	s28 =	simm.s32 $0x2000;
	s26 =	simm.s32 $0x400;
	v35 =	vld [tilespmem:s29+$0xCF20];
	v21 =	vimm.f32 $0.0e+00;
	v22 =	vadd.f32 v20, v19;
	v20 =	vimm.f32 $0.0e+00  }
.LBB2_15:
0x15b: {  	p0 =	sne.s32 s28, $0x31000;
	v39 =	vld [tilespmem:s26+$0xCF30];
	v19 =	vadd.f32 v38, v19  }
0x15c: {  	v38 =	vld [tilespmem:s26+$0xCE40];
	v23 =	vadd.f32 v36, v23  }
0x15d: {  	v36 =	vld [tilespmem:s26+$0xCE50];
	v24 =	vadd.f32 v37, v24  }
0x15e: {  	v37 =	vld [tilespmem:s26+$0xCE60];
	v21 =	vadd.f32 v34, v21  }
0x15f: {  	v34 =	vld [tilespmem:s26+$0xCE70];
	v20 =	vadd.f32 v35, v20  }
0x160: {  	v35 =	vld [tilespmem:s26+$0xCE80];
	v18 =	vadd.f32 v39, v18  }
0x161: {  	v33 =	vadd.f32 v38, v33;
	v38 =	vld [tilespmem:s26+$0xCE90]  }
0x162: {  	v32 =	vadd.f32 v36, v32;
	v36 =	vld [tilespmem:s26+$0xCEA0]  }
0x163: {  	v31 =	vadd.f32 v37, v31;
	v37 =	vld [tilespmem:s26+$0xCEB0]  }
0x164: {  	v30 =	vadd.f32 v34, v30;
	v34 =	vld [tilespmem:s26+$0xCEC0]  }
0x165: {  	v29 =	vadd.f32 v35, v29;
	v35 =	vld [tilespmem:s26+$0xCED0]  }
.Ltmp6:
0x166: {  	v27 =	vadd.f32 v38, v27;
	v38 =	vld [tilespmem:s26+$0xCEE0];
	(pc) =	sbr.rel @p0 .LBB2_15-.Ltmp6, $4  }
0x167: {  	v28 =	vadd.f32 v36, v28;
	v36 =	vld [tilespmem:s26+$0xCEF0]  }
0x168: {  	v26 =	vadd.f32 v37, v26;
	v37 =	vld [tilespmem:s26+$0xCF00]  }
0x169: {  	v25 =	vadd.f32 v34, v25;
	v34 =	vld [tilespmem:s26+$0xCF10]  }
0x16a: {  	v22 =	vadd.f32 v35, v22;
	v35 =	vld [tilespmem:s26+$0xCF20];
	s26 =	sshra.s32 s28, $0x2;
	s28 =	sadd.s32 $0x1000, s28  }
0x16b: {  	v39 =	vld [tilespmem:s26+$0xCF30]  }
0x16c: {  	v40 =	vld [tilespmem:s26+$0xCE40];
	v42 =	vperm.xlane v17, v1  }
0x16d: {  	v41 =	vld [tilespmem:s26+$0xCE50]  }
0x16e: {  	v43 =	vld [tilespmem:s26+$0xCE60];
	(erf) = vrcp.f32 v42  }
0x16f: {  	v44 =	vld [tilespmem:s26+$0xCE70];
	v46 =	vperm.xlane v17, v2  }
0x170: {  	v61 =	vld [tilespmem:s26+$0xCE80]  }
0x171: {  	v45 =	vld [tilespmem:s26+$0xCE90];
	(erf) = vrcp.f32 v46  }
0x172: {  	v47 =	vld [tilespmem:s26+$0xCEA0]  }
0x173: {  	v48 =	vld [tilespmem:s26+$0xCEB0]  }
0x174: {  	v62 =	vld [tilespmem:s26+$0xCEC0];
	v50 =	vperm.xlane v17, v3  }
0x175: {  	v49 =	vld [tilespmem:s26+$0xCED0]  }
0x176: {  	v51 =	vld [tilespmem:s26+$0xCEE0];
	(erf) = vrcp.f32 v50;
	v33 =	vadd.f32 v40, v33  }
0x177: {  	v63 =	vld [tilespmem:s26+$0xCEF0];
	v32 =	vadd.f32 v41, v32;
	v57 =	vpop (erf)  }
0x178: {  	v56 =	vld [tilespmem:s26+$0xCF00];
	v52 =	vperm.xlane v17, v4;
	v31 =	vadd.f32 v43, v31;
	v33 =	vmul.f32 v57, v33  }
0x179: {  	v58 =	vld [tilespmem:s26+$0xCF10];
	v30 =	vadd.f32 v44, v30;
	v29 =	vadd.f32 v61, v29;
	v32 =	vmul.f32 v57, v32  }
0x17a: {  	v59 =	vld [tilespmem:s26+$0xCF20];
	(erf) = vrcp.f32 v52;
	v31 =	vmul.f32 v57, v31;
	v60 =	vpop (erf);
	[tilespmem:$0x19A40] =	vst v33  }
0x17b: {  	v27 =	vadd.f32 v45, v27;
	v30 =	vmul.f32 v57, v30;
	v29 =	vmul.f32 v60, v29;
	[tilespmem:$0x19A50] =	vst v32  }
0x17c: {  	v28 =	vadd.f32 v47, v28;
	[tilespmem:$0x19A60] =	vst v31  }
0x17d: {  	v23 =	vadd.f32 v36, v23;
	v26 =	vadd.f32 v48, v26;
	v27 =	vmul.f32 v60, v27;
	[tilespmem:$0x19A70] =	vst v30  }
0x17e: {  	v19 =	vadd.f32 v38, v19;
	v25 =	vadd.f32 v62, v25;
	v28 =	vmul.f32 v60, v28;
	[tilespmem:$0x19A80] =	vst v29  }
0x17f: {  	v22 =	vadd.f32 v49, v22;
	v23 =	vadd.f32 v63, v23;
	v26 =	vmul.f32 v60, v26;
	[tilespmem:$0x19A90] =	vst v27;
	v29 =	vpop (erf)  }
0x180: {  	v24 =	vadd.f32 v37, v24;
	v19 =	vadd.f32 v51, v19;
	[tilespmem:$0x19AA0] =	vst v28;
	v25 =	vmul.f32 v29, v25  }
0x181: {  	v21 =	vadd.f32 v34, v21;
	[tilespmem:$0x19AB0] =	vst v26;
	v22 =	vmul.f32 v29, v22  }
0x182: {  	v24 =	vadd.f32 v56, v24;
	v19 =	vmul.f32 v29, v19;
	[tilespmem:$0x19AC0] =	vst v25  }
0x183: {  	v20 =	vadd.f32 v35, v20;
	v21 =	vadd.f32 v58, v21;
	[tilespmem:$0x19AD0] =	vst v22;
	v22 =	vmul.f32 v29, v23;
	v23 =	vpop (erf)  }
0x184: {  	v18 =	vadd.f32 v39, v18;
	[tilespmem:$0x19AE0] =	vst v19;
	v19 =	vmul.f32 v23, v24  }
0x185: {  	v20 =	vadd.f32 v59, v20;
	v21 =	vmul.f32 v23, v21;
	[tilespmem:$0x19AF0] =	vst v22  }
0x186: {  	v18 =	vmul.f32 v23, v18;
	[tilespmem:$0x19B00] =	vst v19  }
0x187: {  	v19 =	vmul.f32 v23, v20;
	[tilespmem:$0x19B10] =	vst v21  }
0x188: {  	[tilespmem:$0x19B30] =	vst v18  }
0x189: {  	s29 =	simm.s32 $0x1F0;
	[tilespmem:$0x19B20] =	vst v19  }
0x18a: {  	v18 =	vld [tilespmem:s29+$0xCE40]  }
0x18b: {  	v20 =	vld [tilespmem:s29+$0xCD50]  }
0x18c: {  	v21 =	vld [tilespmem:s29+$0xCD60]  }
0x18d: {  	v22 =	vld [tilespmem:s29+$0xCD70]  }
0x18e: {  	v23 =	vld [tilespmem:s29+$0xCD80]  }
0x18f: {  	v24 =	vld [tilespmem:s29+$0xCD90]  }
0x190: {  	v25 =	vld [tilespmem:s29+$0xCDA0]  }
0x191: {  	v26 =	vld [tilespmem:s29+$0xCDB0]  }
0x192: {  	v61 =	vld [tilespmem:s29+$0xCDC0]  }
0x193: {  	v19 =	vimm.f32 $0.0e+00;
	v62 =	vld [tilespmem:s29+$0xCDD0]  }
0x194: {  	v63 =	vld [tilespmem:s29+$0xCDE0];
	v18 =	vadd.f32 v18, v19  }
0x195: {  	v33 =	vadd.f32 v20, v19;
	v32 =	vadd.f32 v21, v19  }
0x196: {  	v38 =	vld [tilespmem:s29+$0xCDF0];
	v31 =	vadd.f32 v22, v19;
	v30 =	vadd.f32 v23, v19  }
0x197: {  	v37 =	vld [tilespmem:s29+$0xCE00];
	v29 =	vadd.f32 v24, v19;
	v28 =	vadd.f32 v25, v19  }
0x198: {  	v36 =	vld [tilespmem:s29+$0xCE10];
	v27 =	vadd.f32 v26, v19;
	v26 =	vadd.f32 v61, v19  }
0x199: {  	v34 =	vld [tilespmem:s29+$0xCE20];
	v25 =	vadd.f32 v62, v19;
	v22 =	vadd.f32 v63, v19;
	v23 =	vimm.f32 $0.0e+00  }
0x19a: {  	s26 =	simm.s32 $0x5F0;
	s28 =	simm.s32 $0x27C0;
	v35 =	vld [tilespmem:s29+$0xCE30];
	v24 =	vimm.f32 $0.0e+00;
	v21 =	vimm.f32 $0.0e+00;
	v20 =	vimm.f32 $0.0e+00  }
.LBB2_17:
0x19b: {  	p0 =	sne.s32 s28, $0x317C0;
	v39 =	vld [tilespmem:s26+$0xCE40];
	v19 =	vadd.f32 v38, v19  }
0x19c: {  	v38 =	vld [tilespmem:s26+$0xCD50];
	v23 =	vadd.f32 v37, v23  }
0x19d: {  	v37 =	vld [tilespmem:s26+$0xCD60];
	v24 =	vadd.f32 v36, v24  }
0x19e: {  	v36 =	vld [tilespmem:s26+$0xCD70];
	v21 =	vadd.f32 v34, v21  }
0x19f: {  	v34 =	vld [tilespmem:s26+$0xCD80];
	v20 =	vadd.f32 v35, v20  }
0x1a0: {  	v35 =	vld [tilespmem:s26+$0xCD90];
	v18 =	vadd.f32 v39, v18  }
0x1a1: {  	v33 =	vadd.f32 v38, v33;
	v38 =	vld [tilespmem:s26+$0xCDA0]  }
0x1a2: {  	v32 =	vadd.f32 v37, v32;
	v37 =	vld [tilespmem:s26+$0xCDB0]  }
0x1a3: {  	v31 =	vadd.f32 v36, v31;
	v36 =	vld [tilespmem:s26+$0xCDC0]  }
0x1a4: {  	v30 =	vadd.f32 v34, v30;
	v34 =	vld [tilespmem:s26+$0xCDD0]  }
0x1a5: {  	v29 =	vadd.f32 v35, v29;
	v35 =	vld [tilespmem:s26+$0xCDE0]  }
.Ltmp7:
0x1a6: {  	v28 =	vadd.f32 v38, v28;
	v38 =	vld [tilespmem:s26+$0xCDF0];
	(pc) =	sbr.rel @p0 .LBB2_17-.Ltmp7, $4  }
0x1a7: {  	v27 =	vadd.f32 v37, v27;
	v37 =	vld [tilespmem:s26+$0xCE00]  }
0x1a8: {  	v26 =	vadd.f32 v36, v26;
	v36 =	vld [tilespmem:s26+$0xCE10]  }
0x1a9: {  	v25 =	vadd.f32 v34, v25;
	v34 =	vld [tilespmem:s26+$0xCE20]  }
0x1aa: {  	v22 =	vadd.f32 v35, v22;
	v35 =	vld [tilespmem:s26+$0xCE30];
	s26 =	sshra.s32 s28, $0x2;
	s28 =	sadd.s32 $0x1000, s28  }
0x1ab: {  	v39 =	vld [tilespmem:s26+$0xCE40]  }
0x1ac: {  	v40 =	vld [tilespmem:s26+$0xCD50];
	v42 =	vperm.xlane v17, v5  }
0x1ad: {  	v41 =	vld [tilespmem:s26+$0xCD60]  }
0x1ae: {  	v43 =	vld [tilespmem:s26+$0xCD70];
	(erf) = vrcp.f32 v42  }
0x1af: {  	v44 =	vld [tilespmem:s26+$0xCD80];
	v46 =	vperm.xlane v17, v6  }
0x1b0: {  	v61 =	vld [tilespmem:s26+$0xCD90]  }
0x1b1: {  	v45 =	vld [tilespmem:s26+$0xCDA0];
	(erf) = vrcp.f32 v46  }
0x1b2: {  	v47 =	vld [tilespmem:s26+$0xCDB0]  }
0x1b3: {  	v48 =	vld [tilespmem:s26+$0xCDC0]  }
0x1b4: {  	v62 =	vld [tilespmem:s26+$0xCDD0];
	v50 =	vperm.xlane v17, v7  }
0x1b5: {  	v49 =	vld [tilespmem:s26+$0xCDE0]  }
0x1b6: {  	v51 =	vld [tilespmem:s26+$0xCDF0];
	(erf) = vrcp.f32 v50;
	v33 =	vadd.f32 v40, v33  }
0x1b7: {  	v63 =	vld [tilespmem:s26+$0xCE00];
	v32 =	vadd.f32 v41, v32;
	v57 =	vpop (erf)  }
0x1b8: {  	v56 =	vld [tilespmem:s26+$0xCE10];
	v52 =	vperm.xlane v17, v8;
	v31 =	vadd.f32 v43, v31;
	v33 =	vmul.f32 v57, v33  }
0x1b9: {  	v58 =	vld [tilespmem:s26+$0xCE20];
	v30 =	vadd.f32 v44, v30;
	v29 =	vadd.f32 v61, v29;
	v32 =	vmul.f32 v57, v32  }
0x1ba: {  	v59 =	vld [tilespmem:s26+$0xCE30];
	(erf) = vrcp.f32 v52;
	v31 =	vmul.f32 v57, v31;
	v60 =	vpop (erf);
	[tilespmem:$0x19B40] =	vst v33  }
0x1bb: {  	v28 =	vadd.f32 v45, v28;
	v30 =	vmul.f32 v57, v30;
	v29 =	vmul.f32 v60, v29;
	[tilespmem:$0x19B50] =	vst v32  }
0x1bc: {  	v27 =	vadd.f32 v47, v27;
	[tilespmem:$0x19B60] =	vst v31  }
0x1bd: {  	v23 =	vadd.f32 v37, v23;
	v26 =	vadd.f32 v48, v26;
	v28 =	vmul.f32 v60, v28;
	[tilespmem:$0x19B70] =	vst v30  }
0x1be: {  	v19 =	vadd.f32 v38, v19;
	v25 =	vadd.f32 v62, v25;
	v27 =	vmul.f32 v60, v27;
	[tilespmem:$0x19B80] =	vst v29  }
0x1bf: {  	v22 =	vadd.f32 v49, v22;
	v23 =	vadd.f32 v63, v23;
	v26 =	vmul.f32 v60, v26;
	[tilespmem:$0x19B90] =	vst v28;
	v29 =	vpop (erf)  }
0x1c0: {  	v24 =	vadd.f32 v36, v24;
	v19 =	vadd.f32 v51, v19;
	[tilespmem:$0x19BA0] =	vst v27;
	v25 =	vmul.f32 v29, v25  }
0x1c1: {  	v21 =	vadd.f32 v34, v21;
	[tilespmem:$0x19BB0] =	vst v26;
	v22 =	vmul.f32 v29, v22  }
0x1c2: {  	v24 =	vadd.f32 v56, v24;
	v19 =	vmul.f32 v29, v19;
	[tilespmem:$0x19BC0] =	vst v25  }
0x1c3: {  	v20 =	vadd.f32 v35, v20;
	v21 =	vadd.f32 v58, v21;
	[tilespmem:$0x19BD0] =	vst v22;
	v22 =	vmul.f32 v29, v23;
	v23 =	vpop (erf)  }
0x1c4: {  	v18 =	vadd.f32 v39, v18;
	[tilespmem:$0x19BE0] =	vst v19;
	v19 =	vmul.f32 v23, v24  }
0x1c5: {  	v20 =	vadd.f32 v59, v20;
	v21 =	vmul.f32 v23, v21;
	[tilespmem:$0x19BF0] =	vst v22  }
0x1c6: {  	v18 =	vmul.f32 v23, v18;
	[tilespmem:$0x19C00] =	vst v19  }
0x1c7: {  	v19 =	vmul.f32 v23, v20;
	[tilespmem:$0x19C10] =	vst v21  }
0x1c8: {  	[tilespmem:$0x19C30] =	vst v18  }
0x1c9: {  	s29 =	simm.s32 $0x2F0;
	[tilespmem:$0x19C20] =	vst v19  }
0x1ca: {  	v18 =	vld [tilespmem:s29+$0xCE40]  }
0x1cb: {  	v20 =	vld [tilespmem:s29+$0xCD50]  }
0x1cc: {  	v21 =	vld [tilespmem:s29+$0xCD60]  }
0x1cd: {  	v22 =	vld [tilespmem:s29+$0xCD70]  }
0x1ce: {  	v23 =	vld [tilespmem:s29+$0xCD80]  }
0x1cf: {  	v24 =	vld [tilespmem:s29+$0xCD90]  }
0x1d0: {  	v25 =	vld [tilespmem:s29+$0xCDA0]  }
0x1d1: {  	v26 =	vld [tilespmem:s29+$0xCDB0]  }
0x1d2: {  	v61 =	vld [tilespmem:s29+$0xCDC0]  }
0x1d3: {  	v19 =	vimm.f32 $0.0e+00;
	v62 =	vld [tilespmem:s29+$0xCDD0]  }
0x1d4: {  	v63 =	vld [tilespmem:s29+$0xCDE0];
	v18 =	vadd.f32 v18, v19  }
0x1d5: {  	v33 =	vadd.f32 v20, v19;
	v32 =	vadd.f32 v21, v19  }
0x1d6: {  	v38 =	vld [tilespmem:s29+$0xCDF0];
	v31 =	vadd.f32 v22, v19;
	v30 =	vadd.f32 v23, v19  }
0x1d7: {  	v37 =	vld [tilespmem:s29+$0xCE00];
	v29 =	vadd.f32 v24, v19;
	v28 =	vadd.f32 v25, v19  }
0x1d8: {  	v36 =	vld [tilespmem:s29+$0xCE10];
	v27 =	vadd.f32 v26, v19;
	v26 =	vadd.f32 v61, v19  }
0x1d9: {  	v34 =	vld [tilespmem:s29+$0xCE20];
	v25 =	vadd.f32 v62, v19;
	v22 =	vadd.f32 v63, v19;
	v23 =	vimm.f32 $0.0e+00  }
0x1da: {  	s26 =	simm.s32 $0x6F0;
	s28 =	simm.s32 $0x2BC0;
	v35 =	vld [tilespmem:s29+$0xCE30];
	v24 =	vimm.f32 $0.0e+00;
	v21 =	vimm.f32 $0.0e+00;
	v20 =	vimm.f32 $0.0e+00  }
.LBB2_19:
0x1db: {  	p0 =	sne.s32 s28, $0x31BC0;
	v39 =	vld [tilespmem:s26+$0xCE40];
	v19 =	vadd.f32 v38, v19  }
0x1dc: {  	v38 =	vld [tilespmem:s26+$0xCD50];
	v23 =	vadd.f32 v37, v23  }
0x1dd: {  	v37 =	vld [tilespmem:s26+$0xCD60];
	v24 =	vadd.f32 v36, v24  }
0x1de: {  	v36 =	vld [tilespmem:s26+$0xCD70];
	v21 =	vadd.f32 v34, v21  }
0x1df: {  	v34 =	vld [tilespmem:s26+$0xCD80];
	v20 =	vadd.f32 v35, v20  }
0x1e0: {  	v35 =	vld [tilespmem:s26+$0xCD90];
	v18 =	vadd.f32 v39, v18  }
0x1e1: {  	v33 =	vadd.f32 v38, v33;
	v38 =	vld [tilespmem:s26+$0xCDA0]  }
0x1e2: {  	v32 =	vadd.f32 v37, v32;
	v37 =	vld [tilespmem:s26+$0xCDB0]  }
0x1e3: {  	v31 =	vadd.f32 v36, v31;
	v36 =	vld [tilespmem:s26+$0xCDC0]  }
0x1e4: {  	v30 =	vadd.f32 v34, v30;
	v34 =	vld [tilespmem:s26+$0xCDD0]  }
0x1e5: {  	v29 =	vadd.f32 v35, v29;
	v35 =	vld [tilespmem:s26+$0xCDE0]  }
.Ltmp8:
0x1e6: {  	v28 =	vadd.f32 v38, v28;
	v38 =	vld [tilespmem:s26+$0xCDF0];
	(pc) =	sbr.rel @p0 .LBB2_19-.Ltmp8, $4  }
0x1e7: {  	v27 =	vadd.f32 v37, v27;
	v37 =	vld [tilespmem:s26+$0xCE00]  }
0x1e8: {  	v26 =	vadd.f32 v36, v26;
	v36 =	vld [tilespmem:s26+$0xCE10]  }
0x1e9: {  	v25 =	vadd.f32 v34, v25;
	v34 =	vld [tilespmem:s26+$0xCE20]  }
0x1ea: {  	v22 =	vadd.f32 v35, v22;
	v35 =	vld [tilespmem:s26+$0xCE30];
	s26 =	sshra.s32 s28, $0x2;
	s28 =	sadd.s32 $0x1000, s28  }
0x1eb: {  	v39 =	vld [tilespmem:s26+$0xCE40]  }
0x1ec: {  	v40 =	vld [tilespmem:s26+$0xCD50];
	v42 =	vperm.xlane v17, v9  }
0x1ed: {  	v41 =	vld [tilespmem:s26+$0xCD60]  }
0x1ee: {  	v43 =	vld [tilespmem:s26+$0xCD70];
	(erf) = vrcp.f32 v42  }
0x1ef: {  	v44 =	vld [tilespmem:s26+$0xCD80];
	v46 =	vperm.xlane v17, v10  }
0x1f0: {  	v61 =	vld [tilespmem:s26+$0xCD90]  }
0x1f1: {  	v45 =	vld [tilespmem:s26+$0xCDA0];
	(erf) = vrcp.f32 v46  }
0x1f2: {  	v47 =	vld [tilespmem:s26+$0xCDB0]  }
0x1f3: {  	v48 =	vld [tilespmem:s26+$0xCDC0]  }
0x1f4: {  	v62 =	vld [tilespmem:s26+$0xCDD0];
	v50 =	vperm.xlane v17, v11  }
0x1f5: {  	v49 =	vld [tilespmem:s26+$0xCDE0]  }
0x1f6: {  	v51 =	vld [tilespmem:s26+$0xCDF0];
	(erf) = vrcp.f32 v50;
	v33 =	vadd.f32 v40, v33  }
0x1f7: {  	v63 =	vld [tilespmem:s26+$0xCE00];
	v32 =	vadd.f32 v41, v32;
	v57 =	vpop (erf)  }
0x1f8: {  	v56 =	vld [tilespmem:s26+$0xCE10];
	v52 =	vperm.xlane v17, v12;
	v31 =	vadd.f32 v43, v31;
	v33 =	vmul.f32 v57, v33  }
0x1f9: {  	v58 =	vld [tilespmem:s26+$0xCE20];
	v30 =	vadd.f32 v44, v30;
	v29 =	vadd.f32 v61, v29;
	v32 =	vmul.f32 v57, v32  }
0x1fa: {  	v59 =	vld [tilespmem:s26+$0xCE30];
	(erf) = vrcp.f32 v52;
	v31 =	vmul.f32 v57, v31;
	v60 =	vpop (erf);
	[tilespmem:$0x19C40] =	vst v33  }
0x1fb: {  	v28 =	vadd.f32 v45, v28;
	v30 =	vmul.f32 v57, v30;
	v29 =	vmul.f32 v60, v29;
	[tilespmem:$0x19C50] =	vst v32  }
0x1fc: {  	v27 =	vadd.f32 v47, v27;
	[tilespmem:$0x19C60] =	vst v31  }
0x1fd: {  	v23 =	vadd.f32 v37, v23;
	v26 =	vadd.f32 v48, v26;
	v28 =	vmul.f32 v60, v28;
	[tilespmem:$0x19C70] =	vst v30  }
0x1fe: {  	v19 =	vadd.f32 v38, v19;
	v25 =	vadd.f32 v62, v25;
	v27 =	vmul.f32 v60, v27;
	[tilespmem:$0x19C80] =	vst v29  }
0x1ff: {  	v22 =	vadd.f32 v49, v22;
	v23 =	vadd.f32 v63, v23;
	v26 =	vmul.f32 v60, v26;
	[tilespmem:$0x19C90] =	vst v28;
	v29 =	vpop (erf)  }
0x200: {  	v24 =	vadd.f32 v36, v24;
	v19 =	vadd.f32 v51, v19;
	[tilespmem:$0x19CA0] =	vst v27;
	v25 =	vmul.f32 v29, v25  }
0x201: {  	v21 =	vadd.f32 v34, v21;
	[tilespmem:$0x19CB0] =	vst v26;
	v22 =	vmul.f32 v29, v22  }
0x202: {  	v24 =	vadd.f32 v56, v24;
	v19 =	vmul.f32 v29, v19;
	[tilespmem:$0x19CC0] =	vst v25  }
0x203: {  	v20 =	vadd.f32 v35, v20;
	v21 =	vadd.f32 v58, v21;
	[tilespmem:$0x19CD0] =	vst v22;
	v22 =	vmul.f32 v29, v23;
	v23 =	vpop (erf)  }
0x204: {  	v18 =	vadd.f32 v39, v18;
	[tilespmem:$0x19CE0] =	vst v19;
	v19 =	vmul.f32 v23, v24  }
0x205: {  	v20 =	vadd.f32 v59, v20;
	v21 =	vmul.f32 v23, v21;
	[tilespmem:$0x19CF0] =	vst v22  }
0x206: {  	v18 =	vmul.f32 v23, v18;
	[tilespmem:$0x19D00] =	vst v19  }
0x207: {  	v19 =	vmul.f32 v23, v20;
	[tilespmem:$0x19D10] =	vst v21  }
0x208: {  	[tilespmem:$0x19D30] =	vst v18  }
0x209: {  	s29 =	simm.s32 $0x3F0;
	[tilespmem:$0x19D20] =	vst v19  }
0x20a: {  	v18 =	vld [tilespmem:s29+$0xCE40]  }
0x20b: {  	v20 =	vld [tilespmem:s29+$0xCD50]  }
0x20c: {  	v21 =	vld [tilespmem:s29+$0xCD60]  }
0x20d: {  	v22 =	vld [tilespmem:s29+$0xCD70]  }
0x20e: {  	v23 =	vld [tilespmem:s29+$0xCD80]  }
0x20f: {  	v24 =	vld [tilespmem:s29+$0xCD90]  }
0x210: {  	v25 =	vld [tilespmem:s29+$0xCDA0]  }
0x211: {  	v26 =	vld [tilespmem:s29+$0xCDB0]  }
0x212: {  	v61 =	vld [tilespmem:s29+$0xCDC0]  }
0x213: {  	v19 =	vimm.f32 $0.0e+00;
	v62 =	vld [tilespmem:s29+$0xCDD0]  }
0x214: {  	v63 =	vld [tilespmem:s29+$0xCDE0];
	v18 =	vadd.f32 v18, v19  }
0x215: {  	v33 =	vadd.f32 v20, v19;
	v32 =	vadd.f32 v21, v19  }
0x216: {  	v38 =	vld [tilespmem:s29+$0xCDF0];
	v31 =	vadd.f32 v22, v19;
	v30 =	vadd.f32 v23, v19  }
0x217: {  	v37 =	vld [tilespmem:s29+$0xCE00];
	v29 =	vadd.f32 v24, v19;
	v28 =	vadd.f32 v25, v19  }
0x218: {  	v36 =	vld [tilespmem:s29+$0xCE10];
	v27 =	vadd.f32 v26, v19;
	v26 =	vadd.f32 v61, v19  }
0x219: {  	v34 =	vld [tilespmem:s29+$0xCE20];
	v25 =	vadd.f32 v62, v19;
	v22 =	vadd.f32 v63, v19;
	v23 =	vimm.f32 $0.0e+00  }
0x21a: {  	s26 =	simm.s32 $0x7F0;
	s28 =	simm.s32 $0x2FC0;
	v35 =	vld [tilespmem:s29+$0xCE30];
	v24 =	vimm.f32 $0.0e+00;
	v21 =	vimm.f32 $0.0e+00;
	v20 =	vimm.f32 $0.0e+00  }
.LBB2_21:
0x21b: {  	p0 =	sne.s32 s28, $0x31FC0;
	v39 =	vld [tilespmem:s26+$0xCE40];
	v19 =	vadd.f32 v38, v19  }
0x21c: {  	v38 =	vld [tilespmem:s26+$0xCD50];
	v23 =	vadd.f32 v37, v23  }
0x21d: {  	v37 =	vld [tilespmem:s26+$0xCD60];
	v24 =	vadd.f32 v36, v24  }
0x21e: {  	v36 =	vld [tilespmem:s26+$0xCD70];
	v21 =	vadd.f32 v34, v21  }
0x21f: {  	v34 =	vld [tilespmem:s26+$0xCD80];
	v20 =	vadd.f32 v35, v20  }
0x220: {  	v35 =	vld [tilespmem:s26+$0xCD90];
	v18 =	vadd.f32 v39, v18  }
0x221: {  	v33 =	vadd.f32 v38, v33;
	v38 =	vld [tilespmem:s26+$0xCDA0]  }
0x222: {  	v32 =	vadd.f32 v37, v32;
	v37 =	vld [tilespmem:s26+$0xCDB0]  }
0x223: {  	v31 =	vadd.f32 v36, v31;
	v36 =	vld [tilespmem:s26+$0xCDC0]  }
0x224: {  	v30 =	vadd.f32 v34, v30;
	v34 =	vld [tilespmem:s26+$0xCDD0]  }
0x225: {  	v29 =	vadd.f32 v35, v29;
	v35 =	vld [tilespmem:s26+$0xCDE0]  }
.Ltmp9:
0x226: {  	v28 =	vadd.f32 v38, v28;
	v38 =	vld [tilespmem:s26+$0xCDF0];
	(pc) =	sbr.rel @p0 .LBB2_21-.Ltmp9, $4  }
0x227: {  	v27 =	vadd.f32 v37, v27;
	v37 =	vld [tilespmem:s26+$0xCE00]  }
0x228: {  	v26 =	vadd.f32 v36, v26;
	v36 =	vld [tilespmem:s26+$0xCE10]  }
0x229: {  	v25 =	vadd.f32 v34, v25;
	v34 =	vld [tilespmem:s26+$0xCE20]  }
0x22a: {  	v22 =	vadd.f32 v35, v22;
	v35 =	vld [tilespmem:s26+$0xCE30];
	s26 =	sshra.s32 s28, $0x2;
	s28 =	sadd.s32 $0x1000, s28  }
0x22b: {  	v39 =	vld [tilespmem:s26+$0xCE40]  }
0x22c: {  	v40 =	vld [tilespmem:s26+$0xCD50];
	v42 =	vperm.xlane v17, v13  }
0x22d: {  	v41 =	vld [tilespmem:s26+$0xCD60]  }
0x22e: {  	v43 =	vld [tilespmem:s26+$0xCD70];
	(erf) = vrcp.f32 v42  }
0x22f: {  	v44 =	vld [tilespmem:s26+$0xCD80]  }
0x230: {  	v54 =	vld [tilespmem:s26+$0xCD90];
	v46 =	vperm.xlane v17, v14  }
0x231: {  	v45 =	vld [tilespmem:s26+$0xCDA0]  }
0x232: {  	v47 =	vld [tilespmem:s26+$0xCDB0];
	(erf) = vrcp.f32 v46  }
0x233: {  	v48 =	vld [tilespmem:s26+$0xCDC0]  }
0x234: {  	v55 =	vld [tilespmem:s26+$0xCDD0];
	v50 =	vperm.xlane v17, v15  }
0x235: {  	v49 =	vld [tilespmem:s26+$0xCDE0]  }
0x236: {  	v51 =	vld [tilespmem:s26+$0xCDF0];
	(erf) = vrcp.f32 v50;
	v33 =	vadd.f32 v40, v33  }
0x237: {  	v56 =	vld [tilespmem:s26+$0xCE00];
	v17 =	vperm.xlane v17, v16;
	v32 =	vadd.f32 v41, v32;
	v58 =	vpop (erf)  }
0x238: {  	v57 =	vld [tilespmem:s26+$0xCE10];
	v31 =	vadd.f32 v43, v31;
	v33 =	vmul.f32 v58, v33  }
0x239: {  	v59 =	vld [tilespmem:s26+$0xCE20];
	v30 =	vadd.f32 v44, v30;
	v32 =	vmul.f32 v58, v32  }
0x23a: {  	v60 =	vld [tilespmem:s26+$0xCE30];
	v29 =	vadd.f32 v54, v29;
	(erf) = vrcp.f32 v17;
	v31 =	vmul.f32 v58, v31;
	[tilespmem:$0x19D40] =	vst v33  }
0x23b: {  	v28 =	vadd.f32 v45, v28;
	v17 =	vpop (erf);
	v30 =	vmul.f32 v58, v30;
	[tilespmem:$0x19D50] =	vst v32  }
0x23c: {  	v27 =	vadd.f32 v47, v27;
	v29 =	vmul.f32 v17, v29;
	[tilespmem:$0x19D60] =	vst v31  }
0x23d: {  	v26 =	vadd.f32 v48, v26;
	v28 =	vmul.f32 v17, v28;
	[tilespmem:$0x19D70] =	vst v30  }
0x23e: {  	v19 =	vadd.f32 v38, v19;
	v25 =	vadd.f32 v55, v25;
	v27 =	vmul.f32 v17, v27;
	[tilespmem:$0x19D80] =	vst v29  }
0x23f: {  	v23 =	vadd.f32 v37, v23;
	v22 =	vadd.f32 v49, v22;
	v61 =	vpop (erf);
	v17 =	vmul.f32 v17, v26;
	[tilespmem:$0x19D90] =	vst v28  }
0x240: {  	v24 =	vadd.f32 v36, v24;
	v19 =	vadd.f32 v51, v19;
	v25 =	vmul.f32 v61, v25;
	[tilespmem:$0x19DA0] =	vst v27  }
0x241: {  	v21 =	vadd.f32 v34, v21;
	v23 =	vadd.f32 v56, v23;
	[tilespmem:$0x19DB0] =	vst v17;
	v17 =	vmul.f32 v61, v22  }
0x242: {  	v20 =	vadd.f32 v35, v20;
	v62 =	vadd.f32 v57, v24;
	v19 =	vmul.f32 v61, v19;
	[tilespmem:$0x19DC0] =	vst v25  }
0x243: {  	v21 =	vadd.f32 v59, v21;
	[tilespmem:$0x19DD0] =	vst v17;
	v17 =	vmul.f32 v61, v23;
	v63 =	vpop (erf)  }
0x244: {  	s24 =	sadd.s32 $0x1, s24;
	v20 =	vadd.f32 v60, v20;
	[tilespmem:$0x19DE0] =	vst v19;
	v19 =	vmul.f32 v63, v62  }
0x245: {  	p0 =	sne.s32 s24, $0x10;
	v18 =	vadd.f32 v39, v18;
	[tilespmem:$0x19DF0] =	vst v17;
	v17 =	vmul.f32 v63, v21  }
.Ltmp10:
0x246: {  	[tilespmem:$0x19E00] =	vst v19;
	v19 =	vmul.f32 v63, v20;
	(pc) =	sbr.rel @p0 .LBB2_2-.Ltmp10, $4  }
0x247: {  	[tilespmem:$0x19E10] =	vst v17;
	v17 =	vmul.f32 v63, v18  }
0x248: {  	[tilespmem:$0x19E20] =	vst v19  }
0x249: {  	s25 =	sadd.s32 s11, s25;
	[tilespmem:$0x19E30] =	vst v17  }
0x24a: {  	[hbm4b:s25+s2] =	stream.linear.scatter [tilespmem:s20], [sflag:$0x6], $0x400, $0x38;
	[tilespmem:$0x19E40] =	vst v63  }
0x24b: {  	_ =	swait.ge [sflag:s15], $0x320  }
0x24c: {  	[sflag:s15] =	ssyncset.done $0x0  }
0x24d: {  	s23 =	sadd.s32 $0x1, s23;
	[sflag:s15] =	ssyncadd.s32 $0xFFFFFCE0  }
0x24e: {  	p0 =	sne.s32 s23, s10;
	_ =	swait.ge [sflag:s21], $0x400  }
.Ltmp11:
0x24f: {  	[sflag:s21] =	ssyncset.done $0x0;
	(pc) =	sbr.rel @p0 .LBB2_1-.Ltmp11, $4  }
0x250: {  	[sflag:s21] =	ssyncadd.s32 $0xFFFFFC00  }
0x251: {  	_ =	swait.ge [sflag:s22], $0x400  }
0x252: {  	[sflag:s22] =	ssyncset.done $0x0  }
0x253: {  	[sflag:s22] =	ssyncadd.s32 $0xFFFFFC00  }
0x254: {  	_ =	sfence.sel $0x180000  }
0x255: {  	[bflag:$0x0] =	sbarrier.arrive $0xFFFF  }
0x256: {  	p0 =	sne.s32 s1, $0x0;
	_ =	strace $0x90000047  }
0x257: {  	s0 =	sadd.s32 @!p0 $0x100000, s0;
	[bflag:$0x2] =	sbarrier.arrive $0xFFFF  }
0x258: {  	[sflag:s0] =	ssyncadd.tile.s32 @!p0 $0x1;
	_ =	shalt  }
.Lfunc_end2:
_tile_overlayer_lowered:
.L_overlay_start_2:
0x259: {  	(tag) =	ssettag $0x2  }
0x25a: {  	s0 =	rddreg [dreg:$0x0];
	s2 =	stileid.u32  }
0x25b: {  	s1 =	rddreg [dreg:$0x1];
	p0 =	sne.s32 s2, $0x0  }
0x25c: {  	s3 =	rddreg [dreg:$0x2];
	[bflag:$0x3] =	sbarrier.arrive $0xFFFF;
	s2 =	simm.s32 @!p0 $0x1C07  }
0x25d: {  	[timem:s3], [sflag:s2] =	dma.local @!p0 [hbm:s0], s1  }
0x25e: {  	s0 =	simm.s32 @!p0 $0x7  }
0x25f: {  	_ =	swait.ge @!p0 [sflag:s0], s1  }
0x260: {  	s1 =	ssub.s32 @!p0 $0x0, s1;
	[sflag:s0] =	ssyncset.done @!p0 $0x0  }
0x261: {  	[sflag:s0] =	ssyncadd.s32 @!p0 s1  }
0x262: {  	[bflag:$0x3] =	sbarrier.arrive $0xFFFF  }
0x263: {  	_ =	shalt  }

</sc_bundles>
